<compile_context>
chip_gen: v7x
topology: tpu7x:2x2x1
jax: 0.10.2.dev20260603
libtpu: 0.0.44.dev20260713+nightly
codegen_flags: <defaults>
</compile_context>

<pallas_src>
import jax
import jax.numpy as jnp
from jax import lax
from jax.experimental import pallas as pl
from jax.experimental.pallas import tpu as pltpu
from jax.experimental.pallas import tpu_sc as plsc

N = 10000
D = 128
E = 320000
NC = 2
NS = 16
L = 16
NW = NC * NS
CHUNK = 128
CHUNKS_TOTAL = E // CHUNK
CHUNKS_PER_TILE = 80
EPAD = CHUNKS_PER_TILE * NW * CHUNK
NPAD = 10112
ROWS_PER_TILE = NPAD // NS
STAGE = 16
N_STAGES = CHUNKS_PER_TILE // STAGE



def _prep_body(x_ref, w_ref, b_ref, a_ref, ab_ref, h_ref, s_ref):
    h = jnp.dot(x_ref[...], w_ref[...], preferred_element_type=jnp.float32)
    h = jnp.maximum(h + b_ref[...], 0.0)
    h_ref[...] = h
    s_ref[...] = jnp.dot(h, a_ref[...], preferred_element_type=jnp.float32) + ab_ref[...]


def _combine_body(h_ref, ps_ref, eps_ref, a_ref, ab_ref, hn_ref, s_ref):
    eps = eps_ref[0, 0]
    tot = ps_ref[0, :N] + ps_ref[1, :N]
    h = jnp.maximum(eps * h_ref[...] + (1.0 - eps) * tot, 0.0)
    hn_ref[...] = h
    s_ref[...] = jnp.dot(h, a_ref[...], preferred_element_type=jnp.float32) + ab_ref[...]


def _final_body(h_ref, ps_ref, eps_ref, w_ref, b_ref, o_ref):
    eps = eps_ref[0, 0]
    tot = ps_ref[0, :N] + ps_ref[1, :N]
    h = jnp.maximum(eps * h_ref[...] + (1.0 - eps) * tot, 0.0)
    o_ref[...] = jnp.dot(h, w_ref[...], preferred_element_type=jnp.float32) + b_ref[...]



def _edge_body(h_hbm, s_hbm, row_hbm, col_hbm, out_hbm,
               accum, s_v, row_v, col_v, alpha_v, msg_v, sem):
    c = lax.axis_index("c")
    sid = lax.axis_index("s")
    t = c * NS + sid

    pltpu.sync_copy(s_hbm, s_v)

    zeros16 = jnp.zeros((L,), jnp.float32)

    def _zero_row(i, carry):
        for d in range(D // L):
            msg_v[i, pl.ds(d * L, L)] = zeros16
        return carry

    lax.fori_loop(0, CHUNK, _zero_row, 0)
    for off, n in ((0, 128), (128, 128), (256, 128), (384, 128), (512, 120)):
        pltpu.sync_copy(msg_v.at[pl.ds(0, n)],
                        accum.at[pl.ds(sid * ROWS_PER_TILE + off, n)])
    plsc.subcore_barrier()

    def _stage(st, carry):
        base = t * CHUNKS_PER_TILE + st * STAGE
        pltpu.sync_copy(row_hbm.at[pl.ds(base, STAGE)], row_v)
        pltpu.sync_copy(col_hbm.at[pl.ds(base, STAGE)], col_v)

        def _chunk(j, carry1):
            g = base + j

            @pl.when(g < CHUNKS_TOTAL)
            def _():
                pltpu.async_copy(h_hbm.at[row_v.at[j]], msg_v, sem).wait()
                @plsc.parallel_loop(0, CHUNK // L, unroll=4)
                def _alpha(i):
                    ridx = row_v[j, pl.ds(i * L, L)]
                    cidx = col_v[j, pl.ds(i * L, L)]
                    sv1 = plsc.load_gather(s_v, [ridx * 2])
                    sv2 = plsc.load_gather(s_v, [cidx * 2 + 1])
                    z = sv1 + sv2
                    ex = jnp.exp(-2.0 * jnp.abs(z))
                    th = (1.0 - ex) / (1.0 + ex)
                    alpha_v[pl.ds(i * L, L)] = jnp.where(z < 0.0, -th, th)

                @plsc.parallel_loop(0, CHUNK, unroll=8)
                def _scale(e_i):
                    bc = plsc.load_gather(alpha_v, [jnp.full((L,), e_i, jnp.int32)])
                    for d in range(D // L):
                        msg_v[e_i, pl.ds(d * L, L)] = msg_v[e_i, pl.ds(d * L, L)] * bc

                pltpu.sync_copy(msg_v, accum.at[col_v.at[j]], add=True)

            return carry1

        lax.fori_loop(0, STAGE, _chunk, 0)
        return carry

    lax.fori_loop(0, N_STAGES, _stage, 0)
    plsc.subcore_barrier()

    for off, n in ((0, 128), (128, 128), (256, 128), (384, 128), (512, 120)):
        pltpu.sync_copy(accum.at[pl.ds(sid * ROWS_PER_TILE + off, n)],
                        out_hbm.at[c, pl.ds(sid * ROWS_PER_TILE + off, n)])


_edge_call = pl.kernel(
    _edge_body,
    out_type=jax.ShapeDtypeStruct((NC, NPAD, D), jnp.float32),
    mesh=plsc.VectorSubcoreMesh(core_axis_name="c", subcore_axis_name="s"),
    compiler_params=pltpu.CompilerParams(needs_layout_passes=False),
    scratch_types=[
        pltpu.VMEM_SHARED((NPAD, D), jnp.float32),
        pltpu.VMEM((N * 2,), jnp.float32),
        pltpu.VMEM((STAGE, CHUNK), jnp.int32),
        pltpu.VMEM((STAGE, CHUNK), jnp.int32),
        pltpu.VMEM((CHUNK,), jnp.float32),
        pltpu.VMEM((CHUNK, D), jnp.float32),
        pltpu.SemaphoreType.DMA,
    ],
)


_prep_call = pl.pallas_call(
    _prep_body,
    out_shape=(jax.ShapeDtypeStruct((N, D), jnp.float32),
               jax.ShapeDtypeStruct((N, 2), jnp.float32)),
)

_combine_call = pl.pallas_call(
    _combine_body,
    out_shape=(jax.ShapeDtypeStruct((N, D), jnp.float32),
               jax.ShapeDtypeStruct((N, 2), jnp.float32)),
)


def _final_call(h, ps, eps, w, b):
    return pl.pallas_call(
        _final_body,
        out_shape=jax.ShapeDtypeStruct((N, w.shape[1]), jnp.float32),
    )(h, ps, eps, w, b)



@jax.jit
def kernel(x, edge_index, W0, b0, attW1, attb1, eps1, attW2, attb2, eps2, Wc, bc):
    row = edge_index[0]
    col = edge_index[1]
    pad = EPAD - E
    rowp = jnp.concatenate([row, jnp.zeros((pad,), row.dtype)]).reshape(-1, CHUNK)
    colp = jnp.concatenate([col, jnp.zeros((pad,), col.dtype)]).reshape(-1, CHUNK)

    A1 = attW1.reshape(2, D).T
    bA1 = jnp.concatenate([attb1, jnp.zeros((1,), jnp.float32)]).reshape(1, 2)
    A2 = attW2.reshape(2, D).T
    bA2 = jnp.concatenate([attb2, jnp.zeros((1,), jnp.float32)]).reshape(1, 2)

    h0, s12a = _prep_call(x, W0.T, b0.reshape(1, D), A1, bA1)
    ps1 = _edge_call(h0, s12a.reshape(-1), rowp, colp)
    h1, s12b = _combine_call(h0, ps1, eps1.reshape(1, 1), A2, bA2)
    ps2 = _edge_call(h1, s12b.reshape(-1), rowp, colp)
    return _final_call(h1, ps2, eps2.reshape(1, 1), Wc.T, bc.reshape(1, -1))

# --- scband reference (transcript-rebuilt; emitter-appended) ---
"""Pipeline reference for scband-fagcn-68143951118602 (READ-ONLY COPY).

The authoritative reference and input builder live on the scoring server;
editing this copy changes nothing except your own understanding.
"""

import jax, jax.numpy as jnp
import numpy as np

N_NODES = 10000
N_EDGES = 320000
IN_DIM = 128
HIDDEN = 128
OUT_DIM = 64


def setup_inputs(seed: int = 0) -> dict:
    key = jax.random.key(seed)
    ks = jax.random.split(key, 12)
    x = jax.random.normal(ks[0], (N_NODES, IN_DIM), dtype=jnp.float32)
    edge_index = jax.random.randint(ks[1], (2, N_EDGES), 0, N_NODES, dtype=jnp.int64 if jax.config.jax_enable_x64 else jnp.int32).astype(jnp.int32)
    s0 = 1.0 / np.sqrt(IN_DIM)
    W0 = jax.random.uniform(ks[2], (HIDDEN, IN_DIM), minval=-s0, maxval=s0, dtype=jnp.float32)
    b0 = jax.random.uniform(ks[3], (HIDDEN,), minval=-s0, maxval=s0, dtype=jnp.float32)
    sa = 1.0 / np.sqrt(HIDDEN * 2)
    attW1 = jax.random.uniform(ks[4], (1, HIDDEN * 2), minval=-sa, maxval=sa, dtype=jnp.float32)
    attb1 = jax.random.uniform(ks[5], (1,), minval=-sa, maxval=sa, dtype=jnp.float32)
    eps1 = jnp.asarray(0.1, dtype=jnp.float32)
    attW2 = jax.random.uniform(ks[6], (1, HIDDEN * 2), minval=-sa, maxval=sa, dtype=jnp.float32)
    attb2 = jax.random.uniform(ks[7], (1,), minval=-sa, maxval=sa, dtype=jnp.float32)
    eps2 = jnp.asarray(0.1, dtype=jnp.float32)
    sc = 1.0 / np.sqrt(HIDDEN)
    Wc = jax.random.uniform(ks[8], (OUT_DIM, HIDDEN), minval=-sc, maxval=sc, dtype=jnp.float32)
    bc = jax.random.uniform(ks[9], (OUT_DIM,), minval=-sc, maxval=sc, dtype=jnp.float32)
    return {"x": x, "edge_index": edge_index, "W0": W0, "b0": b0,
            "attW1": attW1, "attb1": attb1, "eps1": eps1,
            "attW2": attW2, "attb2": attb2, "eps2": eps2,
            "Wc": Wc, "bc": bc}


def _fagcn_layer(x, edge_index, attW, attb, eps):
    row = edge_index[0]
    col = edge_index[1]
    x_i = jnp.take(x, row, axis=0)
    x_j = jnp.take(x, col, axis=0)
    edge_feat = jnp.concatenate([x_i, x_j], axis=-1)
    alpha = jnp.tanh(edge_feat @ attW.T + attb).squeeze(-1)
    messages = alpha[:, None] * x_i
    out = jnp.zeros_like(x).at[col].add(messages)
    return eps * x + (1.0 - eps) * out


def reference(x, edge_index, W0, b0, attW1, attb1, eps1, attW2, attb2, eps2, Wc, bc):
    # eval mode: dropout is identity
    h = jax.nn.relu(x @ W0.T + b0)
    h = _fagcn_layer(h, edge_index, attW1, attb1, eps1)
    h = jax.nn.relu(h)
    h = _fagcn_layer(h, edge_index, attW2, attb2, eps2)
    h = jax.nn.relu(h)
    return h @ Wc.T + bc

if __name__ == "__main__":
    import jax
    _d = setup_inputs()
    print(jax.jit(kernel)(*tuple(_d.values())))

</pallas_src>

<mosaic_0001>
#map = affine_map<(d0, d1) -> (0, 0)>
#map1 = affine_map<(d0, d1) -> (0)>
#map2 = affine_map<(d0, d1) -> (0, 0, 0)>
module attributes {stable_mosaic.version = 14 : i64} {
  func.func @_edge_body(%arg0: i32, %arg1: i32, %arg2: memref<10000x128xf32, #tpu.memory_space<hbm>>, %arg3: memref<20000xf32, #tpu.memory_space<hbm>>, %arg4: memref<2560x128xi32, #tpu.memory_space<hbm>>, %arg5: memref<2560x128xi32, #tpu.memory_space<hbm>>, %arg6: memref<2x10112x128xf32, #tpu.memory_space<hbm>>, %arg7: memref<10112x128xf32, #tpu.memory_space<vmem_shared>>, %arg8: memref<20000xf32, #tpu.memory_space<vmem>>, %arg9: memref<16x128xi32, #tpu.memory_space<vmem>>, %arg10: memref<16x128xi32, #tpu.memory_space<vmem>>, %arg11: memref<128xf32, #tpu.memory_space<vmem>>, %arg12: memref<128x128xf32, #tpu.memory_space<vmem>>, %arg13: memref<!tpu.dma_semaphore, #tpu.memory_space<semaphore_mem>>) attributes {dimension_semantics = [#tpu.dimension_semantics<core_parallel>, #tpu.dimension_semantics<subcore_parallel>], iteration_bounds = array<i64: 2, 16>, scalar_prefetch = 0 : i64, scratch_operands = 7 : i64, tpu.core_type = #tpu.core_type<sc_vector_subcore>, window_params = [{transform_indices = #map}, {transform_indices = #map1}, {transform_indices = #map}, {transform_indices = #map}, {transform_indices = #map2}]} {
    %mul3A = arith.constant 16 : i32
    %mul3A_0 = arith.muli %arg0, %mul3A : i32
    %add3A = arith.addi %mul3A_0, %arg1 : i32
    "tpu.region"() ({
      %run_scoped3A = tpu.sem_alloc : memref<!tpu.dma_semaphore, #tpu.memory_space<semaphore_mem>>
      tpu.enqueue_dma source(%arg3 : memref<20000xf32, #tpu.memory_space<hbm>>) target(%arg8 : memref<20000xf32, #tpu.memory_space<vmem>>) target_semaphore(%run_scoped3A : memref<!tpu.dma_semaphore, #tpu.memory_space<semaphore_mem>>)
      tpu.wait_dma2 semaphore(%run_scoped3A : memref<!tpu.dma_semaphore, #tpu.memory_space<semaphore_mem>>) src(%arg3 : memref<20000xf32, #tpu.memory_space<hbm>>) dst(%arg8 : memref<20000xf32, #tpu.memory_space<vmem>>)
      tpu.yield
    }) : () -> ()
    %broadcast_in_dim3A = arith.constant 0.000000e+00 : f32
    %broadcast_in_dim3A_1 = vector.broadcast %broadcast_in_dim3A : f32 to vector<16xf32>
    %scan3A = arith.constant 0 : i32
    %scan3A_2 = arith.constant 0 : i32
    %scan3A_3 = arith.constant 128 : i32
    %scan3A_4 = arith.addi %scan3A_2, %scan3A_3 : i32
    %scan3A_5 = arith.constant 1 : i32
    scf.for %scan3A_74 = %scan3A_2 to %scan3A_4 step %scan3A_5  : i32 {
      %swap3A = arith.index_cast %scan3A_74 : i32 to index
      %swap3A_75 = arith.constant 0 : index
      %swap3A_76 = tpu.vector_load %arg12[%swap3A, %swap3A_75] {strides = array<i32>} : memref<128x128xf32, #tpu.memory_space<vmem>>, vector<16xf32>,
      tpu.vector_store %arg12[%swap3A, %swap3A_75], %broadcast_in_dim3A_1 {strides = array<i32>} : memref<128x128xf32, #tpu.memory_space<vmem>>, vector<16xf32>,
      %swap3A_77 = arith.index_cast %scan3A_74 : i32 to index
      %swap3A_78 = arith.constant 16 : index
      %swap3A_79 = tpu.vector_load %arg12[%swap3A_77, %swap3A_78] {strides = array<i32>} : memref<128x128xf32, #tpu.memory_space<vmem>>, vector<16xf32>,
      tpu.vector_store %arg12[%swap3A_77, %swap3A_78], %broadcast_in_dim3A_1 {strides = array<i32>} : memref<128x128xf32, #tpu.memory_space<vmem>>, vector<16xf32>,
      %swap3A_80 = arith.index_cast %scan3A_74 : i32 to index
      %swap3A_81 = arith.constant 32 : index
      %swap3A_82 = tpu.vector_load %arg12[%swap3A_80, %swap3A_81] {strides = array<i32>} : memref<128x128xf32, #tpu.memory_space<vmem>>, vector<16xf32>,
      tpu.vector_store %arg12[%swap3A_80, %swap3A_81], %broadcast_in_dim3A_1 {strides = array<i32>} : memref<128x128xf32, #tpu.memory_space<vmem>>, vector<16xf32>,
      %swap3A_83 = arith.index_cast %scan3A_74 : i32 to index
      %swap3A_84 = arith.constant 48 : index
      %swap3A_85 = tpu.vector_load %arg12[%swap3A_83, %swap3A_84] {strides = array<i32>} : memref<128x128xf32, #tpu.memory_space<vmem>>, vector<16xf32>,
      tpu.vector_store %arg12[%swap3A_83, %swap3A_84], %broadcast_in_dim3A_1 {strides = array<i32>} : memref<128x128xf32, #tpu.memory_space<vmem>>, vector<16xf32>,
      %swap3A_86 = arith.index_cast %scan3A_74 : i32 to index
      %swap3A_87 = arith.constant 64 : index
      %swap3A_88 = tpu.vector_load %arg12[%swap3A_86, %swap3A_87] {strides = array<i32>} : memref<128x128xf32, #tpu.memory_space<vmem>>, vector<16xf32>,
      tpu.vector_store %arg12[%swap3A_86, %swap3A_87], %broadcast_in_dim3A_1 {strides = array<i32>} : memref<128x128xf32, #tpu.memory_space<vmem>>, vector<16xf32>,
      %swap3A_89 = arith.index_cast %scan3A_74 : i32 to index
      %swap3A_90 = arith.constant 80 : index
      %swap3A_91 = tpu.vector_load %arg12[%swap3A_89, %swap3A_90] {strides = array<i32>} : memref<128x128xf32, #tpu.memory_space<vmem>>, vector<16xf32>,
      tpu.vector_store %arg12[%swap3A_89, %swap3A_90], %broadcast_in_dim3A_1 {strides = array<i32>} : memref<128x128xf32, #tpu.memory_space<vmem>>, vector<16xf32>,
      %swap3A_92 = arith.index_cast %scan3A_74 : i32 to index
      %swap3A_93 = arith.constant 96 : index
      %swap3A_94 = tpu.vector_load %arg12[%swap3A_92, %swap3A_93] {strides = array<i32>} : memref<128x128xf32, #tpu.memory_space<vmem>>, vector<16xf32>,
      tpu.vector_store %arg12[%swap3A_92, %swap3A_93], %broadcast_in_dim3A_1 {strides = array<i32>} : memref<128x128xf32, #tpu.memory_space<vmem>>, vector<16xf32>,
      %swap3A_95 = arith.index_cast %scan3A_74 : i32 to index
      %swap3A_96 = arith.constant 112 : index
      %swap3A_97 = tpu.vector_load %arg12[%swap3A_95, %swap3A_96] {strides = array<i32>} : memref<128x128xf32, #tpu.memory_space<vmem>>, vector<16xf32>,
      tpu.vector_store %arg12[%swap3A_95, %swap3A_96], %broadcast_in_dim3A_1 {strides = array<i32>} : memref<128x128xf32, #tpu.memory_space<vmem>>, vector<16xf32>,
    }
    %scan3A_6 = arith.constant 128 : i32
    %mul3A_7 = arith.constant 632 : i32
    %mul3A_8 = arith.muli %arg1, %mul3A_7 : i32
    %add3A_9 = arith.constant 0 : i32
    %add3A_10 = arith.addi %mul3A_8, %add3A_9 : i32
    "tpu.region"() ({
      %run_scoped3A = tpu.sem_alloc : memref<!tpu.dma_semaphore, #tpu.memory_space<semaphore_mem>>
      %dma_start3A = arith.constant 0 : i32
      %dma_start3A_74 = arith.constant 0 : i32
      %dma_start3A_75 = tpu.memref_slice %arg12[%dma_start3A, %dma_start3A_74] : memref<128x128xf32, #tpu.memory_space<vmem>> -> memref<128x128xf32, #tpu.memory_space<vmem>>
      %dma_start3A_76 = arith.constant 0 : i32
      %dma_start3A_77 = tpu.memref_slice %arg7[%add3A_10, %dma_start3A_76] : memref<10112x128xf32, #tpu.memory_space<vmem_shared>> -> memref<128x128xf32, #tpu.memory_space<vmem_shared>>
      %dma_start3A_78 = arith.constant 0 : i32
      %dma_start3A_79 = tpu.memref_slice %arg7[%add3A_10, %dma_start3A_78] : memref<10112x128xf32, #tpu.memory_space<vmem_shared>> -> memref<128x128xf32, #tpu.memory_space<vmem_shared>>
      %dma_start3A_80 = arith.constant 0 : i32
      %dma_start3A_81 = arith.constant 0 : i32
      %dma_start3A_82 = tpu.memref_slice %arg12[%dma_start3A_80, %dma_start3A_81] : memref<128x128xf32, #tpu.memory_space<vmem>> -> memref<128x128xf32, #tpu.memory_space<vmem>>
      tpu.enqueue_dma source(%dma_start3A_82 : memref<128x128xf32, #tpu.memory_space<vmem>>) target(%dma_start3A_79 : memref<128x128xf32, #tpu.memory_space<vmem_shared>>) target_semaphore(%run_scoped3A : memref<!tpu.dma_semaphore, #tpu.memory_space<semaphore_mem>>)
      %dma_wait3A = arith.constant 0 : i32
      %dma_wait3A_83 = arith.constant 0 : i32
      %dma_wait3A_84 = tpu.memref_slice %arg12[%dma_wait3A, %dma_wait3A_83] : memref<128x128xf32, #tpu.memory_space<vmem>> -> memref<128x128xf32, #tpu.memory_space<vmem>>
      %dma_wait3A_85 = arith.constant 0 : i32
      %dma_wait3A_86 = tpu.memref_slice %arg7[%add3A_10, %dma_wait3A_85] : memref<10112x128xf32, #tpu.memory_space<vmem_shared>> -> memref<128x128xf32, #tpu.memory_space<vmem_shared>>
      %dma_wait3A_87 = arith.constant 0 : i32
      %dma_wait3A_88 = tpu.memref_slice %arg7[%add3A_10, %dma_wait3A_87] : memref<10112x128xf32, #tpu.memory_space<vmem_shared>> -> memref<128x128xf32, #tpu.memory_space<vmem_shared>>
      %dma_wait3A_89 = arith.constant 0 : i32
      %dma_wait3A_90 = arith.constant 0 : i32
      %dma_wait3A_91 = tpu.memref_slice %arg12[%dma_wait3A_89, %dma_wait3A_90] : memref<128x128xf32, #tpu.memory_space<vmem>> -> memref<128x128xf32, #tpu.memory_space<vmem>>
      tpu.wait_dma2 semaphore(%run_scoped3A : memref<!tpu.dma_semaphore, #tpu.memory_space<semaphore_mem>>) src(%dma_wait3A_91 : memref<128x128xf32, #tpu.memory_space<vmem>>) dst(%dma_wait3A_88 : memref<128x128xf32, #tpu.memory_space<vmem_shared>>)
      tpu.yield
    }) : () -> ()
    %mul3A_11 = arith.constant 632 : i32
    %mul3A_12 = arith.muli %arg1, %mul3A_11 : i32
    %add3A_13 = arith.constant 128 : i32
    %add3A_14 = arith.addi %mul3A_12, %add3A_13 : i32
    "tpu.region"() ({
      %run_scoped3A = tpu.sem_alloc : memref<!tpu.dma_semaphore, #tpu.memory_space<semaphore_mem>>
      %dma_start3A = arith.constant 0 : i32
      %dma_start3A_74 = arith.constant 0 : i32
      %dma_start3A_75 = tpu.memref_slice %arg12[%dma_start3A, %dma_start3A_74] : memref<128x128xf32, #tpu.memory_space<vmem>> -> memref<128x128xf32, #tpu.memory_space<vmem>>
      %dma_start3A_76 = arith.constant 0 : i32
      %dma_start3A_77 = tpu.memref_slice %arg7[%add3A_14, %dma_start3A_76] : memref<10112x128xf32, #tpu.memory_space<vmem_shared>> -> memref<128x128xf32, #tpu.memory_space<vmem_shared>>
      %dma_start3A_78 = arith.constant 0 : i32
      %dma_start3A_79 = tpu.memref_slice %arg7[%add3A_14, %dma_start3A_78] : memref<10112x128xf32, #tpu.memory_space<vmem_shared>> -> memref<128x128xf32, #tpu.memory_space<vmem_shared>>
      %dma_start3A_80 = arith.constant 0 : i32
      %dma_start3A_81 = arith.constant 0 : i32
      %dma_start3A_82 = tpu.memref_slice %arg12[%dma_start3A_80, %dma_start3A_81] : memref<128x128xf32, #tpu.memory_space<vmem>> -> memref<128x128xf32, #tpu.memory_space<vmem>>
      tpu.enqueue_dma source(%dma_start3A_82 : memref<128x128xf32, #tpu.memory_space<vmem>>) target(%dma_start3A_79 : memref<128x128xf32, #tpu.memory_space<vmem_shared>>) target_semaphore(%run_scoped3A : memref<!tpu.dma_semaphore, #tpu.memory_space<semaphore_mem>>)
      %dma_wait3A = arith.constant 0 : i32
      %dma_wait3A_83 = arith.constant 0 : i32
      %dma_wait3A_84 = tpu.memref_slice %arg12[%dma_wait3A, %dma_wait3A_83] : memref<128x128xf32, #tpu.memory_space<vmem>> -> memref<128x128xf32, #tpu.memory_space<vmem>>
      %dma_wait3A_85 = arith.constant 0 : i32
      %dma_wait3A_86 = tpu.memref_slice %arg7[%add3A_14, %dma_wait3A_85] : memref<10112x128xf32, #tpu.memory_space<vmem_shared>> -> memref<128x128xf32, #tpu.memory_space<vmem_shared>>
      %dma_wait3A_87 = arith.constant 0 : i32
      %dma_wait3A_88 = tpu.memref_slice %arg7[%add3A_14, %dma_wait3A_87] : memref<10112x128xf32, #tpu.memory_space<vmem_shared>> -> memref<128x128xf32, #tpu.memory_space<vmem_shared>>
      %dma_wait3A_89 = arith.constant 0 : i32
      %dma_wait3A_90 = arith.constant 0 : i32
      %dma_wait3A_91 = tpu.memref_slice %arg12[%dma_wait3A_89, %dma_wait3A_90] : memref<128x128xf32, #tpu.memory_space<vmem>> -> memref<128x128xf32, #tpu.memory_space<vmem>>
      tpu.wait_dma2 semaphore(%run_scoped3A : memref<!tpu.dma_semaphore, #tpu.memory_space<semaphore_mem>>) src(%dma_wait3A_91 : memref<128x128xf32, #tpu.memory_space<vmem>>) dst(%dma_wait3A_88 : memref<128x128xf32, #tpu.memory_space<vmem_shared>>)
      tpu.yield
    }) : () -> ()
    %mul3A_15 = arith.constant 632 : i32
    %mul3A_16 = arith.muli %arg1, %mul3A_15 : i32
    %add3A_17 = arith.constant 256 : i32
    %add3A_18 = arith.addi %mul3A_16, %add3A_17 : i32
    "tpu.region"() ({
      %run_scoped3A = tpu.sem_alloc : memref<!tpu.dma_semaphore, #tpu.memory_space<semaphore_mem>>
      %dma_start3A = arith.constant 0 : i32
      %dma_start3A_74 = arith.constant 0 : i32
      %dma_start3A_75 = tpu.memref_slice %arg12[%dma_start3A, %dma_start3A_74] : memref<128x128xf32, #tpu.memory_space<vmem>> -> memref<128x128xf32, #tpu.memory_space<vmem>>
      %dma_start3A_76 = arith.constant 0 : i32
      %dma_start3A_77 = tpu.memref_slice %arg7[%add3A_18, %dma_start3A_76] : memref<10112x128xf32, #tpu.memory_space<vmem_shared>> -> memref<128x128xf32, #tpu.memory_space<vmem_shared>>
      %dma_start3A_78 = arith.constant 0 : i32
      %dma_start3A_79 = tpu.memref_slice %arg7[%add3A_18, %dma_start3A_78] : memref<10112x128xf32, #tpu.memory_space<vmem_shared>> -> memref<128x128xf32, #tpu.memory_space<vmem_shared>>
      %dma_start3A_80 = arith.constant 0 : i32
      %dma_start3A_81 = arith.constant 0 : i32
      %dma_start3A_82 = tpu.memref_slice %arg12[%dma_start3A_80, %dma_start3A_81] : memref<128x128xf32, #tpu.memory_space<vmem>> -> memref<128x128xf32, #tpu.memory_space<vmem>>
      tpu.enqueue_dma source(%dma_start3A_82 : memref<128x128xf32, #tpu.memory_space<vmem>>) target(%dma_start3A_79 : memref<128x128xf32, #tpu.memory_space<vmem_shared>>) target_semaphore(%run_scoped3A : memref<!tpu.dma_semaphore, #tpu.memory_space<semaphore_mem>>)
      %dma_wait3A = arith.constant 0 : i32
      %dma_wait3A_83 = arith.constant 0 : i32
      %dma_wait3A_84 = tpu.memref_slice %arg12[%dma_wait3A, %dma_wait3A_83] : memref<128x128xf32, #tpu.memory_space<vmem>> -> memref<128x128xf32, #tpu.memory_space<vmem>>
      %dma_wait3A_85 = arith.constant 0 : i32
      %dma_wait3A_86 = tpu.memref_slice %arg7[%add3A_18, %dma_wait3A_85] : memref<10112x128xf32, #tpu.memory_space<vmem_shared>> -> memref<128x128xf32, #tpu.memory_space<vmem_shared>>
      %dma_wait3A_87 = arith.constant 0 : i32
      %dma_wait3A_88 = tpu.memref_slice %arg7[%add3A_18, %dma_wait3A_87] : memref<10112x128xf32, #tpu.memory_space<vmem_shared>> -> memref<128x128xf32, #tpu.memory_space<vmem_shared>>
      %dma_wait3A_89 = arith.constant 0 : i32
      %dma_wait3A_90 = arith.constant 0 : i32
      %dma_wait3A_91 = tpu.memref_slice %arg12[%dma_wait3A_89, %dma_wait3A_90] : memref<128x128xf32, #tpu.memory_space<vmem>> -> memref<128x128xf32, #tpu.memory_space<vmem>>
      tpu.wait_dma2 semaphore(%run_scoped3A : memref<!tpu.dma_semaphore, #tpu.memory_space<semaphore_mem>>) src(%dma_wait3A_91 : memref<128x128xf32, #tpu.memory_space<vmem>>) dst(%dma_wait3A_88 : memref<128x128xf32, #tpu.memory_space<vmem_shared>>)
      tpu.yield
    }) : () -> ()
    %mul3A_19 = arith.constant 632 : i32
    %mul3A_20 = arith.muli %arg1, %mul3A_19 : i32
    %add3A_21 = arith.constant 384 : i32
    %add3A_22 = arith.addi %mul3A_20, %add3A_21 : i32
    "tpu.region"() ({
      %run_scoped3A = tpu.sem_alloc : memref<!tpu.dma_semaphore, #tpu.memory_space<semaphore_mem>>
      %dma_start3A = arith.constant 0 : i32
      %dma_start3A_74 = arith.constant 0 : i32
      %dma_start3A_75 = tpu.memref_slice %arg12[%dma_start3A, %dma_start3A_74] : memref<128x128xf32, #tpu.memory_space<vmem>> -> memref<128x128xf32, #tpu.memory_space<vmem>>
      %dma_start3A_76 = arith.constant 0 : i32
      %dma_start3A_77 = tpu.memref_slice %arg7[%add3A_22, %dma_start3A_76] : memref<10112x128xf32, #tpu.memory_space<vmem_shared>> -> memref<128x128xf32, #tpu.memory_space<vmem_shared>>
      %dma_start3A_78 = arith.constant 0 : i32
      %dma_start3A_79 = tpu.memref_slice %arg7[%add3A_22, %dma_start3A_78] : memref<10112x128xf32, #tpu.memory_space<vmem_shared>> -> memref<128x128xf32, #tpu.memory_space<vmem_shared>>
      %dma_start3A_80 = arith.constant 0 : i32
      %dma_start3A_81 = arith.constant 0 : i32
      %dma_start3A_82 = tpu.memref_slice %arg12[%dma_start3A_80, %dma_start3A_81] : memref<128x128xf32, #tpu.memory_space<vmem>> -> memref<128x128xf32, #tpu.memory_space<vmem>>
      tpu.enqueue_dma source(%dma_start3A_82 : memref<128x128xf32, #tpu.memory_space<vmem>>) target(%dma_start3A_79 : memref<128x128xf32, #tpu.memory_space<vmem_shared>>) target_semaphore(%run_scoped3A : memref<!tpu.dma_semaphore, #tpu.memory_space<semaphore_mem>>)
      %dma_wait3A = arith.constant 0 : i32
      %dma_wait3A_83 = arith.constant 0 : i32
      %dma_wait3A_84 = tpu.memref_slice %arg12[%dma_wait3A, %dma_wait3A_83] : memref<128x128xf32, #tpu.memory_space<vmem>> -> memref<128x128xf32, #tpu.memory_space<vmem>>
      %dma_wait3A_85 = arith.constant 0 : i32
      %dma_wait3A_86 = tpu.memref_slice %arg7[%add3A_22, %dma_wait3A_85] : memref<10112x128xf32, #tpu.memory_space<vmem_shared>> -> memref<128x128xf32, #tpu.memory_space<vmem_shared>>
      %dma_wait3A_87 = arith.constant 0 : i32
      %dma_wait3A_88 = tpu.memref_slice %arg7[%add3A_22, %dma_wait3A_87] : memref<10112x128xf32, #tpu.memory_space<vmem_shared>> -> memref<128x128xf32, #tpu.memory_space<vmem_shared>>
      %dma_wait3A_89 = arith.constant 0 : i32
      %dma_wait3A_90 = arith.constant 0 : i32
      %dma_wait3A_91 = tpu.memref_slice %arg12[%dma_wait3A_89, %dma_wait3A_90] : memref<128x128xf32, #tpu.memory_space<vmem>> -> memref<128x128xf32, #tpu.memory_space<vmem>>
      tpu.wait_dma2 semaphore(%run_scoped3A : memref<!tpu.dma_semaphore, #tpu.memory_space<semaphore_mem>>) src(%dma_wait3A_91 : memref<128x128xf32, #tpu.memory_space<vmem>>) dst(%dma_wait3A_88 : memref<128x128xf32, #tpu.memory_space<vmem_shared>>)
      tpu.yield
    }) : () -> ()
    %mul3A_23 = arith.constant 632 : i32
    %mul3A_24 = arith.muli %arg1, %mul3A_23 : i32
    %add3A_25 = arith.constant 512 : i32
    %add3A_26 = arith.addi %mul3A_24, %add3A_25 : i32
    "tpu.region"() ({
      %run_scoped3A = tpu.sem_alloc : memref<!tpu.dma_semaphore, #tpu.memory_space<semaphore_mem>>
      %dma_start3A = arith.constant 0 : i32
      %dma_start3A_74 = arith.constant 0 : i32
      %dma_start3A_75 = tpu.memref_slice %arg12[%dma_start3A, %dma_start3A_74] : memref<128x128xf32, #tpu.memory_space<vmem>> -> memref<120x128xf32, #tpu.memory_space<vmem>>
      %dma_start3A_76 = arith.constant 0 : i32
      %dma_start3A_77 = tpu.memref_slice %arg7[%add3A_26, %dma_start3A_76] : memref<10112x128xf32, #tpu.memory_space<vmem_shared>> -> memref<120x128xf32, #tpu.memory_space<vmem_shared>>
      %dma_start3A_78 = arith.constant 0 : i32
      %dma_start3A_79 = tpu.memref_slice %arg7[%add3A_26, %dma_start3A_78] : memref<10112x128xf32, #tpu.memory_space<vmem_shared>> -> memref<120x128xf32, #tpu.memory_space<vmem_shared>>
      %dma_start3A_80 = arith.constant 0 : i32
      %dma_start3A_81 = arith.constant 0 : i32
      %dma_start3A_82 = tpu.memref_slice %arg12[%dma_start3A_80, %dma_start3A_81] : memref<128x128xf32, #tpu.memory_space<vmem>> -> memref<120x128xf32, #tpu.memory_space<vmem>>
      tpu.enqueue_dma source(%dma_start3A_82 : memref<120x128xf32, #tpu.memory_space<vmem>>) target(%dma_start3A_79 : memref<120x128xf32, #tpu.memory_space<vmem_shared>>) target_semaphore(%run_scoped3A : memref<!tpu.dma_semaphore, #tpu.memory_space<semaphore_mem>>)
      %dma_wait3A = arith.constant 0 : i32
      %dma_wait3A_83 = arith.constant 0 : i32
      %dma_wait3A_84 = tpu.memref_slice %arg12[%dma_wait3A, %dma_wait3A_83] : memref<128x128xf32, #tpu.memory_space<vmem>> -> memref<120x128xf32, #tpu.memory_space<vmem>>
      %dma_wait3A_85 = arith.constant 0 : i32
      %dma_wait3A_86 = tpu.memref_slice %arg7[%add3A_26, %dma_wait3A_85] : memref<10112x128xf32, #tpu.memory_space<vmem_shared>> -> memref<120x128xf32, #tpu.memory_space<vmem_shared>>
      %dma_wait3A_87 = arith.constant 0 : i32
      %dma_wait3A_88 = tpu.memref_slice %arg7[%add3A_26, %dma_wait3A_87] : memref<10112x128xf32, #tpu.memory_space<vmem_shared>> -> memref<120x128xf32, #tpu.memory_space<vmem_shared>>
      %dma_wait3A_89 = arith.constant 0 : i32
      %dma_wait3A_90 = arith.constant 0 : i32
      %dma_wait3A_91 = tpu.memref_slice %arg12[%dma_wait3A_89, %dma_wait3A_90] : memref<128x128xf32, #tpu.memory_space<vmem>> -> memref<120x128xf32, #tpu.memory_space<vmem>>
      tpu.wait_dma2 semaphore(%run_scoped3A : memref<!tpu.dma_semaphore, #tpu.memory_space<semaphore_mem>>) src(%dma_wait3A_91 : memref<120x128xf32, #tpu.memory_space<vmem>>) dst(%dma_wait3A_88 : memref<120x128xf32, #tpu.memory_space<vmem_shared>>)
      tpu.yield
    }) : () -> ()
    %barrier3A = arith.constant 0 : index
    tpu.barrier barrier_id(%barrier3A)
    %scan3A_27 = arith.constant 0 : i32
    %scan3A_28 = arith.constant 0 : i32
    %scan3A_29 = arith.constant 5 : i32
    %scan3A_30 = arith.addi %scan3A_28, %scan3A_29 : i32
    %scan3A_31 = arith.constant 1 : i32
    scf.for %scan3A_74 = %scan3A_28 to %scan3A_30 step %scan3A_31  : i32 {
      %mul3A_75 = arith.constant 80 : i32
      %mul3A_76 = arith.muli %add3A, %mul3A_75 : i32
      %mul3A_77 = arith.constant 16 : i32
      %mul3A_78 = arith.muli %scan3A_74, %mul3A_77 : i32
      %add3A_79 = arith.addi %mul3A_76, %mul3A_78 : i32
      "tpu.region"() ({
        %run_scoped3A = tpu.sem_alloc : memref<!tpu.dma_semaphore, #tpu.memory_space<semaphore_mem>>
        %dma_start3A = arith.constant 0 : i32
        %dma_start3A_86 = tpu.memref_slice %arg4[%add3A_79, %dma_start3A] : memref<2560x128xi32, #tpu.memory_space<hbm>> -> memref<16x128xi32, #tpu.memory_space<hbm>>
        %dma_start3A_87 = arith.constant 0 : i32
        %dma_start3A_88 = tpu.memref_slice %arg4[%add3A_79, %dma_start3A_87] : memref<2560x128xi32, #tpu.memory_space<hbm>> -> memref<16x128xi32, #tpu.memory_space<hbm>>
        tpu.enqueue_dma source(%dma_start3A_88 : memref<16x128xi32, #tpu.memory_space<hbm>>) target(%arg9 : memref<16x128xi32, #tpu.memory_space<vmem>>) target_semaphore(%run_scoped3A : memref<!tpu.dma_semaphore, #tpu.memory_space<semaphore_mem>>)
        %dma_wait3A = arith.constant 0 : i32
        %dma_wait3A_89 = tpu.memref_slice %arg4[%add3A_79, %dma_wait3A] : memref<2560x128xi32, #tpu.memory_space<hbm>> -> memref<16x128xi32, #tpu.memory_space<hbm>>
        %dma_wait3A_90 = arith.constant 0 : i32
        %dma_wait3A_91 = tpu.memref_slice %arg4[%add3A_79, %dma_wait3A_90] : memref<2560x128xi32, #tpu.memory_space<hbm>> -> memref<16x128xi32, #tpu.memory_space<hbm>>
        tpu.wait_dma2 semaphore(%run_scoped3A : memref<!tpu.dma_semaphore, #tpu.memory_space<semaphore_mem>>) src(%dma_wait3A_91 : memref<16x128xi32, #tpu.memory_space<hbm>>) dst(%arg9 : memref<16x128xi32, #tpu.memory_space<vmem>>)
        tpu.yield
      }) : () -> ()
      "tpu.region"() ({
        %run_scoped3A = tpu.sem_alloc : memref<!tpu.dma_semaphore, #tpu.memory_space<semaphore_mem>>
        %dma_start3A = arith.constant 0 : i32
        %dma_start3A_86 = tpu.memref_slice %arg5[%add3A_79, %dma_start3A] : memref<2560x128xi32, #tpu.memory_space<hbm>> -> memref<16x128xi32, #tpu.memory_space<hbm>>
        %dma_start3A_87 = arith.constant 0 : i32
        %dma_start3A_88 = tpu.memref_slice %arg5[%add3A_79, %dma_start3A_87] : memref<2560x128xi32, #tpu.memory_space<hbm>> -> memref<16x128xi32, #tpu.memory_space<hbm>>
        tpu.enqueue_dma source(%dma_start3A_88 : memref<16x128xi32, #tpu.memory_space<hbm>>) target(%arg10 : memref<16x128xi32, #tpu.memory_space<vmem>>) target_semaphore(%run_scoped3A : memref<!tpu.dma_semaphore, #tpu.memory_space<semaphore_mem>>)
        %dma_wait3A = arith.constant 0 : i32
        %dma_wait3A_89 = tpu.memref_slice %arg5[%add3A_79, %dma_wait3A] : memref<2560x128xi32, #tpu.memory_space<hbm>> -> memref<16x128xi32, #tpu.memory_space<hbm>>
        %dma_wait3A_90 = arith.constant 0 : i32
        %dma_wait3A_91 = tpu.memref_slice %arg5[%add3A_79, %dma_wait3A_90] : memref<2560x128xi32, #tpu.memory_space<hbm>> -> memref<16x128xi32, #tpu.memory_space<hbm>>
        tpu.wait_dma2 semaphore(%run_scoped3A : memref<!tpu.dma_semaphore, #tpu.memory_space<semaphore_mem>>) src(%dma_wait3A_91 : memref<16x128xi32, #tpu.memory_space<hbm>>) dst(%arg10 : memref<16x128xi32, #tpu.memory_space<vmem>>)
        tpu.yield
      }) : () -> ()
      %scan3A_80 = arith.constant 0 : i32
      %scan3A_81 = arith.constant 0 : i32
      %scan3A_82 = arith.constant 16 : i32
      %scan3A_83 = arith.addi %scan3A_81, %scan3A_82 : i32
      %scan3A_84 = arith.constant 1 : i32
      scf.for %scan3A_86 = %scan3A_81 to %scan3A_83 step %scan3A_84  : i32 {
        %add3A_87 = arith.addi %add3A_79, %scan3A_86 : i32
        %lt3A = arith.constant 2500 : i32
        %lt3A_88 = arith.cmpi slt, %add3A_87, %lt3A : i32
        %convert_element_type3A = arith.extui %lt3A_88 : i1 to i32
        %cond3A = arith.constant 0 : i32
        %cond3A_89 = arith.cmpi ne, %convert_element_type3A, %cond3A : i32
        scf.if %cond3A_89 {
          %dma_start3A = arith.constant 0 : i32
          %dma_start3A_90 = tpu.memref_slice %arg9[%scan3A_86, %dma_start3A] : memref<16x128xi32, #tpu.memory_space<vmem>> -> memref<1x128xi32, #tpu.memory_space<vmem>>
          %dma_start3A_91 = tpu.memref_squeeze %dma_start3A_90 : memref<1x128xi32, #tpu.memory_space<vmem>> -> memref<128xi32, #tpu.memory_space<vmem>>
          %dma_start3A_92 = arith.constant 0 : i32
          %dma_start3A_93 = arith.constant 0 : i32
          %dma_start3A_94 = tpu.memref_slice %arg2[%dma_start3A_92, %dma_start3A_93] : memref<10000x128xf32, #tpu.memory_space<hbm>> -> memref<10000x128xf32, #tpu.memory_space<hbm>>
          tpu.enqueue_indirect_dma source(%dma_start3A_94 : memref<10000x128xf32, #tpu.memory_space<hbm>>) target(%arg12 : memref<128x128xf32, #tpu.memory_space<vmem>>) offsets(%dma_start3A_91 : memref<128xi32, #tpu.memory_space<vmem>>) semaphore(%arg13 : memref<!tpu.dma_semaphore, #tpu.memory_space<semaphore_mem>>)
          %dma_wait3A = arith.constant 0 : i32
          %dma_wait3A_95 = tpu.memref_slice %arg9[%scan3A_86, %dma_wait3A] : memref<16x128xi32, #tpu.memory_space<vmem>> -> memref<1x128xi32, #tpu.memory_space<vmem>>
          %dma_wait3A_96 = tpu.memref_squeeze %dma_wait3A_95 : memref<1x128xi32, #tpu.memory_space<vmem>> -> memref<128xi32, #tpu.memory_space<vmem>>
          %dma_wait3A_97 = arith.constant 0 : i32
          %dma_wait3A_98 = arith.constant 0 : i32
          %dma_wait3A_99 = tpu.memref_slice %arg2[%dma_wait3A_97, %dma_wait3A_98] : memref<10000x128xf32, #tpu.memory_space<hbm>> -> memref<10000x128xf32, #tpu.memory_space<hbm>>
          tpu.wait_indirect_dma semaphore(%arg13 : memref<!tpu.dma_semaphore, #tpu.memory_space<semaphore_mem>>) src(%dma_wait3A_99 : memref<10000x128xf32, #tpu.memory_space<hbm>>) dst(%arg12 : memref<128x128xf32, #tpu.memory_space<vmem>>)
          %parallel_loop3A = arith.constant 0 : i32
          %parallel_loop3A_100 = arith.constant 8 : i32
          %parallel_loop3A_101 = arith.constant 1 : i32
          scf.for %parallel_loop3A_105 = %parallel_loop3A to %parallel_loop3A_100 step %parallel_loop3A_101  : i32 {
            %parallel_loop3A_106 = arith.constant 16 : i32
            %parallel_loop3A_107 = arith.muli %parallel_loop3A_105, %parallel_loop3A_106 : i32
            %parallel_loop3A_108 = arith.index_cast %scan3A_86 : i32 to index
            %parallel_loop3A_109 = arith.index_cast %parallel_loop3A_107 : i32 to index
            %parallel_loop3A_110 = tpu.vector_load %arg9[%parallel_loop3A_108, %parallel_loop3A_109] {strides = array<i32>} : memref<16x128xi32, #tpu.memory_space<vmem>>, vector<16xi32>,
            %parallel_loop3A_111 = arith.constant 16 : i32
            %parallel_loop3A_112 = arith.muli %parallel_loop3A_105, %parallel_loop3A_111 : i32
            %parallel_loop3A_113 = arith.index_cast %scan3A_86 : i32 to index
            %parallel_loop3A_114 = arith.index_cast %parallel_loop3A_112 : i32 to index
            %parallel_loop3A_115 = tpu.vector_load %arg10[%parallel_loop3A_113, %parallel_loop3A_114] {strides = array<i32>} : memref<16x128xi32, #tpu.memory_space<vmem>>, vector<16xi32>,
            %parallel_loop3A_116 = arith.constant 2 : i32
            %parallel_loop3A_117 = vector.broadcast %parallel_loop3A_116 : i32 to vector<16xi32>
            %parallel_loop3A_118 = arith.muli %parallel_loop3A_110, %parallel_loop3A_117 : vector<16xi32>
            %parallel_loop3A_119 = tpu.vector_load_idx %arg8[%parallel_loop3A_118] : memref<20000xf32, #tpu.memory_space<vmem>>[vector<16xi32>], vector<16xf32>,
            %parallel_loop3A_120 = arith.constant 2 : i32
            %parallel_loop3A_121 = vector.broadcast %parallel_loop3A_120 : i32 to vector<16xi32>
            %parallel_loop3A_122 = arith.muli %parallel_loop3A_115, %parallel_loop3A_121 : vector<16xi32>
            %parallel_loop3A_123 = arith.constant 1 : i32
            %parallel_loop3A_124 = vector.broadcast %parallel_loop3A_123 : i32 to vector<16xi32>
            %parallel_loop3A_125 = arith.addi %parallel_loop3A_122, %parallel_loop3A_124 : vector<16xi32>
            %parallel_loop3A_126 = tpu.vector_load_idx %arg8[%parallel_loop3A_125] : memref<20000xf32, #tpu.memory_space<vmem>>[vector<16xi32>], vector<16xf32>,
            %parallel_loop3A_127 = arith.addf %parallel_loop3A_119, %parallel_loop3A_126 : vector<16xf32>
            %parallel_loop3A_128 = math.absf %parallel_loop3A_127 : vector<16xf32>
            %parallel_loop3A_129 = arith.constant -2.000000e+00 : f32
            %parallel_loop3A_130 = vector.broadcast %parallel_loop3A_129 : f32 to vector<16xf32>
            %parallel_loop3A_131 = arith.mulf %parallel_loop3A_130, %parallel_loop3A_128 : vector<16xf32>
            %parallel_loop3A_132 = math.exp %parallel_loop3A_131 : vector<16xf32>
            %parallel_loop3A_133 = arith.constant 1.000000e+00 : f32
            %parallel_loop3A_134 = vector.broadcast %parallel_loop3A_133 : f32 to vector<16xf32>
            %parallel_loop3A_135 = arith.subf %parallel_loop3A_134, %parallel_loop3A_132 : vector<16xf32>
            %parallel_loop3A_136 = arith.constant 1.000000e+00 : f32
            %parallel_loop3A_137 = vector.broadcast %parallel_loop3A_136 : f32 to vector<16xf32>
            %parallel_loop3A_138 = arith.addf %parallel_loop3A_137, %parallel_loop3A_132 : vector<16xf32>
            %parallel_loop3A_139 = arith.divf %parallel_loop3A_135, %parallel_loop3A_138 : vector<16xf32>
            %parallel_loop3A_140 = arith.constant 0.000000e+00 : f32
            %parallel_loop3A_141 = vector.broadcast %parallel_loop3A_140 : f32 to vector<16xf32>
            %parallel_loop3A_142 = arith.cmpf olt, %parallel_loop3A_127, %parallel_loop3A_141 : vector<16xf32>
            %parallel_loop3A_143 = arith.constant 0.000000e+00 : f32
            %parallel_loop3A_144 = vector.broadcast %parallel_loop3A_143 : f32 to vector<16xf32>
            %parallel_loop3A_145 = arith.subf %parallel_loop3A_144, %parallel_loop3A_139 : vector<16xf32>
            %parallel_loop3A_146 = arith.select %parallel_loop3A_142, %parallel_loop3A_145, %parallel_loop3A_139 : vector<16xi1>, vector<16xf32>
            %parallel_loop3A_147 = arith.constant 16 : i32
            %parallel_loop3A_148 = arith.muli %parallel_loop3A_105, %parallel_loop3A_147 : i32
            %parallel_loop3A_149 = arith.index_cast %parallel_loop3A_148 : i32 to index
            %parallel_loop3A_150 = tpu.vector_load %arg11[%parallel_loop3A_149] {strides = array<i32>} : memref<128xf32, #tpu.memory_space<vmem>>, vector<16xf32>,
            tpu.vector_store %arg11[%parallel_loop3A_149], %parallel_loop3A_146 {strides = array<i32>} : memref<128xf32, #tpu.memory_space<vmem>>, vector<16xf32>,
          } {sc.loop_unroll_factor = 4 : i64, sc.parallel_access}
          %parallel_loop3A_102 = arith.constant 0 : i32
          %parallel_loop3A_103 = arith.constant 128 : i32
          %parallel_loop3A_104 = arith.constant 1 : i32
          scf.for %parallel_loop3A_105 = %parallel_loop3A_102 to %parallel_loop3A_103 step %parallel_loop3A_104  : i32 {
            %parallel_loop3A_106 = vector.broadcast %parallel_loop3A_105 : i32 to vector<16xi32>
            %parallel_loop3A_107 = tpu.vector_load_idx %arg11[%parallel_loop3A_106] : memref<128xf32, #tpu.memory_space<vmem>>[vector<16xi32>], vector<16xf32>,
            %parallel_loop3A_108 = arith.index_cast %parallel_loop3A_105 : i32 to index
            %parallel_loop3A_109 = arith.constant 0 : index
            %parallel_loop3A_110 = tpu.vector_load %arg12[%parallel_loop3A_108, %parallel_loop3A_109] {strides = array<i32>} : memref<128x128xf32, #tpu.memory_space<vmem>>, vector<16xf32>,
            %parallel_loop3A_111 = arith.mulf %parallel_loop3A_110, %parallel_loop3A_107 : vector<16xf32>
            %parallel_loop3A_112 = arith.index_cast %parallel_loop3A_105 : i32 to index
            %parallel_loop3A_113 = arith.constant 0 : index
            %parallel_loop3A_114 = tpu.vector_load %arg12[%parallel_loop3A_112, %parallel_loop3A_113] {strides = array<i32>} : memref<128x128xf32, #tpu.memory_space<vmem>>, vector<16xf32>,
            tpu.vector_store %arg12[%parallel_loop3A_112, %parallel_loop3A_113], %parallel_loop3A_111 {strides = array<i32>} : memref<128x128xf32, #tpu.memory_space<vmem>>, vector<16xf32>,
            %parallel_loop3A_115 = arith.index_cast %parallel_loop3A_105 : i32 to index
            %parallel_loop3A_116 = arith.constant 16 : index
            %parallel_loop3A_117 = tpu.vector_load %arg12[%parallel_loop3A_115, %parallel_loop3A_116] {strides = array<i32>} : memref<128x128xf32, #tpu.memory_space<vmem>>, vector<16xf32>,
            %parallel_loop3A_118 = arith.mulf %parallel_loop3A_117, %parallel_loop3A_107 : vector<16xf32>
            %parallel_loop3A_119 = arith.index_cast %parallel_loop3A_105 : i32 to index
            %parallel_loop3A_120 = arith.constant 16 : index
            %parallel_loop3A_121 = tpu.vector_load %arg12[%parallel_loop3A_119, %parallel_loop3A_120] {strides = array<i32>} : memref<128x128xf32, #tpu.memory_space<vmem>>, vector<16xf32>,
            tpu.vector_store %arg12[%parallel_loop3A_119, %parallel_loop3A_120], %parallel_loop3A_118 {strides = array<i32>} : memref<128x128xf32, #tpu.memory_space<vmem>>, vector<16xf32>,
            %parallel_loop3A_122 = arith.index_cast %parallel_loop3A_105 : i32 to index
            %parallel_loop3A_123 = arith.constant 32 : index
            %parallel_loop3A_124 = tpu.vector_load %arg12[%parallel_loop3A_122, %parallel_loop3A_123] {strides = array<i32>} : memref<128x128xf32, #tpu.memory_space<vmem>>, vector<16xf32>,
            %parallel_loop3A_125 = arith.mulf %parallel_loop3A_124, %parallel_loop3A_107 : vector<16xf32>
            %parallel_loop3A_126 = arith.index_cast %parallel_loop3A_105 : i32 to index
            %parallel_loop3A_127 = arith.constant 32 : index
            %parallel_loop3A_128 = tpu.vector_load %arg12[%parallel_loop3A_126, %parallel_loop3A_127] {strides = array<i32>} : memref<128x128xf32, #tpu.memory_space<vmem>>, vector<16xf32>,
            tpu.vector_store %arg12[%parallel_loop3A_126, %parallel_loop3A_127], %parallel_loop3A_125 {strides = array<i32>} : memref<128x128xf32, #tpu.memory_space<vmem>>, vector<16xf32>,
            %parallel_loop3A_129 = arith.index_cast %parallel_loop3A_105 : i32 to index
            %parallel_loop3A_130 = arith.constant 48 : index
            %parallel_loop3A_131 = tpu.vector_load %arg12[%parallel_loop3A_129, %parallel_loop3A_130] {strides = array<i32>} : memref<128x128xf32, #tpu.memory_space<vmem>>, vector<16xf32>,
            %parallel_loop3A_132 = arith.mulf %parallel_loop3A_131, %parallel_loop3A_107 : vector<16xf32>
            %parallel_loop3A_133 = arith.index_cast %parallel_loop3A_105 : i32 to index
            %parallel_loop3A_134 = arith.constant 48 : index
            %parallel_loop3A_135 = tpu.vector_load %arg12[%parallel_loop3A_133, %parallel_loop3A_134] {strides = array<i32>} : memref<128x128xf32, #tpu.memory_space<vmem>>, vector<16xf32>,
            tpu.vector_store %arg12[%parallel_loop3A_133, %parallel_loop3A_134], %parallel_loop3A_132 {strides = array<i32>} : memref<128x128xf32, #tpu.memory_space<vmem>>, vector<16xf32>,
            %parallel_loop3A_136 = arith.index_cast %parallel_loop3A_105 : i32 to index
            %parallel_loop3A_137 = arith.constant 64 : index
            %parallel_loop3A_138 = tpu.vector_load %arg12[%parallel_loop3A_136, %parallel_loop3A_137] {strides = array<i32>} : memref<128x128xf32, #tpu.memory_space<vmem>>, vector<16xf32>,
            %parallel_loop3A_139 = arith.mulf %parallel_loop3A_138, %parallel_loop3A_107 : vector<16xf32>
            %parallel_loop3A_140 = arith.index_cast %parallel_loop3A_105 : i32 to index
            %parallel_loop3A_141 = arith.constant 64 : index
            %parallel_loop3A_142 = tpu.vector_load %arg12[%parallel_loop3A_140, %parallel_loop3A_141] {strides = array<i32>} : memref<128x128xf32, #tpu.memory_space<vmem>>, vector<16xf32>,
            tpu.vector_store %arg12[%parallel_loop3A_140, %parallel_loop3A_141], %parallel_loop3A_139 {strides = array<i32>} : memref<128x128xf32, #tpu.memory_space<vmem>>, vector<16xf32>,
            %parallel_loop3A_143 = arith.index_cast %parallel_loop3A_105 : i32 to index
            %parallel_loop3A_144 = arith.constant 80 : index
            %parallel_loop3A_145 = tpu.vector_load %arg12[%parallel_loop3A_143, %parallel_loop3A_144] {strides = array<i32>} : memref<128x128xf32, #tpu.memory_space<vmem>>, vector<16xf32>,
            %parallel_loop3A_146 = arith.mulf %parallel_loop3A_145, %parallel_loop3A_107 : vector<16xf32>
            %parallel_loop3A_147 = arith.index_cast %parallel_loop3A_105 : i32 to index
            %parallel_loop3A_148 = arith.constant 80 : index
            %parallel_loop3A_149 = tpu.vector_load %arg12[%parallel_loop3A_147, %parallel_loop3A_148] {strides = array<i32>} : memref<128x128xf32, #tpu.memory_space<vmem>>, vector<16xf32>,
            tpu.vector_store %arg12[%parallel_loop3A_147, %parallel_loop3A_148], %parallel_loop3A_146 {strides = array<i32>} : memref<128x128xf32, #tpu.memory_space<vmem>>, vector<16xf32>,
            %parallel_loop3A_150 = arith.index_cast %parallel_loop3A_105 : i32 to index
            %parallel_loop3A_151 = arith.constant 96 : index
            %parallel_loop3A_152 = tpu.vector_load %arg12[%parallel_loop3A_150, %parallel_loop3A_151] {strides = array<i32>} : memref<128x128xf32, #tpu.memory_space<vmem>>, vector<16xf32>,
            %parallel_loop3A_153 = arith.mulf %parallel_loop3A_152, %parallel_loop3A_107 : vector<16xf32>
            %parallel_loop3A_154 = arith.index_cast %parallel_loop3A_105 : i32 to index
            %parallel_loop3A_155 = arith.constant 96 : index
            %parallel_loop3A_156 = tpu.vector_load %arg12[%parallel_loop3A_154, %parallel_loop3A_155] {strides = array<i32>} : memref<128x128xf32, #tpu.memory_space<vmem>>, vector<16xf32>,
            tpu.vector_store %arg12[%parallel_loop3A_154, %parallel_loop3A_155], %parallel_loop3A_153 {strides = array<i32>} : memref<128x128xf32, #tpu.memory_space<vmem>>, vector<16xf32>,
            %parallel_loop3A_157 = arith.index_cast %parallel_loop3A_105 : i32 to index
            %parallel_loop3A_158 = arith.constant 112 : index
            %parallel_loop3A_159 = tpu.vector_load %arg12[%parallel_loop3A_157, %parallel_loop3A_158] {strides = array<i32>} : memref<128x128xf32, #tpu.memory_space<vmem>>, vector<16xf32>,
            %parallel_loop3A_160 = arith.mulf %parallel_loop3A_159, %parallel_loop3A_107 : vector<16xf32>
            %parallel_loop3A_161 = arith.index_cast %parallel_loop3A_105 : i32 to index
            %parallel_loop3A_162 = arith.constant 112 : index
            %parallel_loop3A_163 = tpu.vector_load %arg12[%parallel_loop3A_161, %parallel_loop3A_162] {strides = array<i32>} : memref<128x128xf32, #tpu.memory_space<vmem>>, vector<16xf32>,
            tpu.vector_store %arg12[%parallel_loop3A_161, %parallel_loop3A_162], %parallel_loop3A_160 {strides = array<i32>} : memref<128x128xf32, #tpu.memory_space<vmem>>, vector<16xf32>,
          } {sc.loop_unroll_factor = 8 : i64, sc.parallel_access}
          "tpu.region"() ({
            %run_scoped3A = tpu.sem_alloc : memref<!tpu.dma_semaphore, #tpu.memory_space<semaphore_mem>>
            %dma_start3A_105 = arith.constant 0 : i32
            %dma_start3A_106 = tpu.memref_slice %arg10[%scan3A_86, %dma_start3A_105] : memref<16x128xi32, #tpu.memory_space<vmem>> -> memref<1x128xi32, #tpu.memory_space<vmem>>
            %dma_start3A_107 = tpu.memref_squeeze %dma_start3A_106 : memref<1x128xi32, #tpu.memory_space<vmem>> -> memref<128xi32, #tpu.memory_space<vmem>>
            %dma_start3A_108 = arith.constant 0 : i32
            %dma_start3A_109 = arith.constant 0 : i32
            %dma_start3A_110 = tpu.memref_slice %arg7[%dma_start3A_108, %dma_start3A_109] : memref<10112x128xf32, #tpu.memory_space<vmem_shared>> -> memref<10112x128xf32, #tpu.memory_space<vmem_shared>>
            tpu.enqueue_indirect_dma source(%arg12 : memref<128x128xf32, #tpu.memory_space<vmem>>) target(%dma_start3A_110 : memref<10112x128xf32, #tpu.memory_space<vmem_shared>>) offsets(%dma_start3A_107 : memref<128xi32, #tpu.memory_space<vmem>>) semaphore(%run_scoped3A : memref<!tpu.dma_semaphore, #tpu.memory_space<semaphore_mem>>) {add = true}
            %dma_wait3A_111 = arith.constant 0 : i32
            %dma_wait3A_112 = tpu.memref_slice %arg10[%scan3A_86, %dma_wait3A_111] : memref<16x128xi32, #tpu.memory_space<vmem>> -> memref<1x128xi32, #tpu.memory_space<vmem>>
            %dma_wait3A_113 = tpu.memref_squeeze %dma_wait3A_112 : memref<1x128xi32, #tpu.memory_space<vmem>> -> memref<128xi32, #tpu.memory_space<vmem>>
            %dma_wait3A_114 = arith.constant 0 : i32
            %dma_wait3A_115 = arith.constant 0 : i32
            %dma_wait3A_116 = tpu.memref_slice %arg7[%dma_wait3A_114, %dma_wait3A_115] : memref<10112x128xf32, #tpu.memory_space<vmem_shared>> -> memref<10112x128xf32, #tpu.memory_space<vmem_shared>>
            tpu.wait_indirect_dma semaphore(%run_scoped3A : memref<!tpu.dma_semaphore, #tpu.memory_space<semaphore_mem>>) src(%arg12 : memref<128x128xf32, #tpu.memory_space<vmem>>) dst(%dma_wait3A_116 : memref<10112x128xf32, #tpu.memory_space<vmem_shared>>)
            tpu.yield
          }) : () -> ()
        } else {
        }
      }
      %scan3A_85 = arith.constant 16 : i32
    }
    %scan3A_32 = arith.constant 5 : i32
    %barrier3A_33 = arith.constant 0 : index
    tpu.barrier barrier_id(%barrier3A_33)
    %mul3A_34 = arith.constant 632 : i32
    %mul3A_35 = arith.muli %arg1, %mul3A_34 : i32
    %add3A_36 = arith.constant 0 : i32
    %add3A_37 = arith.addi %mul3A_35, %add3A_36 : i32
    %mul3A_38 = arith.constant 632 : i32
    %mul3A_39 = arith.muli %arg1, %mul3A_38 : i32
    %add3A_40 = arith.constant 0 : i32
    %add3A_41 = arith.addi %mul3A_39, %add3A_40 : i32
    "tpu.region"() ({
      %run_scoped3A = tpu.sem_alloc : memref<!tpu.dma_semaphore, #tpu.memory_space<semaphore_mem>>
      %dma_start3A = arith.constant 0 : i32
      %dma_start3A_74 = tpu.memref_slice %arg6[%arg0, %add3A_41, %dma_start3A] : memref<2x10112x128xf32, #tpu.memory_space<hbm>> -> memref<1x128x128xf32, #tpu.memory_space<hbm>>
      %dma_start3A_75 = tpu.memref_squeeze %dma_start3A_74 : memref<1x128x128xf32, #tpu.memory_space<hbm>> -> memref<128x128xf32, #tpu.memory_space<hbm>>
      %dma_start3A_76 = arith.constant 0 : i32
      %dma_start3A_77 = tpu.memref_slice %arg7[%add3A_37, %dma_start3A_76] : memref<10112x128xf32, #tpu.memory_space<vmem_shared>> -> memref<128x128xf32, #tpu.memory_space<vmem_shared>>
      tpu.enqueue_dma source(%dma_start3A_77 : memref<128x128xf32, #tpu.memory_space<vmem_shared>>) target(%dma_start3A_75 : memref<128x128xf32, #tpu.memory_space<hbm>>) target_semaphore(%run_scoped3A : memref<!tpu.dma_semaphore, #tpu.memory_space<semaphore_mem>>)
      %dma_wait3A = arith.constant 0 : i32
      %dma_wait3A_78 = tpu.memref_slice %arg6[%arg0, %add3A_41, %dma_wait3A] : memref<2x10112x128xf32, #tpu.memory_space<hbm>> -> memref<1x128x128xf32, #tpu.memory_space<hbm>>
      %dma_wait3A_79 = tpu.memref_squeeze %dma_wait3A_78 : memref<1x128x128xf32, #tpu.memory_space<hbm>> -> memref<128x128xf32, #tpu.memory_space<hbm>>
      %dma_wait3A_80 = arith.constant 0 : i32
      %dma_wait3A_81 = tpu.memref_slice %arg7[%add3A_37, %dma_wait3A_80] : memref<10112x128xf32, #tpu.memory_space<vmem_shared>> -> memref<128x128xf32, #tpu.memory_space<vmem_shared>>
      tpu.wait_dma2 semaphore(%run_scoped3A : memref<!tpu.dma_semaphore, #tpu.memory_space<semaphore_mem>>) src(%dma_wait3A_81 : memref<128x128xf32, #tpu.memory_space<vmem_shared>>) dst(%dma_wait3A_79 : memref<128x128xf32, #tpu.memory_space<hbm>>)
      tpu.yield
    }) : () -> ()
    %mul3A_42 = arith.constant 632 : i32
    %mul3A_43 = arith.muli %arg1, %mul3A_42 : i32
    %add3A_44 = arith.constant 128 : i32
    %add3A_45 = arith.addi %mul3A_43, %add3A_44 : i32
    %mul3A_46 = arith.constant 632 : i32
    %mul3A_47 = arith.muli %arg1, %mul3A_46 : i32
    %add3A_48 = arith.constant 128 : i32
    %add3A_49 = arith.addi %mul3A_47, %add3A_48 : i32
    "tpu.region"() ({
      %run_scoped3A = tpu.sem_alloc : memref<!tpu.dma_semaphore, #tpu.memory_space<semaphore_mem>>
      %dma_start3A = arith.constant 0 : i32
      %dma_start3A_74 = tpu.memref_slice %arg6[%arg0, %add3A_49, %dma_start3A] : memref<2x10112x128xf32, #tpu.memory_space<hbm>> -> memref<1x128x128xf32, #tpu.memory_space<hbm>>
      %dma_start3A_75 = tpu.memref_squeeze %dma_start3A_74 : memref<1x128x128xf32, #tpu.memory_space<hbm>> -> memref<128x128xf32, #tpu.memory_space<hbm>>
      %dma_start3A_76 = arith.constant 0 : i32
      %dma_start3A_77 = tpu.memref_slice %arg7[%add3A_45, %dma_start3A_76] : memref<10112x128xf32, #tpu.memory_space<vmem_shared>> -> memref<128x128xf32, #tpu.memory_space<vmem_shared>>
      tpu.enqueue_dma source(%dma_start3A_77 : memref<128x128xf32, #tpu.memory_space<vmem_shared>>) target(%dma_start3A_75 : memref<128x128xf32, #tpu.memory_space<hbm>>) target_semaphore(%run_scoped3A : memref<!tpu.dma_semaphore, #tpu.memory_space<semaphore_mem>>)
      %dma_wait3A = arith.constant 0 : i32
      %dma_wait3A_78 = tpu.memref_slice %arg6[%arg0, %add3A_49, %dma_wait3A] : memref<2x10112x128xf32, #tpu.memory_space<hbm>> -> memref<1x128x128xf32, #tpu.memory_space<hbm>>
      %dma_wait3A_79 = tpu.memref_squeeze %dma_wait3A_78 : memref<1x128x128xf32, #tpu.memory_space<hbm>> -> memref<128x128xf32, #tpu.memory_space<hbm>>
      %dma_wait3A_80 = arith.constant 0 : i32
      %dma_wait3A_81 = tpu.memref_slice %arg7[%add3A_45, %dma_wait3A_80] : memref<10112x128xf32, #tpu.memory_space<vmem_shared>> -> memref<128x128xf32, #tpu.memory_space<vmem_shared>>
      tpu.wait_dma2 semaphore(%run_scoped3A : memref<!tpu.dma_semaphore, #tpu.memory_space<semaphore_mem>>) src(%dma_wait3A_81 : memref<128x128xf32, #tpu.memory_space<vmem_shared>>) dst(%dma_wait3A_79 : memref<128x128xf32, #tpu.memory_space<hbm>>)
      tpu.yield
    }) : () -> ()
    %mul3A_50 = arith.constant 632 : i32
    %mul3A_51 = arith.muli %arg1, %mul3A_50 : i32
    %add3A_52 = arith.constant 256 : i32
    %add3A_53 = arith.addi %mul3A_51, %add3A_52 : i32
    %mul3A_54 = arith.constant 632 : i32
    %mul3A_55 = arith.muli %arg1, %mul3A_54 : i32
    %add3A_56 = arith.constant 256 : i32
    %add3A_57 = arith.addi %mul3A_55, %add3A_56 : i32
    "tpu.region"() ({
      %run_scoped3A = tpu.sem_alloc : memref<!tpu.dma_semaphore, #tpu.memory_space<semaphore_mem>>
      %dma_start3A = arith.constant 0 : i32
      %dma_start3A_74 = tpu.memref_slice %arg6[%arg0, %add3A_57, %dma_start3A] : memref<2x10112x128xf32, #tpu.memory_space<hbm>> -> memref<1x128x128xf32, #tpu.memory_space<hbm>>
      %dma_start3A_75 = tpu.memref_squeeze %dma_start3A_74 : memref<1x128x128xf32, #tpu.memory_space<hbm>> -> memref<128x128xf32, #tpu.memory_space<hbm>>
      %dma_start3A_76 = arith.constant 0 : i32
      %dma_start3A_77 = tpu.memref_slice %arg7[%add3A_53, %dma_start3A_76] : memref<10112x128xf32, #tpu.memory_space<vmem_shared>> -> memref<128x128xf32, #tpu.memory_space<vmem_shared>>
      tpu.enqueue_dma source(%dma_start3A_77 : memref<128x128xf32, #tpu.memory_space<vmem_shared>>) target(%dma_start3A_75 : memref<128x128xf32, #tpu.memory_space<hbm>>) target_semaphore(%run_scoped3A : memref<!tpu.dma_semaphore, #tpu.memory_space<semaphore_mem>>)
      %dma_wait3A = arith.constant 0 : i32
      %dma_wait3A_78 = tpu.memref_slice %arg6[%arg0, %add3A_57, %dma_wait3A] : memref<2x10112x128xf32, #tpu.memory_space<hbm>> -> memref<1x128x128xf32, #tpu.memory_space<hbm>>
      %dma_wait3A_79 = tpu.memref_squeeze %dma_wait3A_78 : memref<1x128x128xf32, #tpu.memory_space<hbm>> -> memref<128x128xf32, #tpu.memory_space<hbm>>
      %dma_wait3A_80 = arith.constant 0 : i32
      %dma_wait3A_81 = tpu.memref_slice %arg7[%add3A_53, %dma_wait3A_80] : memref<10112x128xf32, #tpu.memory_space<vmem_shared>> -> memref<128x128xf32, #tpu.memory_space<vmem_shared>>
      tpu.wait_dma2 semaphore(%run_scoped3A : memref<!tpu.dma_semaphore, #tpu.memory_space<semaphore_mem>>) src(%dma_wait3A_81 : memref<128x128xf32, #tpu.memory_space<vmem_shared>>) dst(%dma_wait3A_79 : memref<128x128xf32, #tpu.memory_space<hbm>>)
      tpu.yield
    }) : () -> ()
    %mul3A_58 = arith.constant 632 : i32
    %mul3A_59 = arith.muli %arg1, %mul3A_58 : i32
    %add3A_60 = arith.constant 384 : i32
    %add3A_61 = arith.addi %mul3A_59, %add3A_60 : i32
    %mul3A_62 = arith.constant 632 : i32
    %mul3A_63 = arith.muli %arg1, %mul3A_62 : i32
    %add3A_64 = arith.constant 384 : i32
    %add3A_65 = arith.addi %mul3A_63, %add3A_64 : i32
    "tpu.region"() ({
      %run_scoped3A = tpu.sem_alloc : memref<!tpu.dma_semaphore, #tpu.memory_space<semaphore_mem>>
      %dma_start3A = arith.constant 0 : i32
      %dma_start3A_74 = tpu.memref_slice %arg6[%arg0, %add3A_65, %dma_start3A] : memref<2x10112x128xf32, #tpu.memory_space<hbm>> -> memref<1x128x128xf32, #tpu.memory_space<hbm>>
      %dma_start3A_75 = tpu.memref_squeeze %dma_start3A_74 : memref<1x128x128xf32, #tpu.memory_space<hbm>> -> memref<128x128xf32, #tpu.memory_space<hbm>>
      %dma_start3A_76 = arith.constant 0 : i32
      %dma_start3A_77 = tpu.memref_slice %arg7[%add3A_61, %dma_start3A_76] : memref<10112x128xf32, #tpu.memory_space<vmem_shared>> -> memref<128x128xf32, #tpu.memory_space<vmem_shared>>
      tpu.enqueue_dma source(%dma_start3A_77 : memref<128x128xf32, #tpu.memory_space<vmem_shared>>) target(%dma_start3A_75 : memref<128x128xf32, #tpu.memory_space<hbm>>) target_semaphore(%run_scoped3A : memref<!tpu.dma_semaphore, #tpu.memory_space<semaphore_mem>>)
      %dma_wait3A = arith.constant 0 : i32
      %dma_wait3A_78 = tpu.memref_slice %arg6[%arg0, %add3A_65, %dma_wait3A] : memref<2x10112x128xf32, #tpu.memory_space<hbm>> -> memref<1x128x128xf32, #tpu.memory_space<hbm>>
      %dma_wait3A_79 = tpu.memref_squeeze %dma_wait3A_78 : memref<1x128x128xf32, #tpu.memory_space<hbm>> -> memref<128x128xf32, #tpu.memory_space<hbm>>
      %dma_wait3A_80 = arith.constant 0 : i32
      %dma_wait3A_81 = tpu.memref_slice %arg7[%add3A_61, %dma_wait3A_80] : memref<10112x128xf32, #tpu.memory_space<vmem_shared>> -> memref<128x128xf32, #tpu.memory_space<vmem_shared>>
      tpu.wait_dma2 semaphore(%run_scoped3A : memref<!tpu.dma_semaphore, #tpu.memory_space<semaphore_mem>>) src(%dma_wait3A_81 : memref<128x128xf32, #tpu.memory_space<vmem_shared>>) dst(%dma_wait3A_79 : memref<128x128xf32, #tpu.memory_space<hbm>>)
      tpu.yield
    }) : () -> ()
    %mul3A_66 = arith.constant 632 : i32
    %mul3A_67 = arith.muli %arg1, %mul3A_66 : i32
    %add3A_68 = arith.constant 512 : i32
    %add3A_69 = arith.addi %mul3A_67, %add3A_68 : i32
    %mul3A_70 = arith.constant 632 : i32
    %mul3A_71 = arith.muli %arg1, %mul3A_70 : i32
    %add3A_72 = arith.constant 512 : i32
    %add3A_73 = arith.addi %mul3A_71, %add3A_72 : i32
    "tpu.region"() ({
      %run_scoped3A = tpu.sem_alloc : memref<!tpu.dma_semaphore, #tpu.memory_space<semaphore_mem>>
      %dma_start3A = arith.constant 0 : i32
      %dma_start3A_74 = tpu.memref_slice %arg6[%arg0, %add3A_73, %dma_start3A] : memref<2x10112x128xf32, #tpu.memory_space<hbm>> -> memref<1x120x128xf32, #tpu.memory_space<hbm>>
      %dma_start3A_75 = tpu.memref_squeeze %dma_start3A_74 : memref<1x120x128xf32, #tpu.memory_space<hbm>> -> memref<120x128xf32, #tpu.memory_space<hbm>>
      %dma_start3A_76 = arith.constant 0 : i32
      %dma_start3A_77 = tpu.memref_slice %arg7[%add3A_69, %dma_start3A_76] : memref<10112x128xf32, #tpu.memory_space<vmem_shared>> -> memref<120x128xf32, #tpu.memory_space<vmem_shared>>
      tpu.enqueue_dma source(%dma_start3A_77 : memref<120x128xf32, #tpu.memory_space<vmem_shared>>) target(%dma_start3A_75 : memref<120x128xf32, #tpu.memory_space<hbm>>) target_semaphore(%run_scoped3A : memref<!tpu.dma_semaphore, #tpu.memory_space<semaphore_mem>>)
      %dma_wait3A = arith.constant 0 : i32
      %dma_wait3A_78 = tpu.memref_slice %arg6[%arg0, %add3A_73, %dma_wait3A] : memref<2x10112x128xf32, #tpu.memory_space<hbm>> -> memref<1x120x128xf32, #tpu.memory_space<hbm>>
      %dma_wait3A_79 = tpu.memref_squeeze %dma_wait3A_78 : memref<1x120x128xf32, #tpu.memory_space<hbm>> -> memref<120x128xf32, #tpu.memory_space<hbm>>
      %dma_wait3A_80 = arith.constant 0 : i32
      %dma_wait3A_81 = tpu.memref_slice %arg7[%add3A_69, %dma_wait3A_80] : memref<10112x128xf32, #tpu.memory_space<vmem_shared>> -> memref<120x128xf32, #tpu.memory_space<vmem_shared>>
      tpu.wait_dma2 semaphore(%run_scoped3A : memref<!tpu.dma_semaphore, #tpu.memory_space<semaphore_mem>>) src(%dma_wait3A_81 : memref<120x128xf32, #tpu.memory_space<vmem_shared>>) dst(%dma_wait3A_79 : memref<120x128xf32, #tpu.memory_space<hbm>>)
      tpu.yield
    }) : () -> ()
    return
  }
}

#map = affine_map<(d0, d1) -> (0, 0)>
#map1 = affine_map<(d0, d1) -> (0)>
#map2 = affine_map<(d0, d1) -> (0, 0, 0)>
module attributes {stable_mosaic.version = 14 : i64} {
  func.func @_edge_body(%arg0: i32, %arg1: i32, %arg2: memref<10000x128xf32, #tpu.memory_space<hbm>>, %arg3: memref<20000xf32, #tpu.memory_space<hbm>>, %arg4: memref<2560x128xi32, #tpu.memory_space<hbm>>, %arg5: memref<2560x128xi32, #tpu.memory_space<hbm>>, %arg6: memref<2x10112x128xf32, #tpu.memory_space<hbm>>, %arg7: memref<10112x128xf32, #tpu.memory_space<vmem_shared>>, %arg8: memref<20000xf32, #tpu.memory_space<vmem>>, %arg9: memref<16x128xi32, #tpu.memory_space<vmem>>, %arg10: memref<16x128xi32, #tpu.memory_space<vmem>>, %arg11: memref<128xf32, #tpu.memory_space<vmem>>, %arg12: memref<128x128xf32, #tpu.memory_space<vmem>>, %arg13: memref<!tpu.dma_semaphore, #tpu.memory_space<semaphore_mem>>) attributes {dimension_semantics = [#tpu.dimension_semantics<core_parallel>, #tpu.dimension_semantics<subcore_parallel>], iteration_bounds = array<i64: 2, 16>, scalar_prefetch = 0 : i64, scratch_operands = 7 : i64, tpu.core_type = #tpu.core_type<sc_vector_subcore>, window_params = [{transform_indices = #map}, {transform_indices = #map1}, {transform_indices = #map}, {transform_indices = #map}, {transform_indices = #map2}]} {
    %mul3A = arith.constant 16 : i32
    %mul3A_0 = arith.muli %arg0, %mul3A : i32
    %add3A = arith.addi %mul3A_0, %arg1 : i32
    "tpu.region"() ({
      %run_scoped3A = tpu.sem_alloc : memref<!tpu.dma_semaphore, #tpu.memory_space<semaphore_mem>>
      tpu.enqueue_dma source(%arg3 : memref<20000xf32, #tpu.memory_space<hbm>>) target(%arg8 : memref<20000xf32, #tpu.memory_space<vmem>>) target_semaphore(%run_scoped3A : memref<!tpu.dma_semaphore, #tpu.memory_space<semaphore_mem>>)
      tpu.wait_dma2 semaphore(%run_scoped3A : memref<!tpu.dma_semaphore, #tpu.memory_space<semaphore_mem>>) src(%arg3 : memref<20000xf32, #tpu.memory_space<hbm>>) dst(%arg8 : memref<20000xf32, #tpu.memory_space<vmem>>)
      tpu.yield
    }) : () -> ()
    %broadcast_in_dim3A = arith.constant 0.000000e+00 : f32
    %broadcast_in_dim3A_1 = vector.broadcast %broadcast_in_dim3A : f32 to vector<16xf32>
    %scan3A = arith.constant 0 : i32
    %scan3A_2 = arith.constant 0 : i32
    %scan3A_3 = arith.constant 128 : i32
    %scan3A_4 = arith.addi %scan3A_2, %scan3A_3 : i32
    %scan3A_5 = arith.constant 1 : i32
    scf.for %scan3A_74 = %scan3A_2 to %scan3A_4 step %scan3A_5  : i32 {
      %swap3A = arith.index_cast %scan3A_74 : i32 to index
      %swap3A_75 = arith.constant 0 : index
      %swap3A_76 = tpu.vector_load %arg12[%swap3A, %swap3A_75] {strides = array<i32>} : memref<128x128xf32, #tpu.memory_space<vmem>>, vector<16xf32>,
      tpu.vector_store %arg12[%swap3A, %swap3A_75], %broadcast_in_dim3A_1 {strides = array<i32>} : memref<128x128xf32, #tpu.memory_space<vmem>>, vector<16xf32>,
      %swap3A_77 = arith.index_cast %scan3A_74 : i32 to index
      %swap3A_78 = arith.constant 16 : index
      %swap3A_79 = tpu.vector_load %arg12[%swap3A_77, %swap3A_78] {strides = array<i32>} : memref<128x128xf32, #tpu.memory_space<vmem>>, vector<16xf32>,
      tpu.vector_store %arg12[%swap3A_77, %swap3A_78], %broadcast_in_dim3A_1 {strides = array<i32>} : memref<128x128xf32, #tpu.memory_space<vmem>>, vector<16xf32>,
      %swap3A_80 = arith.index_cast %scan3A_74 : i32 to index
      %swap3A_81 = arith.constant 32 : index
      %swap3A_82 = tpu.vector_load %arg12[%swap3A_80, %swap3A_81] {strides = array<i32>} : memref<128x128xf32, #tpu.memory_space<vmem>>, vector<16xf32>,
      tpu.vector_store %arg12[%swap3A_80, %swap3A_81], %broadcast_in_dim3A_1 {strides = array<i32>} : memref<128x128xf32, #tpu.memory_space<vmem>>, vector<16xf32>,
      %swap3A_83 = arith.index_cast %scan3A_74 : i32 to index
      %swap3A_84 = arith.constant 48 : index
      %swap3A_85 = tpu.vector_load %arg12[%swap3A_83, %swap3A_84] {strides = array<i32>} : memref<128x128xf32, #tpu.memory_space<vmem>>, vector<16xf32>,
      tpu.vector_store %arg12[%swap3A_83, %swap3A_84], %broadcast_in_dim3A_1 {strides = array<i32>} : memref<128x128xf32, #tpu.memory_space<vmem>>, vector<16xf32>,
      %swap3A_86 = arith.index_cast %scan3A_74 : i32 to index
      %swap3A_87 = arith.constant 64 : index
      %swap3A_88 = tpu.vector_load %arg12[%swap3A_86, %swap3A_87] {strides = array<i32>} : memref<128x128xf32, #tpu.memory_space<vmem>>, vector<16xf32>,
      tpu.vector_store %arg12[%swap3A_86, %swap3A_87], %broadcast_in_dim3A_1 {strides = array<i32>} : memref<128x128xf32, #tpu.memory_space<vmem>>, vector<16xf32>,
      %swap3A_89 = arith.index_cast %scan3A_74 : i32 to index
      %swap3A_90 = arith.constant 80 : index
      %swap3A_91 = tpu.vector_load %arg12[%swap3A_89, %swap3A_90] {strides = array<i32>} : memref<128x128xf32, #tpu.memory_space<vmem>>, vector<16xf32>,
      tpu.vector_store %arg12[%swap3A_89, %swap3A_90], %broadcast_in_dim3A_1 {strides = array<i32>} : memref<128x128xf32, #tpu.memory_space<vmem>>, vector<16xf32>,
      %swap3A_92 = arith.index_cast %scan3A_74 : i32 to index
      %swap3A_93 = arith.constant 96 : index
      %swap3A_94 = tpu.vector_load %arg12[%swap3A_92, %swap3A_93] {strides = array<i32>} : memref<128x128xf32, #tpu.memory_space<vmem>>, vector<16xf32>,
      tpu.vector_store %arg12[%swap3A_92, %swap3A_93], %broadcast_in_dim3A_1 {strides = array<i32>} : memref<128x128xf32, #tpu.memory_space<vmem>>, vector<16xf32>,
      %swap3A_95 = arith.index_cast %scan3A_74 : i32 to index
      %swap3A_96 = arith.constant 112 : index
      %swap3A_97 = tpu.vector_load %arg12[%swap3A_95, %swap3A_96] {strides = array<i32>} : memref<128x128xf32, #tpu.memory_space<vmem>>, vector<16xf32>,
      tpu.vector_store %arg12[%swap3A_95, %swap3A_96], %broadcast_in_dim3A_1 {strides = array<i32>} : memref<128x128xf32, #tpu.memory_space<vmem>>, vector<16xf32>,
    }
    %scan3A_6 = arith.constant 128 : i32
    %mul3A_7 = arith.constant 632 : i32
    %mul3A_8 = arith.muli %arg1, %mul3A_7 : i32
    %add3A_9 = arith.constant 0 : i32
    %add3A_10 = arith.addi %mul3A_8, %add3A_9 : i32
    "tpu.region"() ({
      %run_scoped3A = tpu.sem_alloc : memref<!tpu.dma_semaphore, #tpu.memory_space<semaphore_mem>>
      %dma_start3A = arith.constant 0 : i32
      %dma_start3A_74 = arith.constant 0 : i32
      %dma_start3A_75 = tpu.memref_slice %arg12[%dma_start3A, %dma_start3A_74] : memref<128x128xf32, #tpu.memory_space<vmem>> -> memref<128x128xf32, #tpu.memory_space<vmem>>
      %dma_start3A_76 = arith.constant 0 : i32
      %dma_start3A_77 = tpu.memref_slice %arg7[%add3A_10, %dma_start3A_76] : memref<10112x128xf32, #tpu.memory_space<vmem_shared>> -> memref<128x128xf32, #tpu.memory_space<vmem_shared>>
      %dma_start3A_78 = arith.constant 0 : i32
      %dma_start3A_79 = tpu.memref_slice %arg7[%add3A_10, %dma_start3A_78] : memref<10112x128xf32, #tpu.memory_space<vmem_shared>> -> memref<128x128xf32, #tpu.memory_space<vmem_shared>>
      %dma_start3A_80 = arith.constant 0 : i32
      %dma_start3A_81 = arith.constant 0 : i32
      %dma_start3A_82 = tpu.memref_slice %arg12[%dma_start3A_80, %dma_start3A_81] : memref<128x128xf32, #tpu.memory_space<vmem>> -> memref<128x128xf32, #tpu.memory_space<vmem>>
      tpu.enqueue_dma source(%dma_start3A_82 : memref<128x128xf32, #tpu.memory_space<vmem>>) target(%dma_start3A_79 : memref<128x128xf32, #tpu.memory_space<vmem_shared>>) target_semaphore(%run_scoped3A : memref<!tpu.dma_semaphore, #tpu.memory_space<semaphore_mem>>)
      %dma_wait3A = arith.constant 0 : i32
      %dma_wait3A_83 = arith.constant 0 : i32
      %dma_wait3A_84 = tpu.memref_slice %arg12[%dma_wait3A, %dma_wait3A_83] : memref<128x128xf32, #tpu.memory_space<vmem>> -> memref<128x128xf32, #tpu.memory_space<vmem>>
      %dma_wait3A_85 = arith.constant 0 : i32
      %dma_wait3A_86 = tpu.memref_slice %arg7[%add3A_10, %dma_wait3A_85] : memref<10112x128xf32, #tpu.memory_space<vmem_shared>> -> memref<128x128xf32, #tpu.memory_space<vmem_shared>>
      %dma_wait3A_87 = arith.constant 0 : i32
      %dma_wait3A_88 = tpu.memref_slice %arg7[%add3A_10, %dma_wait3A_87] : memref<10112x128xf32, #tpu.memory_space<vmem_shared>> -> memref<128x128xf32, #tpu.memory_space<vmem_shared>>
      %dma_wait3A_89 = arith.constant 0 : i32
      %dma_wait3A_90 = arith.constant 0 : i32
      %dma_wait3A_91 = tpu.memref_slice %arg12[%dma_wait3A_89, %dma_wait3A_90] : memref<128x128xf32, #tpu.memory_space<vmem>> -> memref<128x128xf32, #tpu.memory_space<vmem>>
      tpu.wait_dma2 semaphore(%run_scoped3A : memref<!tpu.dma_semaphore, #tpu.memory_space<semaphore_mem>>) src(%dma_wait3A_91 : memref<128x128xf32, #tpu.memory_space<vmem>>) dst(%dma_wait3A_88 : memref<128x128xf32, #tpu.memory_space<vmem_shared>>)
      tpu.yield
    }) : () -> ()
    %mul3A_11 = arith.constant 632 : i32
    %mul3A_12 = arith.muli %arg1, %mul3A_11 : i32
    %add3A_13 = arith.constant 128 : i32
    %add3A_14 = arith.addi %mul3A_12, %add3A_13 : i32
    "tpu.region"() ({
      %run_scoped3A = tpu.sem_alloc : memref<!tpu.dma_semaphore, #tpu.memory_space<semaphore_mem>>
      %dma_start3A = arith.constant 0 : i32
      %dma_start3A_74 = arith.constant 0 : i32
      %dma_start3A_75 = tpu.memref_slice %arg12[%dma_start3A, %dma_start3A_74] : memref<128x128xf32, #tpu.memory_space<vmem>> -> memref<128x128xf32, #tpu.memory_space<vmem>>
      %dma_start3A_76 = arith.constant 0 : i32
      %dma_start3A_77 = tpu.memref_slice %arg7[%add3A_14, %dma_start3A_76] : memref<10112x128xf32, #tpu.memory_space<vmem_shared>> -> memref<128x128xf32, #tpu.memory_space<vmem_shared>>
      %dma_start3A_78 = arith.constant 0 : i32
      %dma_start3A_79 = tpu.memref_slice %arg7[%add3A_14, %dma_start3A_78] : memref<10112x128xf32, #tpu.memory_space<vmem_shared>> -> memref<128x128xf32, #tpu.memory_space<vmem_shared>>
      %dma_start3A_80 = arith.constant 0 : i32
      %dma_start3A_81 = arith.constant 0 : i32
      %dma_start3A_82 = tpu.memref_slice %arg12[%dma_start3A_80, %dma_start3A_81] : memref<128x128xf32, #tpu.memory_space<vmem>> -> memref<128x128xf32, #tpu.memory_space<vmem>>
      tpu.enqueue_dma source(%dma_start3A_82 : memref<128x128xf32, #tpu.memory_space<vmem>>) target(%dma_start3A_79 : memref<128x128xf32, #tpu.memory_space<vmem_shared>>) target_semaphore(%run_scoped3A : memref<!tpu.dma_semaphore, #tpu.memory_space<semaphore_mem>>)
      %dma_wait3A = arith.constant 0 : i32
      %dma_wait3A_83 = arith.constant 0 : i32
      %dma_wait3A_84 = tpu.memref_slice %arg12[%dma_wait3A, %dma_wait3A_83] : memref<128x128xf32, #tpu.memory_space<vmem>> -> memref<128x128xf32, #tpu.memory_space<vmem>>
      %dma_wait3A_85 = arith.constant 0 : i32
      %dma_wait3A_86 = tpu.memref_slice %arg7[%add3A_14, %dma_wait3A_85] : memref<10112x128xf32, #tpu.memory_space<vmem_shared>> -> memref<128x128xf32, #tpu.memory_space<vmem_shared>>
      %dma_wait3A_87 = arith.constant 0 : i32
      %dma_wait3A_88 = tpu.memref_slice %arg7[%add3A_14, %dma_wait3A_87] : memref<10112x128xf32, #tpu.memory_space<vmem_shared>> -> memref<128x128xf32, #tpu.memory_space<vmem_shared>>
      %dma_wait3A_89 = arith.constant 0 : i32
      %dma_wait3A_90 = arith.constant 0 : i32
      %dma_wait3A_91 = tpu.memref_slice %arg12[%dma_wait3A_89, %dma_wait3A_90] : memref<128x128xf32, #tpu.memory_space<vmem>> -> memref<128x128xf32, #tpu.memory_space<vmem>>
      tpu.wait_dma2 semaphore(%run_scoped3A : memref<!tpu.dma_semaphore, #tpu.memory_space<semaphore_mem>>) src(%dma_wait3A_91 : memref<128x128xf32, #tpu.memory_space<vmem>>) dst(%dma_wait3A_88 : memref<128x128xf32, #tpu.memory_space<vmem_shared>>)
      tpu.yield
    }) : () -> ()
    %mul3A_15 = arith.constant 632 : i32
    %mul3A_16 = arith.muli %arg1, %mul3A_15 : i32
    %add3A_17 = arith.constant 256 : i32
    %add3A_18 = arith.addi %mul3A_16, %add3A_17 : i32
    "tpu.region"() ({
      %run_scoped3A = tpu.sem_alloc : memref<!tpu.dma_semaphore, #tpu.memory_space<semaphore_mem>>
      %dma_start3A = arith.constant 0 : i32
      %dma_start3A_74 = arith.constant 0 : i32
      %dma_start3A_75 = tpu.memref_slice %arg12[%dma_start3A, %dma_start3A_74] : memref<128x128xf32, #tpu.memory_space<vmem>> -> memref<128x128xf32, #tpu.memory_space<vmem>>
      %dma_start3A_76 = arith.constant 0 : i32
      %dma_start3A_77 = tpu.memref_slice %arg7[%add3A_18, %dma_start3A_76] : memref<10112x128xf32, #tpu.memory_space<vmem_shared>> -> memref<128x128xf32, #tpu.memory_space<vmem_shared>>
      %dma_start3A_78 = arith.constant 0 : i32
      %dma_start3A_79 = tpu.memref_slice %arg7[%add3A_18, %dma_start3A_78] : memref<10112x128xf32, #tpu.memory_space<vmem_shared>> -> memref<128x128xf32, #tpu.memory_space<vmem_shared>>
      %dma_start3A_80 = arith.constant 0 : i32
      %dma_start3A_81 = arith.constant 0 : i32
      %dma_start3A_82 = tpu.memref_slice %arg12[%dma_start3A_80, %dma_start3A_81] : memref<128x128xf32, #tpu.memory_space<vmem>> -> memref<128x128xf32, #tpu.memory_space<vmem>>
      tpu.enqueue_dma source(%dma_start3A_82 : memref<128x128xf32, #tpu.memory_space<vmem>>) target(%dma_start3A_79 : memref<128x128xf32, #tpu.memory_space<vmem_shared>>) target_semaphore(%run_scoped3A : memref<!tpu.dma_semaphore, #tpu.memory_space<semaphore_mem>>)
      %dma_wait3A = arith.constant 0 : i32
      %dma_wait3A_83 = arith.constant 0 : i32
      %dma_wait3A_84 = tpu.memref_slice %arg12[%dma_wait3A, %dma_wait3A_83] : memref<128x128xf32, #tpu.memory_space<vmem>> -> memref<128x128xf32, #tpu.memory_space<vmem>>
      %dma_wait3A_85 = arith.constant 0 : i32
      %dma_wait3A_86 = tpu.memref_slice %arg7[%add3A_18, %dma_wait3A_85] : memref<10112x128xf32, #tpu.memory_space<vmem_shared>> -> memref<128x128xf32, #tpu.memory_space<vmem_shared>>
      %dma_wait3A_87 = arith.constant 0 : i32
      %dma_wait3A_88 = tpu.memref_slice %arg7[%add3A_18, %dma_wait3A_87] : memref<10112x128xf32, #tpu.memory_space<vmem_shared>> -> memref<128x128xf32, #tpu.memory_space<vmem_shared>>
      %dma_wait3A_89 = arith.constant 0 : i32
      %dma_wait3A_90 = arith.constant 0 : i32
      %dma_wait3A_91 = tpu.memref_slice %arg12[%dma_wait3A_89, %dma_wait3A_90] : memref<128x128xf32, #tpu.memory_space<vmem>> -> memref<128x128xf32, #tpu.memory_space<vmem>>
      tpu.wait_dma2 semaphore(%run_scoped3A : memref<!tpu.dma_semaphore, #tpu.memory_space<semaphore_mem>>) src(%dma_wait3A_91 : memref<128x128xf32, #tpu.memory_space<vmem>>) dst(%dma_wait3A_88 : memref<128x128xf32, #tpu.memory_space<vmem_shared>>)
      tpu.yield
    }) : () -> ()
    %mul3A_19 = arith.constant 632 : i32
    %mul3A_20 = arith.muli %arg1, %mul3A_19 : i32
    %add3A_21 = arith.constant 384 : i32
    %add3A_22 = arith.addi %mul3A_20, %add3A_21 : i32
    "tpu.region"() ({
      %run_scoped3A = tpu.sem_alloc : memref<!tpu.dma_semaphore, #tpu.memory_space<semaphore_mem>>
      %dma_start3A = arith.constant 0 : i32
      %dma_start3A_74 = arith.constant 0 : i32
      %dma_start3A_75 = tpu.memref_slice %arg12[%dma_start3A, %dma_start3A_74] : memref<128x128xf32, #tpu.memory_space<vmem>> -> memref<128x128xf32, #tpu.memory_space<vmem>>
      %dma_start3A_76 = arith.constant 0 : i32
      %dma_start3A_77 = tpu.memref_slice %arg7[%add3A_22, %dma_start3A_76] : memref<10112x128xf32, #tpu.memory_space<vmem_shared>> -> memref<128x128xf32, #tpu.memory_space<vmem_shared>>
      %dma_start3A_78 = arith.constant 0 : i32
      %dma_start3A_79 = tpu.memref_slice %arg7[%add3A_22, %dma_start3A_78] : memref<10112x128xf32, #tpu.memory_space<vmem_shared>> -> memref<128x128xf32, #tpu.memory_space<vmem_shared>>
      %dma_start3A_80 = arith.constant 0 : i32
      %dma_start3A_81 = arith.constant 0 : i32
      %dma_start3A_82 = tpu.memref_slice %arg12[%dma_start3A_80, %dma_start3A_81] : memref<128x128xf32, #tpu.memory_space<vmem>> -> memref<128x128xf32, #tpu.memory_space<vmem>>
      tpu.enqueue_dma source(%dma_start3A_82 : memref<128x128xf32, #tpu.memory_space<vmem>>) target(%dma_start3A_79 : memref<128x128xf32, #tpu.memory_space<vmem_shared>>) target_semaphore(%run_scoped3A : memref<!tpu.dma_semaphore, #tpu.memory_space<semaphore_mem>>)
      %dma_wait3A = arith.constant 0 : i32
      %dma_wait3A_83 = arith.constant 0 : i32
      %dma_wait3A_84 = tpu.memref_slice %arg12[%dma_wait3A, %dma_wait3A_83] : memref<128x128xf32, #tpu.memory_space<vmem>> -> memref<128x128xf32, #tpu.memory_space<vmem>>
      %dma_wait3A_85 = arith.constant 0 : i32
      %dma_wait3A_86 = tpu.memref_slice %arg7[%add3A_22, %dma_wait3A_85] : memref<10112x128xf32, #tpu.memory_space<vmem_shared>> -> memref<128x128xf32, #tpu.memory_space<vmem_shared>>
      %dma_wait3A_87 = arith.constant 0 : i32
      %dma_wait3A_88 = tpu.memref_slice %arg7[%add3A_22, %dma_wait3A_87] : memref<10112x128xf32, #tpu.memory_space<vmem_shared>> -> memref<128x128xf32, #tpu.memory_space<vmem_shared>>
      %dma_wait3A_89 = arith.constant 0 : i32
      %dma_wait3A_90 = arith.constant 0 : i32
      %dma_wait3A_91 = tpu.memref_slice %arg12[%dma_wait3A_89, %dma_wait3A_90] : memref<128x128xf32, #tpu.memory_space<vmem>> -> memref<128x128xf32, #tpu.memory_space<vmem>>
      tpu.wait_dma2 semaphore(%run_scoped3A : memref<!tpu.dma_semaphore, #tpu.memory_space<semaphore_mem>>) src(%dma_wait3A_91 : memref<128x128xf32, #tpu.memory_space<vmem>>) dst(%dma_wait3A_88 : memref<128x128xf32, #tpu.memory_space<vmem_shared>>)
      tpu.yield
    }) : () -> ()
    %mul3A_23 = arith.constant 632 : i32
    %mul3A_24 = arith.muli %arg1, %mul3A_23 : i32
    %add3A_25 = arith.constant 512 : i32
    %add3A_26 = arith.addi %mul3A_24, %add3A_25 : i32
    "tpu.region"() ({
      %run_scoped3A = tpu.sem_alloc : memref<!tpu.dma_semaphore, #tpu.memory_space<semaphore_mem>>
      %dma_start3A = arith.constant 0 : i32
      %dma_start3A_74 = arith.constant 0 : i32
      %dma_start3A_75 = tpu.memref_slice %arg12[%dma_start3A, %dma_start3A_74] : memref<128x128xf32, #tpu.memory_space<vmem>> -> memref<120x128xf32, #tpu.memory_space<vmem>>
      %dma_start3A_76 = arith.constant 0 : i32
      %dma_start3A_77 = tpu.memref_slice %arg7[%add3A_26, %dma_start3A_76] : memref<10112x128xf32, #tpu.memory_space<vmem_shared>> -> memref<120x128xf32, #tpu.memory_space<vmem_shared>>
      %dma_start3A_78 = arith.constant 0 : i32
      %dma_start3A_79 = tpu.memref_slice %arg7[%add3A_26, %dma_start3A_78] : memref<10112x128xf32, #tpu.memory_space<vmem_shared>> -> memref<120x128xf32, #tpu.memory_space<vmem_shared>>
      %dma_start3A_80 = arith.constant 0 : i32
      %dma_start3A_81 = arith.constant 0 : i32
      %dma_start3A_82 = tpu.memref_slice %arg12[%dma_start3A_80, %dma_start3A_81] : memref<128x128xf32, #tpu.memory_space<vmem>> -> memref<120x128xf32, #tpu.memory_space<vmem>>
      tpu.enqueue_dma source(%dma_start3A_82 : memref<120x128xf32, #tpu.memory_space<vmem>>) target(%dma_start3A_79 : memref<120x128xf32, #tpu.memory_space<vmem_shared>>) target_semaphore(%run_scoped3A : memref<!tpu.dma_semaphore, #tpu.memory_space<semaphore_mem>>)
      %dma_wait3A = arith.constant 0 : i32
      %dma_wait3A_83 = arith.constant 0 : i32
      %dma_wait3A_84 = tpu.memref_slice %arg12[%dma_wait3A, %dma_wait3A_83] : memref<128x128xf32, #tpu.memory_space<vmem>> -> memref<120x128xf32, #tpu.memory_space<vmem>>
      %dma_wait3A_85 = arith.constant 0 : i32
      %dma_wait3A_86 = tpu.memref_slice %arg7[%add3A_26, %dma_wait3A_85] : memref<10112x128xf32, #tpu.memory_space<vmem_shared>> -> memref<120x128xf32, #tpu.memory_space<vmem_shared>>
      %dma_wait3A_87 = arith.constant 0 : i32
      %dma_wait3A_88 = tpu.memref_slice %arg7[%add3A_26, %dma_wait3A_87] : memref<10112x128xf32, #tpu.memory_space<vmem_shared>> -> memref<120x128xf32, #tpu.memory_space<vmem_shared>>
      %dma_wait3A_89 = arith.constant 0 : i32
      %dma_wait3A_90 = arith.constant 0 : i32
      %dma_wait3A_91 = tpu.memref_slice %arg12[%dma_wait3A_89, %dma_wait3A_90] : memref<128x128xf32, #tpu.memory_space<vmem>> -> memref<120x128xf32, #tpu.memory_space<vmem>>
      tpu.wait_dma2 semaphore(%run_scoped3A : memref<!tpu.dma_semaphore, #tpu.memory_space<semaphore_mem>>) src(%dma_wait3A_91 : memref<120x128xf32, #tpu.memory_space<vmem>>) dst(%dma_wait3A_88 : memref<120x128xf32, #tpu.memory_space<vmem_shared>>)
      tpu.yield
    }) : () -> ()
    %barrier3A = arith.constant 0 : index
    tpu.barrier barrier_id(%barrier3A)
    %scan3A_27 = arith.constant 0 : i32
    %scan3A_28 = arith.constant 0 : i32
    %scan3A_29 = arith.constant 5 : i32
    %scan3A_30 = arith.addi %scan3A_28, %scan3A_29 : i32
    %scan3A_31 = arith.constant 1 : i32
    scf.for %scan3A_74 = %scan3A_28 to %scan3A_30 step %scan3A_31  : i32 {
      %mul3A_75 = arith.constant 80 : i32
      %mul3A_76 = arith.muli %add3A, %mul3A_75 : i32
      %mul3A_77 = arith.constant 16 : i32
      %mul3A_78 = arith.muli %scan3A_74, %mul3A_77 : i32
      %add3A_79 = arith.addi %mul3A_76, %mul3A_78 : i32
      "tpu.region"() ({
        %run_scoped3A = tpu.sem_alloc : memref<!tpu.dma_semaphore, #tpu.memory_space<semaphore_mem>>
        %dma_start3A = arith.constant 0 : i32
        %dma_start3A_86 = tpu.memref_slice %arg4[%add3A_79, %dma_start3A] : memref<2560x128xi32, #tpu.memory_space<hbm>> -> memref<16x128xi32, #tpu.memory_space<hbm>>
        %dma_start3A_87 = arith.constant 0 : i32
        %dma_start3A_88 = tpu.memref_slice %arg4[%add3A_79, %dma_start3A_87] : memref<2560x128xi32, #tpu.memory_space<hbm>> -> memref<16x128xi32, #tpu.memory_space<hbm>>
        tpu.enqueue_dma source(%dma_start3A_88 : memref<16x128xi32, #tpu.memory_space<hbm>>) target(%arg9 : memref<16x128xi32, #tpu.memory_space<vmem>>) target_semaphore(%run_scoped3A : memref<!tpu.dma_semaphore, #tpu.memory_space<semaphore_mem>>)
        %dma_wait3A = arith.constant 0 : i32
        %dma_wait3A_89 = tpu.memref_slice %arg4[%add3A_79, %dma_wait3A] : memref<2560x128xi32, #tpu.memory_space<hbm>> -> memref<16x128xi32, #tpu.memory_space<hbm>>
        %dma_wait3A_90 = arith.constant 0 : i32
        %dma_wait3A_91 = tpu.memref_slice %arg4[%add3A_79, %dma_wait3A_90] : memref<2560x128xi32, #tpu.memory_space<hbm>> -> memref<16x128xi32, #tpu.memory_space<hbm>>
        tpu.wait_dma2 semaphore(%run_scoped3A : memref<!tpu.dma_semaphore, #tpu.memory_space<semaphore_mem>>) src(%dma_wait3A_91 : memref<16x128xi32, #tpu.memory_space<hbm>>) dst(%arg9 : memref<16x128xi32, #tpu.memory_space<vmem>>)
        tpu.yield
      }) : () -> ()
      "tpu.region"() ({
        %run_scoped3A = tpu.sem_alloc : memref<!tpu.dma_semaphore, #tpu.memory_space<semaphore_mem>>
        %dma_start3A = arith.constant 0 : i32
        %dma_start3A_86 = tpu.memref_slice %arg5[%add3A_79, %dma_start3A] : memref<2560x128xi32, #tpu.memory_space<hbm>> -> memref<16x128xi32, #tpu.memory_space<hbm>>
        %dma_start3A_87 = arith.constant 0 : i32
        %dma_start3A_88 = tpu.memref_slice %arg5[%add3A_79, %dma_start3A_87] : memref<2560x128xi32, #tpu.memory_space<hbm>> -> memref<16x128xi32, #tpu.memory_space<hbm>>
        tpu.enqueue_dma source(%dma_start3A_88 : memref<16x128xi32, #tpu.memory_space<hbm>>) target(%arg10 : memref<16x128xi32, #tpu.memory_space<vmem>>) target_semaphore(%run_scoped3A : memref<!tpu.dma_semaphore, #tpu.memory_space<semaphore_mem>>)
        %dma_wait3A = arith.constant 0 : i32
        %dma_wait3A_89 = tpu.memref_slice %arg5[%add3A_79, %dma_wait3A] : memref<2560x128xi32, #tpu.memory_space<hbm>> -> memref<16x128xi32, #tpu.memory_space<hbm>>
        %dma_wait3A_90 = arith.constant 0 : i32
        %dma_wait3A_91 = tpu.memref_slice %arg5[%add3A_79, %dma_wait3A_90] : memref<2560x128xi32, #tpu.memory_space<hbm>> -> memref<16x128xi32, #tpu.memory_space<hbm>>
        tpu.wait_dma2 semaphore(%run_scoped3A : memref<!tpu.dma_semaphore, #tpu.memory_space<semaphore_mem>>) src(%dma_wait3A_91 : memref<16x128xi32, #tpu.memory_space<hbm>>) dst(%arg10 : memref<16x128xi32, #tpu.memory_space<vmem>>)
        tpu.yield
      }) : () -> ()
      %scan3A_80 = arith.constant 0 : i32
      %scan3A_81 = arith.constant 0 : i32
      %scan3A_82 = arith.constant 16 : i32
      %scan3A_83 = arith.addi %scan3A_81, %scan3A_82 : i32
      %scan3A_84 = arith.constant 1 : i32
      scf.for %scan3A_86 = %scan3A_81 to %scan3A_83 step %scan3A_84  : i32 {
        %add3A_87 = arith.addi %add3A_79, %scan3A_86 : i32
        %lt3A = arith.constant 2500 : i32
        %lt3A_88 = arith.cmpi slt, %add3A_87, %lt3A : i32
        %convert_element_type3A = arith.extui %lt3A_88 : i1 to i32
        %cond3A = arith.constant 0 : i32
        %cond3A_89 = arith.cmpi ne, %convert_element_type3A, %cond3A : i32
        scf.if %cond3A_89 {
          %dma_start3A = arith.constant 0 : i32
          %dma_start3A_90 = tpu.memref_slice %arg9[%scan3A_86, %dma_start3A] : memref<16x128xi32, #tpu.memory_space<vmem>> -> memref<1x128xi32, #tpu.memory_space<vmem>>
          %dma_start3A_91 = tpu.memref_squeeze %dma_start3A_90 : memref<1x128xi32, #tpu.memory_space<vmem>> -> memref<128xi32, #tpu.memory_space<vmem>>
          %dma_start3A_92 = arith.constant 0 : i32
          %dma_start3A_93 = arith.constant 0 : i32
          %dma_start3A_94 = tpu.memref_slice %arg2[%dma_start3A_92, %dma_start3A_93] : memref<10000x128xf32, #tpu.memory_space<hbm>> -> memref<10000x128xf32, #tpu.memory_space<hbm>>
          tpu.enqueue_indirect_dma source(%dma_start3A_94 : memref<10000x128xf32, #tpu.memory_space<hbm>>) target(%arg12 : memref<128x128xf32, #tpu.memory_space<vmem>>) offsets(%dma_start3A_91 : memref<128xi32, #tpu.memory_space<vmem>>) semaphore(%arg13 : memref<!tpu.dma_semaphore, #tpu.memory_space<semaphore_mem>>)
          %dma_wait3A = arith.constant 0 : i32
          %dma_wait3A_95 = tpu.memref_slice %arg9[%scan3A_86, %dma_wait3A] : memref<16x128xi32, #tpu.memory_space<vmem>> -> memref<1x128xi32, #tpu.memory_space<vmem>>
          %dma_wait3A_96 = tpu.memref_squeeze %dma_wait3A_95 : memref<1x128xi32, #tpu.memory_space<vmem>> -> memref<128xi32, #tpu.memory_space<vmem>>
          %dma_wait3A_97 = arith.constant 0 : i32
          %dma_wait3A_98 = arith.constant 0 : i32
          %dma_wait3A_99 = tpu.memref_slice %arg2[%dma_wait3A_97, %dma_wait3A_98] : memref<10000x128xf32, #tpu.memory_space<hbm>> -> memref<10000x128xf32, #tpu.memory_space<hbm>>
          tpu.wait_indirect_dma semaphore(%arg13 : memref<!tpu.dma_semaphore, #tpu.memory_space<semaphore_mem>>) src(%dma_wait3A_99 : memref<10000x128xf32, #tpu.memory_space<hbm>>) dst(%arg12 : memref<128x128xf32, #tpu.memory_space<vmem>>)
          %parallel_loop3A = arith.constant 0 : i32
          %parallel_loop3A_100 = arith.constant 8 : i32
          %parallel_loop3A_101 = arith.constant 1 : i32
          scf.for %parallel_loop3A_105 = %parallel_loop3A to %parallel_loop3A_100 step %parallel_loop3A_101  : i32 {
            %parallel_loop3A_106 = arith.constant 16 : i32
            %parallel_loop3A_107 = arith.muli %parallel_loop3A_105, %parallel_loop3A_106 : i32
            %parallel_loop3A_108 = arith.index_cast %scan3A_86 : i32 to index
            %parallel_loop3A_109 = arith.index_cast %parallel_loop3A_107 : i32 to index
            %parallel_loop3A_110 = tpu.vector_load %arg9[%parallel_loop3A_108, %parallel_loop3A_109] {strides = array<i32>} : memref<16x128xi32, #tpu.memory_space<vmem>>, vector<16xi32>,
            %parallel_loop3A_111 = arith.constant 16 : i32
            %parallel_loop3A_112 = arith.muli %parallel_loop3A_105, %parallel_loop3A_111 : i32
            %parallel_loop3A_113 = arith.index_cast %scan3A_86 : i32 to index
            %parallel_loop3A_114 = arith.index_cast %parallel_loop3A_112 : i32 to index
            %parallel_loop3A_115 = tpu.vector_load %arg10[%parallel_loop3A_113, %parallel_loop3A_114] {strides = array<i32>} : memref<16x128xi32, #tpu.memory_space<vmem>>, vector<16xi32>,
            %parallel_loop3A_116 = arith.constant 2 : i32
            %parallel_loop3A_117 = vector.broadcast %parallel_loop3A_116 : i32 to vector<16xi32>
            %parallel_loop3A_118 = arith.muli %parallel_loop3A_110, %parallel_loop3A_117 : vector<16xi32>
            %parallel_loop3A_119 = tpu.vector_load_idx %arg8[%parallel_loop3A_118] : memref<20000xf32, #tpu.memory_space<vmem>>[vector<16xi32>], vector<16xf32>,
            %parallel_loop3A_120 = arith.constant 2 : i32
            %parallel_loop3A_121 = vector.broadcast %parallel_loop3A_120 : i32 to vector<16xi32>
            %parallel_loop3A_122 = arith.muli %parallel_loop3A_115, %parallel_loop3A_121 : vector<16xi32>
            %parallel_loop3A_123 = arith.constant 1 : i32
            %parallel_loop3A_124 = vector.broadcast %parallel_loop3A_123 : i32 to vector<16xi32>
            %parallel_loop3A_125 = arith.addi %parallel_loop3A_122, %parallel_loop3A_124 : vector<16xi32>
            %parallel_loop3A_126 = tpu.vector_load_idx %arg8[%parallel_loop3A_125] : memref<20000xf32, #tpu.memory_space<vmem>>[vector<16xi32>], vector<16xf32>,
            %parallel_loop3A_127 = arith.addf %parallel_loop3A_119, %parallel_loop3A_126 : vector<16xf32>
            %parallel_loop3A_128 = math.absf %parallel_loop3A_127 : vector<16xf32>
            %parallel_loop3A_129 = arith.constant -2.000000e+00 : f32
            %parallel_loop3A_130 = vector.broadcast %parallel_loop3A_129 : f32 to vector<16xf32>
            %parallel_loop3A_131 = arith.mulf %parallel_loop3A_130, %parallel_loop3A_128 : vector<16xf32>
            %parallel_loop3A_132 = math.exp %parallel_loop3A_131 : vector<16xf32>
            %parallel_loop3A_133 = arith.constant 1.000000e+00 : f32
            %parallel_loop3A_134 = vector.broadcast %parallel_loop3A_133 : f32 to vector<16xf32>
            %parallel_loop3A_135 = arith.subf %parallel_loop3A_134, %parallel_loop3A_132 : vector<16xf32>
            %parallel_loop3A_136 = arith.constant 1.000000e+00 : f32
            %parallel_loop3A_137 = vector.broadcast %parallel_loop3A_136 : f32 to vector<16xf32>
            %parallel_loop3A_138 = arith.addf %parallel_loop3A_137, %parallel_loop3A_132 : vector<16xf32>
            %parallel_loop3A_139 = arith.divf %parallel_loop3A_135, %parallel_loop3A_138 : vector<16xf32>
            %parallel_loop3A_140 = arith.constant 0.000000e+00 : f32
            %parallel_loop3A_141 = vector.broadcast %parallel_loop3A_140 : f32 to vector<16xf32>
            %parallel_loop3A_142 = arith.cmpf olt, %parallel_loop3A_127, %parallel_loop3A_141 : vector<16xf32>
            %parallel_loop3A_143 = arith.constant 0.000000e+00 : f32
            %parallel_loop3A_144 = vector.broadcast %parallel_loop3A_143 : f32 to vector<16xf32>
            %parallel_loop3A_145 = arith.subf %parallel_loop3A_144, %parallel_loop3A_139 : vector<16xf32>
            %parallel_loop3A_146 = arith.select %parallel_loop3A_142, %parallel_loop3A_145, %parallel_loop3A_139 : vector<16xi1>, vector<16xf32>
            %parallel_loop3A_147 = arith.constant 16 : i32
            %parallel_loop3A_148 = arith.muli %parallel_loop3A_105, %parallel_loop3A_147 : i32
            %parallel_loop3A_149 = arith.index_cast %parallel_loop3A_148 : i32 to index
            %parallel_loop3A_150 = tpu.vector_load %arg11[%parallel_loop3A_149] {strides = array<i32>} : memref<128xf32, #tpu.memory_space<vmem>>, vector<16xf32>,
            tpu.vector_store %arg11[%parallel_loop3A_149], %parallel_loop3A_146 {strides = array<i32>} : memref<128xf32, #tpu.memory_space<vmem>>, vector<16xf32>,
          } {sc.loop_unroll_factor = 4 : i64, sc.parallel_access}
          %parallel_loop3A_102 = arith.constant 0 : i32
          %parallel_loop3A_103 = arith.constant 128 : i32
          %parallel_loop3A_104 = arith.constant 1 : i32
          scf.for %parallel_loop3A_105 = %parallel_loop3A_102 to %parallel_loop3A_103 step %parallel_loop3A_104  : i32 {
            %parallel_loop3A_106 = vector.broadcast %parallel_loop3A_105 : i32 to vector<16xi32>
            %parallel_loop3A_107 = tpu.vector_load_idx %arg11[%parallel_loop3A_106] : memref<128xf32, #tpu.memory_space<vmem>>[vector<16xi32>], vector<16xf32>,
            %parallel_loop3A_108 = arith.index_cast %parallel_loop3A_105 : i32 to index
            %parallel_loop3A_109 = arith.constant 0 : index
            %parallel_loop3A_110 = tpu.vector_load %arg12[%parallel_loop3A_108, %parallel_loop3A_109] {strides = array<i32>} : memref<128x128xf32, #tpu.memory_space<vmem>>, vector<16xf32>,
            %parallel_loop3A_111 = arith.mulf %parallel_loop3A_110, %parallel_loop3A_107 : vector<16xf32>
            %parallel_loop3A_112 = arith.index_cast %parallel_loop3A_105 : i32 to index
            %parallel_loop3A_113 = arith.constant 0 : index
            %parallel_loop3A_114 = tpu.vector_load %arg12[%parallel_loop3A_112, %parallel_loop3A_113] {strides = array<i32>} : memref<128x128xf32, #tpu.memory_space<vmem>>, vector<16xf32>,
            tpu.vector_store %arg12[%parallel_loop3A_112, %parallel_loop3A_113], %parallel_loop3A_111 {strides = array<i32>} : memref<128x128xf32, #tpu.memory_space<vmem>>, vector<16xf32>,
            %parallel_loop3A_115 = arith.index_cast %parallel_loop3A_105 : i32 to index
            %parallel_loop3A_116 = arith.constant 16 : index
            %parallel_loop3A_117 = tpu.vector_load %arg12[%parallel_loop3A_115, %parallel_loop3A_116] {strides = array<i32>} : memref<128x128xf32, #tpu.memory_space<vmem>>, vector<16xf32>,
            %parallel_loop3A_118 = arith.mulf %parallel_loop3A_117, %parallel_loop3A_107 : vector<16xf32>
            %parallel_loop3A_119 = arith.index_cast %parallel_loop3A_105 : i32 to index
            %parallel_loop3A_120 = arith.constant 16 : index
            %parallel_loop3A_121 = tpu.vector_load %arg12[%parallel_loop3A_119, %parallel_loop3A_120] {strides = array<i32>} : memref<128x128xf32, #tpu.memory_space<vmem>>, vector<16xf32>,
            tpu.vector_store %arg12[%parallel_loop3A_119, %parallel_loop3A_120], %parallel_loop3A_118 {strides = array<i32>} : memref<128x128xf32, #tpu.memory_space<vmem>>, vector<16xf32>,
            %parallel_loop3A_122 = arith.index_cast %parallel_loop3A_105 : i32 to index
            %parallel_loop3A_123 = arith.constant 32 : index
            %parallel_loop3A_124 = tpu.vector_load %arg12[%parallel_loop3A_122, %parallel_loop3A_123] {strides = array<i32>} : memref<128x128xf32, #tpu.memory_space<vmem>>, vector<16xf32>,
            %parallel_loop3A_125 = arith.mulf %parallel_loop3A_124, %parallel_loop3A_107 : vector<16xf32>
            %parallel_loop3A_126 = arith.index_cast %parallel_loop3A_105 : i32 to index
            %parallel_loop3A_127 = arith.constant 32 : index
            %parallel_loop3A_128 = tpu.vector_load %arg12[%parallel_loop3A_126, %parallel_loop3A_127] {strides = array<i32>} : memref<128x128xf32, #tpu.memory_space<vmem>>, vector<16xf32>,
            tpu.vector_store %arg12[%parallel_loop3A_126, %parallel_loop3A_127], %parallel_loop3A_125 {strides = array<i32>} : memref<128x128xf32, #tpu.memory_space<vmem>>, vector<16xf32>,
            %parallel_loop3A_129 = arith.index_cast %parallel_loop3A_105 : i32 to index
            %parallel_loop3A_130 = arith.constant 48 : index
            %parallel_loop3A_131 = tpu.vector_load %arg12[%parallel_loop3A_129, %parallel_loop3A_130] {strides = array<i32>} : memref<128x128xf32, #tpu.memory_space<vmem>>, vector<16xf32>,
            %parallel_loop3A_132 = arith.mulf %parallel_loop3A_131, %parallel_loop3A_107 : vector<16xf32>
            %parallel_loop3A_133 = arith.index_cast %parallel_loop3A_105 : i32 to index
            %parallel_loop3A_134 = arith.constant 48 : index
            %parallel_loop3A_135 = tpu.vector_load %arg12[%parallel_loop3A_133, %parallel_loop3A_134] {strides = array<i32>} : memref<128x128xf32, #tpu.memory_space<vmem>>, vector<16xf32>,
            tpu.vector_store %arg12[%parallel_loop3A_133, %parallel_loop3A_134], %parallel_loop3A_132 {strides = array<i32>} : memref<128x128xf32, #tpu.memory_space<vmem>>, vector<16xf32>,
            %parallel_loop3A_136 = arith.index_cast %parallel_loop3A_105 : i32 to index
            %parallel_loop3A_137 = arith.constant 64 : index
            %parallel_loop3A_138 = tpu.vector_load %arg12[%parallel_loop3A_136, %parallel_loop3A_137] {strides = array<i32>} : memref<128x128xf32, #tpu.memory_space<vmem>>, vector<16xf32>,
            %parallel_loop3A_139 = arith.mulf %parallel_loop3A_138, %parallel_loop3A_107 : vector<16xf32>
            %parallel_loop3A_140 = arith.index_cast %parallel_loop3A_105 : i32 to index
            %parallel_loop3A_141 = arith.constant 64 : index
            %parallel_loop3A_142 = tpu.vector_load %arg12[%parallel_loop3A_140, %parallel_loop3A_141] {strides = array<i32>} : memref<128x128xf32, #tpu.memory_space<vmem>>, vector<16xf32>,
            tpu.vector_store %arg12[%parallel_loop3A_140, %parallel_loop3A_141], %parallel_loop3A_139 {strides = array<i32>} : memref<128x128xf32, #tpu.memory_space<vmem>>, vector<16xf32>,
            %parallel_loop3A_143 = arith.index_cast %parallel_loop3A_105 : i32 to index
            %parallel_loop3A_144 = arith.constant 80 : index
            %parallel_loop3A_145 = tpu.vector_load %arg12[%parallel_loop3A_143, %parallel_loop3A_144] {strides = array<i32>} : memref<128x128xf32, #tpu.memory_space<vmem>>, vector<16xf32>,
            %parallel_loop3A_146 = arith.mulf %parallel_loop3A_145, %parallel_loop3A_107 : vector<16xf32>
            %parallel_loop3A_147 = arith.index_cast %parallel_loop3A_105 : i32 to index
            %parallel_loop3A_148 = arith.constant 80 : index
            %parallel_loop3A_149 = tpu.vector_load %arg12[%parallel_loop3A_147, %parallel_loop3A_148] {strides = array<i32>} : memref<128x128xf32, #tpu.memory_space<vmem>>, vector<16xf32>,
            tpu.vector_store %arg12[%parallel_loop3A_147, %parallel_loop3A_148], %parallel_loop3A_146 {strides = array<i32>} : memref<128x128xf32, #tpu.memory_space<vmem>>, vector<16xf32>,
            %parallel_loop3A_150 = arith.index_cast %parallel_loop3A_105 : i32 to index
            %parallel_loop3A_151 = arith.constant 96 : index
            %parallel_loop3A_152 = tpu.vector_load %arg12[%parallel_loop3A_150, %parallel_loop3A_151] {strides = array<i32>} : memref<128x128xf32, #tpu.memory_space<vmem>>, vector<16xf32>,
            %parallel_loop3A_153 = arith.mulf %parallel_loop3A_152, %parallel_loop3A_107 : vector<16xf32>
            %parallel_loop3A_154 = arith.index_cast %parallel_loop3A_105 : i32 to index
            %parallel_loop3A_155 = arith.constant 96 : index
            %parallel_loop3A_156 = tpu.vector_load %arg12[%parallel_loop3A_154, %parallel_loop3A_155] {strides = array<i32>} : memref<128x128xf32, #tpu.memory_space<vmem>>, vector<16xf32>,
            tpu.vector_store %arg12[%parallel_loop3A_154, %parallel_loop3A_155], %parallel_loop3A_153 {strides = array<i32>} : memref<128x128xf32, #tpu.memory_space<vmem>>, vector<16xf32>,
            %parallel_loop3A_157 = arith.index_cast %parallel_loop3A_105 : i32 to index
            %parallel_loop3A_158 = arith.constant 112 : index
            %parallel_loop3A_159 = tpu.vector_load %arg12[%parallel_loop3A_157, %parallel_loop3A_158] {strides = array<i32>} : memref<128x128xf32, #tpu.memory_space<vmem>>, vector<16xf32>,
            %parallel_loop3A_160 = arith.mulf %parallel_loop3A_159, %parallel_loop3A_107 : vector<16xf32>
            %parallel_loop3A_161 = arith.index_cast %parallel_loop3A_105 : i32 to index
            %parallel_loop3A_162 = arith.constant 112 : index
            %parallel_loop3A_163 = tpu.vector_load %arg12[%parallel_loop3A_161, %parallel_loop3A_162] {strides = array<i32>} : memref<128x128xf32, #tpu.memory_space<vmem>>, vector<16xf32>,
            tpu.vector_store %arg12[%parallel_loop3A_161, %parallel_loop3A_162], %parallel_loop3A_160 {strides = array<i32>} : memref<128x128xf32, #tpu.memory_space<vmem>>, vector<16xf32>,
          } {sc.loop_unroll_factor = 8 : i64, sc.parallel_access}
          "tpu.region"() ({
            %run_scoped3A = tpu.sem_alloc : memref<!tpu.dma_semaphore, #tpu.memory_space<semaphore_mem>>
            %dma_start3A_105 = arith.constant 0 : i32
            %dma_start3A_106 = tpu.memref_slice %arg10[%scan3A_86, %dma_start3A_105] : memref<16x128xi32, #tpu.memory_space<vmem>> -> memref<1x128xi32, #tpu.memory_space<vmem>>
            %dma_start3A_107 = tpu.memref_squeeze %dma_start3A_106 : memref<1x128xi32, #tpu.memory_space<vmem>> -> memref<128xi32, #tpu.memory_space<vmem>>
            %dma_start3A_108 = arith.constant 0 : i32
            %dma_start3A_109 = arith.constant 0 : i32
            %dma_start3A_110 = tpu.memref_slice %arg7[%dma_start3A_108, %dma_start3A_109] : memref<10112x128xf32, #tpu.memory_space<vmem_shared>> -> memref<10112x128xf32, #tpu.memory_space<vmem_shared>>
            tpu.enqueue_indirect_dma source(%arg12 : memref<128x128xf32, #tpu.memory_space<vmem>>) target(%dma_start3A_110 : memref<10112x128xf32, #tpu.memory_space<vmem_shared>>) offsets(%dma_start3A_107 : memref<128xi32, #tpu.memory_space<vmem>>) semaphore(%run_scoped3A : memref<!tpu.dma_semaphore, #tpu.memory_space<semaphore_mem>>) {add = true}
            %dma_wait3A_111 = arith.constant 0 : i32
            %dma_wait3A_112 = tpu.memref_slice %arg10[%scan3A_86, %dma_wait3A_111] : memref<16x128xi32, #tpu.memory_space<vmem>> -> memref<1x128xi32, #tpu.memory_space<vmem>>
            %dma_wait3A_113 = tpu.memref_squeeze %dma_wait3A_112 : memref<1x128xi32, #tpu.memory_space<vmem>> -> memref<128xi32, #tpu.memory_space<vmem>>
            %dma_wait3A_114 = arith.constant 0 : i32
            %dma_wait3A_115 = arith.constant 0 : i32
            %dma_wait3A_116 = tpu.memref_slice %arg7[%dma_wait3A_114, %dma_wait3A_115] : memref<10112x128xf32, #tpu.memory_space<vmem_shared>> -> memref<10112x128xf32, #tpu.memory_space<vmem_shared>>
            tpu.wait_indirect_dma semaphore(%run_scoped3A : memref<!tpu.dma_semaphore, #tpu.memory_space<semaphore_mem>>) src(%arg12 : memref<128x128xf32, #tpu.memory_space<vmem>>) dst(%dma_wait3A_116 : memref<10112x128xf32, #tpu.memory_space<vmem_shared>>)
            tpu.yield
          }) : () -> ()
        } else {
        }
      }
      %scan3A_85 = arith.constant 16 : i32
    }
    %scan3A_32 = arith.constant 5 : i32
    %barrier3A_33 = arith.constant 0 : index
    tpu.barrier barrier_id(%barrier3A_33)
    %mul3A_34 = arith.constant 632 : i32
    %mul3A_35 = arith.muli %arg1, %mul3A_34 : i32
    %add3A_36 = arith.constant 0 : i32
    %add3A_37 = arith.addi %mul3A_35, %add3A_36 : i32
    %mul3A_38 = arith.constant 632 : i32
    %mul3A_39 = arith.muli %arg1, %mul3A_38 : i32
    %add3A_40 = arith.constant 0 : i32
    %add3A_41 = arith.addi %mul3A_39, %add3A_40 : i32
    "tpu.region"() ({
      %run_scoped3A = tpu.sem_alloc : memref<!tpu.dma_semaphore, #tpu.memory_space<semaphore_mem>>
      %dma_start3A = arith.constant 0 : i32
      %dma_start3A_74 = tpu.memref_slice %arg6[%arg0, %add3A_41, %dma_start3A] : memref<2x10112x128xf32, #tpu.memory_space<hbm>> -> memref<1x128x128xf32, #tpu.memory_space<hbm>>
      %dma_start3A_75 = tpu.memref_squeeze %dma_start3A_74 : memref<1x128x128xf32, #tpu.memory_space<hbm>> -> memref<128x128xf32, #tpu.memory_space<hbm>>
      %dma_start3A_76 = arith.constant 0 : i32
      %dma_start3A_77 = tpu.memref_slice %arg7[%add3A_37, %dma_start3A_76] : memref<10112x128xf32, #tpu.memory_space<vmem_shared>> -> memref<128x128xf32, #tpu.memory_space<vmem_shared>>
      tpu.enqueue_dma source(%dma_start3A_77 : memref<128x128xf32, #tpu.memory_space<vmem_shared>>) target(%dma_start3A_75 : memref<128x128xf32, #tpu.memory_space<hbm>>) target_semaphore(%run_scoped3A : memref<!tpu.dma_semaphore, #tpu.memory_space<semaphore_mem>>)
      %dma_wait3A = arith.constant 0 : i32
      %dma_wait3A_78 = tpu.memref_slice %arg6[%arg0, %add3A_41, %dma_wait3A] : memref<2x10112x128xf32, #tpu.memory_space<hbm>> -> memref<1x128x128xf32, #tpu.memory_space<hbm>>
      %dma_wait3A_79 = tpu.memref_squeeze %dma_wait3A_78 : memref<1x128x128xf32, #tpu.memory_space<hbm>> -> memref<128x128xf32, #tpu.memory_space<hbm>>
      %dma_wait3A_80 = arith.constant 0 : i32
      %dma_wait3A_81 = tpu.memref_slice %arg7[%add3A_37, %dma_wait3A_80] : memref<10112x128xf32, #tpu.memory_space<vmem_shared>> -> memref<128x128xf32, #tpu.memory_space<vmem_shared>>
      tpu.wait_dma2 semaphore(%run_scoped3A : memref<!tpu.dma_semaphore, #tpu.memory_space<semaphore_mem>>) src(%dma_wait3A_81 : memref<128x128xf32, #tpu.memory_space<vmem_shared>>) dst(%dma_wait3A_79 : memref<128x128xf32, #tpu.memory_space<hbm>>)
      tpu.yield
    }) : () -> ()
    %mul3A_42 = arith.constant 632 : i32
    %mul3A_43 = arith.muli %arg1, %mul3A_42 : i32
    %add3A_44 = arith.constant 128 : i32
    %add3A_45 = arith.addi %mul3A_43, %add3A_44 : i32
    %mul3A_46 = arith.constant 632 : i32
    %mul3A_47 = arith.muli %arg1, %mul3A_46 : i32
    %add3A_48 = arith.constant 128 : i32
    %add3A_49 = arith.addi %mul3A_47, %add3A_48 : i32
    "tpu.region"() ({
      %run_scoped3A = tpu.sem_alloc : memref<!tpu.dma_semaphore, #tpu.memory_space<semaphore_mem>>
      %dma_start3A = arith.constant 0 : i32
      %dma_start3A_74 = tpu.memref_slice %arg6[%arg0, %add3A_49, %dma_start3A] : memref<2x10112x128xf32, #tpu.memory_space<hbm>> -> memref<1x128x128xf32, #tpu.memory_space<hbm>>
      %dma_start3A_75 = tpu.memref_squeeze %dma_start3A_74 : memref<1x128x128xf32, #tpu.memory_space<hbm>> -> memref<128x128xf32, #tpu.memory_space<hbm>>
      %dma_start3A_76 = arith.constant 0 : i32
      %dma_start3A_77 = tpu.memref_slice %arg7[%add3A_45, %dma_start3A_76] : memref<10112x128xf32, #tpu.memory_space<vmem_shared>> -> memref<128x128xf32, #tpu.memory_space<vmem_shared>>
      tpu.enqueue_dma source(%dma_start3A_77 : memref<128x128xf32, #tpu.memory_space<vmem_shared>>) target(%dma_start3A_75 : memref<128x128xf32, #tpu.memory_space<hbm>>) target_semaphore(%run_scoped3A : memref<!tpu.dma_semaphore, #tpu.memory_space<semaphore_mem>>)
      %dma_wait3A = arith.constant 0 : i32
      %dma_wait3A_78 = tpu.memref_slice %arg6[%arg0, %add3A_49, %dma_wait3A] : memref<2x10112x128xf32, #tpu.memory_space<hbm>> -> memref<1x128x128xf32, #tpu.memory_space<hbm>>
      %dma_wait3A_79 = tpu.memref_squeeze %dma_wait3A_78 : memref<1x128x128xf32, #tpu.memory_space<hbm>> -> memref<128x128xf32, #tpu.memory_space<hbm>>
      %dma_wait3A_80 = arith.constant 0 : i32
      %dma_wait3A_81 = tpu.memref_slice %arg7[%add3A_45, %dma_wait3A_80] : memref<10112x128xf32, #tpu.memory_space<vmem_shared>> -> memref<128x128xf32, #tpu.memory_space<vmem_shared>>
      tpu.wait_dma2 semaphore(%run_scoped3A : memref<!tpu.dma_semaphore, #tpu.memory_space<semaphore_mem>>) src(%dma_wait3A_81 : memref<128x128xf32, #tpu.memory_space<vmem_shared>>) dst(%dma_wait3A_79 : memref<128x128xf32, #tpu.memory_space<hbm>>)
      tpu.yield
    }) : () -> ()
    %mul3A_50 = arith.constant 632 : i32
    %mul3A_51 = arith.muli %arg1, %mul3A_50 : i32
    %add3A_52 = arith.constant 256 : i32
    %add3A_53 = arith.addi %mul3A_51, %add3A_52 : i32
    %mul3A_54 = arith.constant 632 : i32
    %mul3A_55 = arith.muli %arg1, %mul3A_54 : i32
    %add3A_56 = arith.constant 256 : i32
    %add3A_57 = arith.addi %mul3A_55, %add3A_56 : i32
    "tpu.region"() ({
      %run_scoped3A = tpu.sem_alloc : memref<!tpu.dma_semaphore, #tpu.memory_space<semaphore_mem>>
      %dma_start3A = arith.constant 0 : i32
      %dma_start3A_74 = tpu.memref_slice %arg6[%arg0, %add3A_57, %dma_start3A] : memref<2x10112x128xf32, #tpu.memory_space<hbm>> -> memref<1x128x128xf32, #tpu.memory_space<hbm>>
      %dma_start3A_75 = tpu.memref_squeeze %dma_start3A_74 : memref<1x128x128xf32, #tpu.memory_space<hbm>> -> memref<128x128xf32, #tpu.memory_space<hbm>>
      %dma_start3A_76 = arith.constant 0 : i32
      %dma_start3A_77 = tpu.memref_slice %arg7[%add3A_53, %dma_start3A_76] : memref<10112x128xf32, #tpu.memory_space<vmem_shared>> -> memref<128x128xf32, #tpu.memory_space<vmem_shared>>
      tpu.enqueue_dma source(%dma_start3A_77 : memref<128x128xf32, #tpu.memory_space<vmem_shared>>) target(%dma_start3A_75 : memref<128x128xf32, #tpu.memory_space<hbm>>) target_semaphore(%run_scoped3A : memref<!tpu.dma_semaphore, #tpu.memory_space<semaphore_mem>>)
      %dma_wait3A = arith.constant 0 : i32
      %dma_wait3A_78 = tpu.memref_slice %arg6[%arg0, %add3A_57, %dma_wait3A] : memref<2x10112x128xf32, #tpu.memory_space<hbm>> -> memref<1x128x128xf32, #tpu.memory_space<hbm>>
      %dma_wait3A_79 = tpu.memref_squeeze %dma_wait3A_78 : memref<1x128x128xf32, #tpu.memory_space<hbm>> -> memref<128x128xf32, #tpu.memory_space<hbm>>
      %dma_wait3A_80 = arith.constant 0 : i32
      %dma_wait3A_81 = tpu.memref_slice %arg7[%add3A_53, %dma_wait3A_80] : memref<10112x128xf32, #tpu.memory_space<vmem_shared>> -> memref<128x128xf32, #tpu.memory_space<vmem_shared>>
      tpu.wait_dma2 semaphore(%run_scoped3A : memref<!tpu.dma_semaphore, #tpu.memory_space<semaphore_mem>>) src(%dma_wait3A_81 : memref<128x128xf32, #tpu.memory_space<vmem_shared>>) dst(%dma_wait3A_79 : memref<128x128xf32, #tpu.memory_space<hbm>>)
      tpu.yield
    }) : () -> ()
    %mul3A_58 = arith.constant 632 : i32
    %mul3A_59 = arith.muli %arg1, %mul3A_58 : i32
    %add3A_60 = arith.constant 384 : i32
    %add3A_61 = arith.addi %mul3A_59, %add3A_60 : i32
    %mul3A_62 = arith.constant 632 : i32
    %mul3A_63 = arith.muli %arg1, %mul3A_62 : i32
    %add3A_64 = arith.constant 384 : i32
    %add3A_65 = arith.addi %mul3A_63, %add3A_64 : i32
    "tpu.region"() ({
      %run_scoped3A = tpu.sem_alloc : memref<!tpu.dma_semaphore, #tpu.memory_space<semaphore_mem>>
      %dma_start3A = arith.constant 0 : i32
      %dma_start3A_74 = tpu.memref_slice %arg6[%arg0, %add3A_65, %dma_start3A] : memref<2x10112x128xf32, #tpu.memory_space<hbm>> -> memref<1x128x128xf32, #tpu.memory_space<hbm>>
      %dma_start3A_75 = tpu.memref_squeeze %dma_start3A_74 : memref<1x128x128xf32, #tpu.memory_space<hbm>> -> memref<128x128xf32, #tpu.memory_space<hbm>>
      %dma_start3A_76 = arith.constant 0 : i32
      %dma_start3A_77 = tpu.memref_slice %arg7[%add3A_61, %dma_start3A_76] : memref<10112x128xf32, #tpu.memory_space<vmem_shared>> -> memref<128x128xf32, #tpu.memory_space<vmem_shared>>
      tpu.enqueue_dma source(%dma_start3A_77 : memref<128x128xf32, #tpu.memory_space<vmem_shared>>) target(%dma_start3A_75 : memref<128x128xf32, #tpu.memory_space<hbm>>) target_semaphore(%run_scoped3A : memref<!tpu.dma_semaphore, #tpu.memory_space<semaphore_mem>>)
      %dma_wait3A = arith.constant 0 : i32
      %dma_wait3A_78 = tpu.memref_slice %arg6[%arg0, %add3A_65, %dma_wait3A] : memref<2x10112x128xf32, #tpu.memory_space<hbm>> -> memref<1x128x128xf32, #tpu.memory_space<hbm>>
      %dma_wait3A_79 = tpu.memref_squeeze %dma_wait3A_78 : memref<1x128x128xf32, #tpu.memory_space<hbm>> -> memref<128x128xf32, #tpu.memory_space<hbm>>
      %dma_wait3A_80 = arith.constant 0 : i32
      %dma_wait3A_81 = tpu.memref_slice %arg7[%add3A_61, %dma_wait3A_80] : memref<10112x128xf32, #tpu.memory_space<vmem_shared>> -> memref<128x128xf32, #tpu.memory_space<vmem_shared>>
      tpu.wait_dma2 semaphore(%run_scoped3A : memref<!tpu.dma_semaphore, #tpu.memory_space<semaphore_mem>>) src(%dma_wait3A_81 : memref<128x128xf32, #tpu.memory_space<vmem_shared>>) dst(%dma_wait3A_79 : memref<128x128xf32, #tpu.memory_space<hbm>>)
      tpu.yield
    }) : () -> ()
    %mul3A_66 = arith.constant 632 : i32
    %mul3A_67 = arith.muli %arg1, %mul3A_66 : i32
    %add3A_68 = arith.constant 512 : i32
    %add3A_69 = arith.addi %mul3A_67, %add3A_68 : i32
    %mul3A_70 = arith.constant 632 : i32
    %mul3A_71 = arith.muli %arg1, %mul3A_70 : i32
    %add3A_72 = arith.constant 512 : i32
    %add3A_73 = arith.addi %mul3A_71, %add3A_72 : i32
    "tpu.region"() ({
      %run_scoped3A = tpu.sem_alloc : memref<!tpu.dma_semaphore, #tpu.memory_space<semaphore_mem>>
      %dma_start3A = arith.constant 0 : i32
      %dma_start3A_74 = tpu.memref_slice %arg6[%arg0, %add3A_73, %dma_start3A] : memref<2x10112x128xf32, #tpu.memory_space<hbm>> -> memref<1x120x128xf32, #tpu.memory_space<hbm>>
      %dma_start3A_75 = tpu.memref_squeeze %dma_start3A_74 : memref<1x120x128xf32, #tpu.memory_space<hbm>> -> memref<120x128xf32, #tpu.memory_space<hbm>>
      %dma_start3A_76 = arith.constant 0 : i32
      %dma_start3A_77 = tpu.memref_slice %arg7[%add3A_69, %dma_start3A_76] : memref<10112x128xf32, #tpu.memory_space<vmem_shared>> -> memref<120x128xf32, #tpu.memory_space<vmem_shared>>
      tpu.enqueue_dma source(%dma_start3A_77 : memref<120x128xf32, #tpu.memory_space<vmem_shared>>) target(%dma_start3A_75 : memref<120x128xf32, #tpu.memory_space<hbm>>) target_semaphore(%run_scoped3A : memref<!tpu.dma_semaphore, #tpu.memory_space<semaphore_mem>>)
      %dma_wait3A = arith.constant 0 : i32
      %dma_wait3A_78 = tpu.memref_slice %arg6[%arg0, %add3A_73, %dma_wait3A] : memref<2x10112x128xf32, #tpu.memory_space<hbm>> -> memref<1x120x128xf32, #tpu.memory_space<hbm>>
      %dma_wait3A_79 = tpu.memref_squeeze %dma_wait3A_78 : memref<1x120x128xf32, #tpu.memory_space<hbm>> -> memref<120x128xf32, #tpu.memory_space<hbm>>
      %dma_wait3A_80 = arith.constant 0 : i32
      %dma_wait3A_81 = tpu.memref_slice %arg7[%add3A_69, %dma_wait3A_80] : memref<10112x128xf32, #tpu.memory_space<vmem_shared>> -> memref<120x128xf32, #tpu.memory_space<vmem_shared>>
      tpu.wait_dma2 semaphore(%run_scoped3A : memref<!tpu.dma_semaphore, #tpu.memory_space<semaphore_mem>>) src(%dma_wait3A_81 : memref<120x128xf32, #tpu.memory_space<vmem_shared>>) dst(%dma_wait3A_79 : memref<120x128xf32, #tpu.memory_space<hbm>>)
      tpu.yield
    }) : () -> ()
    return
  }
}

module attributes {stable_mosaic.version = 14 : i64} {
  func.func @_prep_body(%arg0: memref<10000x128xf32, #tpu.memory_space<vmem>>, %arg1: memref<128x128xf32, #tpu.memory_space<vmem>>, %arg2: memref<1x128xf32, #tpu.memory_space<vmem>>, %arg3: memref<128x2xf32, #tpu.memory_space<vmem>>, %arg4: memref<1x2xf32, #tpu.memory_space<vmem>>, %arg5: memref<10000x128xf32, #tpu.memory_space<vmem>>, %arg6: memref<10000x2xf32, #tpu.memory_space<vmem>>) attributes {dimension_semantics = [], scalar_prefetch = 0 : i64, scratch_operands = 0 : i64, tpu.core_type = #tpu.core_type<tc>} {
    %get3A = arith.constant 0 : index
    %get3A_0 = arith.constant 0 : index
    %get3A_1 = vector.load %arg0[%get3A, %get3A_0] : memref<10000x128xf32, #tpu.memory_space<vmem>>, vector<10000x128xf32>
    %get3A_2 = arith.constant 0 : index
    %get3A_3 = arith.constant 0 : index
    %get3A_4 = vector.load %arg1[%get3A_2, %get3A_3] : memref<128x128xf32, #tpu.memory_space<vmem>>, vector<128x128xf32>
    %dot_general3A = arith.constant dense<0.000000e+00> : vector<10000x128xf32>
    %dot_general3A_5 = tpu.matmul %get3A_1, %get3A_4, %dot_general3A {dimension_numbers = #tpu.dot_dimension_numbers<[1], [0], [0], [1], [0, 0, 1, 1], [], []>, transpose_lhs_hint = false} : vector<10000x128xf32>, vector<128x128xf32>, vector<10000x128xf32> -> vector<10000x128xf32>
    %get3A_6 = arith.constant 0 : index
    %get3A_7 = arith.constant 0 : index
    %get3A_8 = vector.load %arg2[%get3A_6, %get3A_7] : memref<1x128xf32, #tpu.memory_space<vmem>>, vector<1x128xf32>
    %add3A = vector.broadcast %get3A_8 : vector<1x128xf32> to vector<10000x128xf32>
    %add3A_9 = arith.addf %dot_general3A_5, %add3A : vector<10000x128xf32>
    %max3A = arith.constant 0.000000e+00 : f32
    %max3A_10 = vector.broadcast %max3A : f32 to vector<10000x128xf32>
    %max3A_11 = arith.maximumf %add3A_9, %max3A_10 : vector<10000x128xf32>
    %swap3A = arith.constant 0 : index
    %swap3A_12 = arith.constant 0 : index
    %swap3A_13 = vector.load %arg5[%swap3A, %swap3A_12] : memref<10000x128xf32, #tpu.memory_space<vmem>>, vector<10000x128xf32>
    tpu.vector_store %arg5[%swap3A, %swap3A_12], %max3A_11 {strides = array<i32>} : memref<10000x128xf32, #tpu.memory_space<vmem>>, vector<10000x128xf32>,
    %get3A_14 = arith.constant 0 : index
    %get3A_15 = arith.constant 0 : index
    %get3A_16 = vector.load %arg3[%get3A_14, %get3A_15] : memref<128x2xf32, #tpu.memory_space<vmem>>, vector<128x2xf32>
    %dot_general3A_17 = arith.constant dense<0.000000e+00> : vector<10000x2xf32>
    %dot_general3A_18 = tpu.matmul %max3A_11, %get3A_16, %dot_general3A_17 {dimension_numbers = #tpu.dot_dimension_numbers<[1], [0], [0], [1], [0, 0, 1, 1], [], []>, transpose_lhs_hint = false} : vector<10000x128xf32>, vector<128x2xf32>, vector<10000x2xf32> -> vector<10000x2xf32>
    %get3A_19 = arith.constant 0 : index
    %get3A_20 = arith.constant 0 : index
    %get3A_21 = vector.load %arg4[%get3A_19, %get3A_20] : memref<1x2xf32, #tpu.memory_space<vmem>>, vector<1x2xf32>
    %add3A_22 = vector.broadcast %get3A_21 : vector<1x2xf32> to vector<10000x2xf32>
    %add3A_23 = arith.addf %dot_general3A_18, %add3A_22 : vector<10000x2xf32>
    %swap3A_24 = arith.constant 0 : index
    %swap3A_25 = arith.constant 0 : index
    %swap3A_26 = vector.load %arg6[%swap3A_24, %swap3A_25] : memref<10000x2xf32, #tpu.memory_space<vmem>>, vector<10000x2xf32>
    tpu.vector_store %arg6[%swap3A_24, %swap3A_25], %add3A_23 {strides = array<i32>} : memref<10000x2xf32, #tpu.memory_space<vmem>>, vector<10000x2xf32>,
    return
  }
}

module attributes {stable_mosaic.version = 14 : i64} {
  func.func @_combine_body(%arg0: memref<10000x128xf32, #tpu.memory_space<vmem>>, %arg1: memref<2x10112x128xf32, #tpu.memory_space<vmem>>, %arg2: memref<1x1xf32, #tpu.memory_space<vmem>>, %arg3: memref<128x2xf32, #tpu.memory_space<vmem>>, %arg4: memref<1x2xf32, #tpu.memory_space<vmem>>, %arg5: memref<10000x128xf32, #tpu.memory_space<vmem>>, %arg6: memref<10000x2xf32, #tpu.memory_space<vmem>>) attributes {dimension_semantics = [], scalar_prefetch = 0 : i64, scratch_operands = 0 : i64, tpu.core_type = #tpu.core_type<tc>} {
    %get3A = arith.constant 0 : index
    %get3A_0 = arith.constant 0 : index
    %get3A_1 = vector.load %arg2[%get3A, %get3A_0] : memref<1x1xf32, #tpu.memory_space<vmem>>, vector<1x1xf32>
    %get3A_2 = vector.extract %get3A_1[0, 0] : f32 from vector<1x1xf32>
    %get3A_3 = arith.constant 0 : index
    %get3A_4 = arith.constant 0 : index
    %get3A_5 = arith.constant 0 : index
    %get3A_6 = vector.load %arg1[%get3A_3, %get3A_4, %get3A_5] : memref<2x10112x128xf32, #tpu.memory_space<vmem>>, vector<1x10000x128xf32>
    %get3A_7 = vector.shape_cast %get3A_6 : vector<1x10000x128xf32> to vector<10000x128xf32>
    %get3A_8 = arith.constant 1 : index
    %get3A_9 = arith.constant 0 : index
    %get3A_10 = arith.constant 0 : index
    %get3A_11 = vector.load %arg1[%get3A_8, %get3A_9, %get3A_10] : memref<2x10112x128xf32, #tpu.memory_space<vmem>>, vector<1x10000x128xf32>
    %get3A_12 = vector.shape_cast %get3A_11 : vector<1x10000x128xf32> to vector<10000x128xf32>
    %add3A = arith.addf %get3A_7, %get3A_12 : vector<10000x128xf32>
    %get3A_13 = arith.constant 0 : index
    %get3A_14 = arith.constant 0 : index
    %get3A_15 = vector.load %arg0[%get3A_13, %get3A_14] : memref<10000x128xf32, #tpu.memory_space<vmem>>, vector<10000x128xf32>
    %mul3A = vector.broadcast %get3A_2 : f32 to vector<10000x128xf32>
    %mul3A_16 = arith.mulf %mul3A, %get3A_15 : vector<10000x128xf32>
    %sub3A = arith.constant 1.000000e+00 : f32
    %sub3A_17 = arith.subf %sub3A, %get3A_2 : f32
    %mul3A_18 = vector.broadcast %sub3A_17 : f32 to vector<10000x128xf32>
    %mul3A_19 = arith.mulf %mul3A_18, %add3A : vector<10000x128xf32>
    %add3A_20 = arith.addf %mul3A_16, %mul3A_19 : vector<10000x128xf32>
    %max3A = arith.constant 0.000000e+00 : f32
    %max3A_21 = vector.broadcast %max3A : f32 to vector<10000x128xf32>
    %max3A_22 = arith.maximumf %add3A_20, %max3A_21 : vector<10000x128xf32>
    %swap3A = arith.constant 0 : index
    %swap3A_23 = arith.constant 0 : index
    %swap3A_24 = vector.load %arg5[%swap3A, %swap3A_23] : memref<10000x128xf32, #tpu.memory_space<vmem>>, vector<10000x128xf32>
    tpu.vector_store %arg5[%swap3A, %swap3A_23], %max3A_22 {strides = array<i32>} : memref<10000x128xf32, #tpu.memory_space<vmem>>, vector<10000x128xf32>,
    %get3A_25 = arith.constant 0 : index
    %get3A_26 = arith.constant 0 : index
    %get3A_27 = vector.load %arg3[%get3A_25, %get3A_26] : memref<128x2xf32, #tpu.memory_space<vmem>>, vector<128x2xf32>
    %dot_general3A = arith.constant dense<0.000000e+00> : vector<10000x2xf32>
    %dot_general3A_28 = tpu.matmul %max3A_22, %get3A_27, %dot_general3A {dimension_numbers = #tpu.dot_dimension_numbers<[1], [0], [0], [1], [0, 0, 1, 1], [], []>, transpose_lhs_hint = false} : vector<10000x128xf32>, vector<128x2xf32>, vector<10000x2xf32> -> vector<10000x2xf32>
    %get3A_29 = arith.constant 0 : index
    %get3A_30 = arith.constant 0 : index
    %get3A_31 = vector.load %arg4[%get3A_29, %get3A_30] : memref<1x2xf32, #tpu.memory_space<vmem>>, vector<1x2xf32>
    %add3A_32 = vector.broadcast %get3A_31 : vector<1x2xf32> to vector<10000x2xf32>
    %add3A_33 = arith.addf %dot_general3A_28, %add3A_32 : vector<10000x2xf32>
    %swap3A_34 = arith.constant 0 : index
    %swap3A_35 = arith.constant 0 : index
    %swap3A_36 = vector.load %arg6[%swap3A_34, %swap3A_35] : memref<10000x2xf32, #tpu.memory_space<vmem>>, vector<10000x2xf32>
    tpu.vector_store %arg6[%swap3A_34, %swap3A_35], %add3A_33 {strides = array<i32>} : memref<10000x2xf32, #tpu.memory_space<vmem>>, vector<10000x2xf32>,
    return
  }
}

module attributes {stable_mosaic.version = 14 : i64} {
  func.func @_final_body(%arg0: memref<10000x128xf32, #tpu.memory_space<vmem>>, %arg1: memref<2x10112x128xf32, #tpu.memory_space<vmem>>, %arg2: memref<1x1xf32, #tpu.memory_space<vmem>>, %arg3: memref<128x64xf32, #tpu.memory_space<vmem>>, %arg4: memref<1x64xf32, #tpu.memory_space<vmem>>, %arg5: memref<10000x64xf32, #tpu.memory_space<vmem>>) attributes {dimension_semantics = [], scalar_prefetch = 0 : i64, scratch_operands = 0 : i64, tpu.core_type = #tpu.core_type<tc>} {
    %get3A = arith.constant 0 : index
    %get3A_0 = arith.constant 0 : index
    %get3A_1 = vector.load %arg2[%get3A, %get3A_0] : memref<1x1xf32, #tpu.memory_space<vmem>>, vector<1x1xf32>
    %get3A_2 = vector.extract %get3A_1[0, 0] : f32 from vector<1x1xf32>
    %get3A_3 = arith.constant 0 : index
    %get3A_4 = arith.constant 0 : index
    %get3A_5 = arith.constant 0 : index
    %get3A_6 = vector.load %arg1[%get3A_3, %get3A_4, %get3A_5] : memref<2x10112x128xf32, #tpu.memory_space<vmem>>, vector<1x10000x128xf32>
    %get3A_7 = vector.shape_cast %get3A_6 : vector<1x10000x128xf32> to vector<10000x128xf32>
    %get3A_8 = arith.constant 1 : index
    %get3A_9 = arith.constant 0 : index
    %get3A_10 = arith.constant 0 : index
    %get3A_11 = vector.load %arg1[%get3A_8, %get3A_9, %get3A_10] : memref<2x10112x128xf32, #tpu.memory_space<vmem>>, vector<1x10000x128xf32>
    %get3A_12 = vector.shape_cast %get3A_11 : vector<1x10000x128xf32> to vector<10000x128xf32>
    %add3A = arith.addf %get3A_7, %get3A_12 : vector<10000x128xf32>
    %get3A_13 = arith.constant 0 : index
    %get3A_14 = arith.constant 0 : index
    %get3A_15 = vector.load %arg0[%get3A_13, %get3A_14] : memref<10000x128xf32, #tpu.memory_space<vmem>>, vector<10000x128xf32>
    %mul3A = vector.broadcast %get3A_2 : f32 to vector<10000x128xf32>
    %mul3A_16 = arith.mulf %mul3A, %get3A_15 : vector<10000x128xf32>
    %sub3A = arith.constant 1.000000e+00 : f32
    %sub3A_17 = arith.subf %sub3A, %get3A_2 : f32
    %mul3A_18 = vector.broadcast %sub3A_17 : f32 to vector<10000x128xf32>
    %mul3A_19 = arith.mulf %mul3A_18, %add3A : vector<10000x128xf32>
    %add3A_20 = arith.addf %mul3A_16, %mul3A_19 : vector<10000x128xf32>
    %max3A = arith.constant 0.000000e+00 : f32
    %max3A_21 = vector.broadcast %max3A : f32 to vector<10000x128xf32>
    %max3A_22 = arith.maximumf %add3A_20, %max3A_21 : vector<10000x128xf32>
    %get3A_23 = arith.constant 0 : index
    %get3A_24 = arith.constant 0 : index
    %get3A_25 = vector.load %arg3[%get3A_23, %get3A_24] : memref<128x64xf32, #tpu.memory_space<vmem>>, vector<128x64xf32>
    %dot_general3A = arith.constant dense<0.000000e+00> : vector<10000x64xf32>
    %dot_general3A_26 = tpu.matmul %max3A_22, %get3A_25, %dot_general3A {dimension_numbers = #tpu.dot_dimension_numbers<[1], [0], [0], [1], [0, 0, 1, 1], [], []>, transpose_lhs_hint = false} : vector<10000x128xf32>, vector<128x64xf32>, vector<10000x64xf32> -> vector<10000x64xf32>
    %get3A_27 = arith.constant 0 : index
    %get3A_28 = arith.constant 0 : index
    %get3A_29 = vector.load %arg4[%get3A_27, %get3A_28] : memref<1x64xf32, #tpu.memory_space<vmem>>, vector<1x64xf32>
    %add3A_30 = vector.broadcast %get3A_29 : vector<1x64xf32> to vector<10000x64xf32>
    %add3A_31 = arith.addf %dot_general3A_26, %add3A_30 : vector<10000x64xf32>
    %swap3A = arith.constant 0 : index
    %swap3A_32 = arith.constant 0 : index
    %swap3A_33 = vector.load %arg5[%swap3A, %swap3A_32] : memref<10000x64xf32, #tpu.memory_space<vmem>>, vector<10000x64xf32>
    tpu.vector_store %arg5[%swap3A, %swap3A_32], %add3A_31 {strides = array<i32>} : memref<10000x64xf32, #tpu.memory_space<vmem>>, vector<10000x64xf32>,
    return
  }
}

</mosaic_0001>

<sc_bundles>
// kernel: kernel.10.cloned.1.call-start
scs
__scs_entry_jumppad:
0x0: {  	(pc) =	sbr.rel $0x88, $3  }
0x1: {  	(tag) =	ssettag $0x0;
	lr =	simm.s32 $0x1  }
0x2: {  	[smem:$0x3F95] =	sst lr;
	_ =	strace $0xD0000000  }
0x3: {  	_ = 	snop  }
0x4: {  	_ = 	snop  }
0x5: {  	_ = 	snop  }
0x6: {  	_ = 	snop  }
0x7: {  	_ = 	snop  }
__scs_overlays_trampoline_lowered:
0x8: {  	[smem:$0x3FA4] =	sst s0  }
0x9: {  	[smem:$0x3FA5] =	sst s1  }
0xa: {  	[smem:$0x3FA6] =	sst s2  }
0xb: {  	[smem:$0x3FA7] =	sst s3  }
0xc: {  	[smem:$0x3FA8] =	sst s4  }
0xd: {  	[smem:$0x3FA9] =	sst s5  }
0xe: {  	[smem:$0x3FAA] =	sst s6  }
0xf: {  	[smem:$0x3FAB] =	sst s7  }
0x10: {  	[smem:$0x3FAC] =	sst s8  }
0x11: {  	[smem:$0x3FAD] =	sst s9;
	s0 =	simm.s32 @!p0 $0x0  }
0x12: {  	s1 =	sld [smem:$0x3F93];
	s0 =	simm.s32 @p0 $0x1  }
0x13: {  	[smem:$0x3FAE] =	sst s0;
	s0 =	simm.s32 @!p1 $0x0  }
0x14: {  	s2 =	sld [smem:$0x3F92];
	s0 =	simm.s32 @p1 $0x1  }
0x15: {  	[smem:$0x3FAF] =	sst s0;
	s0 =	simm.s32 @!p2 $0x0  }
0x16: {  	s3 =	sld [smem:$0x3FDB];
	s0 =	simm.s32 @p2 $0x1  }
0x17: {  	s4 =	simm.s32 $0x1BF5;
	[smem:$0x3FB1] =	sst s0  }
0x18: {  	s0 =	sld [smem:$0x3F94];
	_ =	swait.ge [sflag:s4], $0x0  }
0x19: {  	s7 =	sld [smem:$0x3F95]  }
0x1a: {  	s8 =	sadd.s32 $0xFFFFE003, lr  }
0x1b: {  	s9 =	sadd.s32 $0xFFFFFEF7, lr;
	s5 =	simm.s32 $0xFFFFFFFF;
	p2 =	slt.u32 s8, $0xFFFFF086  }
0x1c: {  	p1 =	slt.u32 s9, $0xF7A;
	s5 =	simm.s32 @!p2 $0x0  }
0x1d: {  	s5 =	simm.s32 @p1 $0x1;
	p0 =	seq.s32 s7, s2  }
0x1e: {  	s7 =	smul.u32 @!p0 $0xF7A, s2;
	p2 =	seq.s32 @!p0 s5, $0x0  }
0x1f: {  	s9 =	smul.u32 $0xF7A, s1;
	s8 =	simm.s32 @!p0 $0x1BF5;
	p2 =	por !p2, p0  }
0x20: {  	[sflag:s8] =	ssyncset.s32 @!p0 $0xFFFFF086;
	s6 =	sadd.s32 @!p0 s3, s7;
	s7 =	simm.s32 @!p0 $0x108  }
0x21: {  	s3 =	sadd.s32 s3, s9;
	s6 =	sadd.s32 @!p0 $0x88, s6;
	s7 =	simm.s32 @p2 $0x1082  }
0x22: {  	[simem:s7], [sflag:s8] =	dma.local @!p0 [hbm:s6], $0xF7A  }
0x23: {  	s9 =	sor.u32 $0xD0000000, s2;
	s6 =	simm.s32 $0x108;
	_ =	swait.ge @!p0 [sflag:s8], $0x0  }
0x24: {  	s3 =	sadd.s32 $0x88, s3;
	s6 =	simm.s32 @!p1 $0x1082;
	[sflag:s4] =	ssyncset.s32 $0xFFFFF086  }
0x25: {  	[simem:s6], [sflag:s4] =	dma.local [hbm:s3], $0xF7A  }
0x26: {  	[smem:$0x3F95] =	sst s1;
	(tag) =	ssettag s2;
	_ =	strace s9  }
0x27: {  	s1 =	sld [smem:$0x3FA5]  }
0x28: {  	s2 =	sld [smem:$0x3FA6]  }
0x29: {  	s4 =	sld [smem:$0x3FA8]  }
0x2a: {  	p0 =	seq.s32 s5, $0x0;
	s5 =	sld [smem:$0x3FA9]  }
0x2b: {  	s6 =	sld [smem:$0x3FAA]  }
0x2c: {  	s7 =	sld [smem:$0x3FAB]  }
0x2d: {  	s3 =	simm.s32 $0x108;
	s8 =	sld [smem:$0x3FAC]  }
0x2e: {  	s3 =	simm.s32 @!p0 $0x1082;
	s9 =	sld [smem:$0x3FAD]  }
0x2f: {  	lr =	sadd.s32 s0, s3;
	s0 =	sld [smem:$0x3FA4]  }
0x30: {  	s3 =	sld [smem:$0x3FA7]  }
0x31: {  	[smem:$0x3FB0] =	sst s10  }
0x32: {  	s10 =	sld [smem:$0x3FAE];
	_ =	sdelay $0x3  }
0x33: {  	p0 =	seq.s32 s10, $0x1;
	s10 =	sld [smem:$0x3FB0];
	_ =	sdelay $0x3  }
0x34: {  	[smem:$0x3FB0] =	sst s10  }
0x35: {  	s10 =	sld [smem:$0x3FAF];
	_ =	sdelay $0x3  }
0x36: {  	p1 =	seq.s32 s10, $0x1;
	s10 =	sld [smem:$0x3FB0];
	_ =	sdelay $0x3  }
0x37: {  	[smem:$0x3FB0] =	sst s10  }
0x38: {  	s10 =	sld [smem:$0x3FB1]  }
0x39: {  	_ = 	snop;
	(pc) =	sbr.ind lr, $3  }
0x3a: {  	_ = 	snop  }
0x3b: {  	_ = 	snop  }
0x3c: {  	p2 =	seq.s32 s10, $0x1;
	s10 =	sld [smem:$0x3FB0]  }
0x3d: {  	_ =	shalt  }
0x3e: {  	_ =	shalt  }
0x3f: {  	_ =	shalt  }
0x40: {  	_ =	shalt  }
0x41: {  	_ =	shalt  }
0x42: {  	_ =	shalt  }
0x43: {  	_ =	shalt  }
0x44: {  	_ =	shalt  }
0x45: {  	_ =	shalt  }
0x46: {  	_ =	shalt  }
0x47: {  	_ =	shalt  }
0x48: {  	_ =	shalt  }
0x49: {  	_ =	shalt  }
0x4a: {  	_ =	shalt  }
0x4b: {  	_ =	shalt  }
0x4c: {  	_ =	shalt  }
0x4d: {  	_ =	shalt  }
0x4e: {  	_ =	shalt  }
0x4f: {  	_ =	shalt  }
0x50: {  	_ =	shalt  }
0x51: {  	_ =	shalt  }
0x52: {  	_ =	shalt  }
0x53: {  	_ =	shalt  }
0x54: {  	_ =	shalt  }
0x55: {  	_ =	shalt  }
0x56: {  	_ =	shalt  }
0x57: {  	_ =	shalt  }
0x58: {  	_ =	shalt  }
0x59: {  	_ =	shalt  }
0x5a: {  	_ =	shalt  }
0x5b: {  	_ =	shalt  }
0x5c: {  	_ =	shalt  }
0x5d: {  	_ =	shalt  }
0x5e: {  	_ =	shalt  }
0x5f: {  	_ =	shalt  }
0x60: {  	_ =	shalt  }
0x61: {  	_ =	shalt  }
0x62: {  	_ =	shalt  }
0x63: {  	_ =	shalt  }
0x64: {  	_ =	shalt  }
0x65: {  	_ =	shalt  }
0x66: {  	_ =	shalt  }
0x67: {  	_ =	shalt  }
0x68: {  	_ =	shalt  }
0x69: {  	_ =	shalt  }
0x6a: {  	_ =	shalt  }
0x6b: {  	_ =	shalt  }
0x6c: {  	_ =	shalt  }
0x6d: {  	_ =	shalt  }
0x6e: {  	_ =	shalt  }
0x6f: {  	_ =	shalt  }
0x70: {  	_ =	shalt  }
0x71: {  	_ =	shalt  }
0x72: {  	_ =	shalt  }
0x73: {  	_ =	shalt  }
0x74: {  	_ =	shalt  }
0x75: {  	_ =	shalt  }
0x76: {  	_ =	shalt  }
0x77: {  	_ =	shalt  }
0x78: {  	_ =	shalt  }
0x79: {  	_ =	shalt  }
0x7a: {  	_ =	shalt  }
0x7b: {  	_ =	shalt  }
0x7c: {  	_ =	shalt  }
0x7d: {  	_ =	shalt  }
0x7e: {  	_ =	shalt  }
0x7f: {  	_ =	shalt  }
0x80: {  	_ =	shalt  }
0x81: {  	_ =	shalt  }
0x82: {  	_ =	shalt  }
0x83: {  	_ =	shalt  }
0x84: {  	_ =	shalt  }
0x85: {  	_ =	shalt  }
0x86: {  	_ =	shalt  }
0x87: {  	_ =	shalt  }
.Lfunc_end0:
.L_simem_size_0:
called_computation.1_lowered:
.L_overlay_start_0:
0x88: {  	s2 =	sld [smem:$0x3FD9]  }
0x89: {  	s3 =	sld [smem:$0x3FFE];
	_ =	sdelay $0x1  }
0x8a: {  	s1 =	srdreg.scid  }
0x8b: {  	s0 =	sand.u32 $0x1, s1  }
0x8c: {  	s17 =	sshll.u32 s0, $0xA;
	s2 =	sadd.s32 s3, s2  }
0x8d: {  	s2 =	sadd.s32 s2, s17  }
0x8e: {  	[smem:$0x3FBC] =	sst s2  }
0x8f: {  	_ = 	snop  }
0x90: {  	s2 =	sld [smem:$0x3FD0];
	(tm) =	ssettm $0x1  }
0x91: {  	s18 =	sld [smem:$0x3FFB];
	_ =	sdelay $0x3  }
0x92: {  	_ =	strace s18  }
0x93: {  	s3 =	sld [smem:$0x3FFC];
	_ =	sdelay $0x3  }
0x94: {  	_ =	strace s3  }
0x95: {  	s3 =	sld [smem:$0x3FFD];
	_ =	sdelay $0x3  }
0x96: {  	_ =	strace s3  }
0x97: {  	_ =	strace $0x8FFFFFFF  }
0x98: {  	s19 =	sld [smem:$0x3FDB];
	_ =	sdelay $0x1  }
0x99: {  	s4 =	simm.s32 $_scs_section_size  }
0x9a: {  	s5 =	simm.s32 $_size__tile_overlayer_lowered;
	s6 =	simm.s32 $_tile_overlayer_lowered  }
0x9b: {  	s22 =	simm.s32 $0x1BFF;
	s21 =	sshll.u32 s6, $0x1;
	s3 =	sadd.s32 s4, s19  }
0x9c: {  	s7 =	simm.s32 $0x0;
	s20 =	sshll.u32 s5, $0x1;
	s5 =	sadd.s32 s21, s3  }
0x9d: {  	[timem:s7], [sflag:s22] =	dma.local [hbm:s5], s20  }
0x9e: {  	_ =	swait.ge [sflag:s22], s20  }
0x9f: {  	s4 =	ssub.s32 $0x0, s20;
	[sflag:s22] =	ssyncset.done $0x0  }
0xa0: {  	[sflag:s22] =	ssyncadd.s32 s4;
	_ =	sdelay $0x1  }
0xa1: {  	s23 =	simm.s32 $0x1B8B  }
0xa2: {  	_ =	swait.ge [sflag:s23], $0x1  }
0xa3: {  	[sflag:s23] =	ssyncset.done $0x0  }
0xa4: {  	s25 =	simm.s32 $0x1B8E;
	s24 =	sld [smem:$0x3FFE];
	[sflag:s23] =	ssyncadd.s32 $0xFFFFFFFF  }
0xa5: {  	s26 =	simm.s32 $execute0_lowered;
	[smem:$0x3FD2] =	sst s25  }
0xa6: {  	s5 =	sshll.u32 s26, $0x1;
	_ =	strace $0x80000049;
	[dreg:$0x1] =	wrdreg $0xFFFFFFFF  }
0xa7: {  	s28 =	simm.s32 $_size_execute0_lowered;
	s3 =	sadd.s32 s3, s5;
	[dreg:$0x0] =	wrdreg $0x0  }
0xa8: {  	s5 =	sshll.u32 s28, $0x1;
	[dreg:$0x2] =	wrdreg s3  }
0xa9: {  	[dreg:$0x3] =	wrdreg s5  }
0xaa: {  	[dreg:$0x4] =	wrdreg $0xC0  }
0xab: {  	_ =	task [dreg:s7], $0x5FFFF  }
0xac: {  	[dreg:$0x1] =	wrdreg $0xFFFFFFFF  }
0xad: {  	[dreg:$0x0] =	wrdreg $0x60  }
0xae: {  	[dreg:$0x2] =	wrdreg s24  }
0xaf: {  	[dreg:$0x3] =	wrdreg s2  }
0xb0: {  	[dreg:$0x4] =	wrdreg $0x0  }
0xb1: {  	[dreg:$0x5] =	wrdreg $0x9  }
0xb2: {  	_ =	task.clear_ibuf [dreg:s7], $0x6FFFF;
	_ =	strace $0x90000049  }
0xb3: {  	s29 =	simm.s32 $0x9;
	_ =	strace $0x8000004B  }
0xb4: {  	_ =	swait.ge [sflag:s29], $0x1  }
0xb5: {  	[sflag:s29] =	ssyncadd.s32 $0xFFFFFFFF  }
0xb6: {  	_ =	strace $0x9000004B  }
0xb7: {  	_ =	sfence  }
0xb8: {  	s30 =	sld [smem:$0x0];
	_ =	sdelay $0x2  }
0xb9: {  	s31 =	sshll.u32 s1, $0xD;
	s1 =	sshrl.u32 s1, $0x2  }
0xba: {  	s3 =	sand.u32 $0x4000, s31;
	s1 =	sadd.s32 s1, s30  }
0xbb: {  	s0 =	sor.u32 s3, s0;
	s1 =	sshll.u32 s1, $0x11  }
0xbc: {  	s0 =	sor.u32 s1, s0  }
0xbd: {  	s0 =	sadd.s32 $0x8F2B, s0  }
0xbe: {  	[sflag:s0] =	ssyncadd.remote.s32 $0x1  }
0xbf: {  	_ =	sfence.sel $0xFFFF  }
0xc0: {  	[dreg:$0x0] =	wrdreg $0xFFFFFFFF;
	(pc) =	sbr.abs _section_cstart, $3  }
0xc1: {  	[dreg:$0x1] =	wrdreg $0xFFFFFFFF  }
0xc2: {  	_ =	task.clear_ibuf [dreg:s7], $0x2FFFF;
	_ =	strace $0x9FFFFFFF  }
0xc3: {  	(tm) =	ssettm $0x7FFFFFFF  }
tec
execute0_lowered:
.L_overlay_start_1:
0x0: {  	(tag) =	ssettag $0x1  }
0x1: {  	s0 =	rddreg [dreg:$0x0]  }
0x2: {  	s1 =	rddreg [dreg:$0x1]  }
0x3: {  	s2 =	rddreg [dreg:$0x2];
	s3 =	simm.s32 $0x0  }
0x4: {  	s22 =	srdreg.scid;
	s9 =	stileid.u32;
	s20 =	simm.s32 $0x13C00  }
0x5: {  	s21 =	simm.s32 $0x2;
	s28 =	simm.s32 $0x19A80;
	s29 =	simm.s32 $0x0  }
0x6: {  	s30 =	simm.s32 $0x0;
	[smem:$0x7FF] =	sst s3;
	s3 =	sand.u32 $0x1, s22  }
0x7: {  	s5 =	sadd.s32 $0x2A00, s0;
	s6 =	smul.u32 $0x4F000, s9;
	s7 =	sadd.s32 $0x29C00, s0  }
0x8: {  	s13 =	smul.u32 $0x13C00, s9;
	s22 =	simm.s32 $0x19B00;
	_ =	strace $0x8000004A  }
0x9: {  	s4 =	ssub.s32 $0x2, s3;
	[dreg:$0x4] =	wrdreg s7;
	s7 =	sadd.s32 $0x2A600, s0  }
0xa: {  	s0 =	sadd.s32 $0x34600, s0;
	s23 =	sshll.u32 s3, $0x4;
	s3 =	smul.u32 $0x13C000, s3  }
0xb: {  	s8 =	sshrl.u32 s4, $0x1;
	s6 =	sshrl.u32 s6, $0x2;
	s14 =	sadd.s32 $0x4000, s13  }
0xc: {  	s15 =	sor.u32 s9, s23;
	s24 =	sadd.s32 $0x8000, s13;
	s16 =	sadd.s32 $0xC000, s13  }
0xd: {  	s17 =	sadd.s32 $0x10000, s13;
	s23 =	simm.s32 $0x18A80;
	s4 =	ssub.s32 s4, s8  }
0xe: {  	s8 =	sadd.s32 s6, s2;
	s9 =	sadd.s32 s14, s2;
	s10 =	sadd.s32 s24, s2  }
0xf: {  	s11 =	sadd.s32 s16, s2;
	s12 =	sadd.s32 s17, s2;
	s18 =	sadd.s32 s13, s3  }
0x10: {  	s14 =	sadd.s32 s3, s14;
	s13 =	smul.u32 $0x50, s15;
	s6 =	sadd.s32 s3, s24  }
0x11: {  	s26 =	sadd.s32 s3, s16;
	s3 =	sadd.s32 s3, s17;
	s24 =	simm.s32 $0x19280  }
0x12: {  	s25 =	sshrl.u32 s18, $0x3;
	s14 =	sshrl.u32 s14, $0x3;
	s6 =	sshrl.u32 s6, $0x3  }
.Ltmp0:
0x13: {  	s31 =	sshrl.u32 s26, $0x3;
	s15 =	sadd.s32 s0, s25;
	(pc) =	sbr.rel .LBB2_1-.Ltmp0, $4  }
0x14: {  	s3 =	sshrl.u32 s3, $0x3;
	s14 =	sadd.s32 s0, s14;
	[dreg:$0x5] =	wrdreg s15  }
0x15: {  	s19 =	smax.u32 s4, $0x1;
	s6 =	sadd.s32 s0, s6;
	[dreg:$0x6] =	wrdreg s14  }
0x16: {  	s26 =	simm.s32 $0x1;
	[dreg:$0x7] =	wrdreg s6;
	s6 =	sadd.s32 s0, s31  }
0x17: {  	v0 =	vimm.f32 $0.0e+00;
	s18 =	sadd.s32 s0, s3;
	s25 =	simm.s32 $0x80;
	[dreg:$0x8] =	wrdreg s6  }
.LBB2_13:
0x18: {  	s0 =	stileid.u32  }
0x19: {  	[bflag:$0x0] =	sbarrier.arrive $0xFFFF;
	s0 =	sshll.u32 s0, $0x6  }
0x1a: {  	s3 =	sshrl.u32 s8, $0x3;
	s4 =	rddreg [dreg:$0x5];
	s0 =	sor.u32 $0x1C02, s0  }
0x1b: {  	[hbm:s4], [sflag:s0] =	dma.local [spmem:s3], $0x800  }
0x1c: {  	_ =	swait.ge [sflag:s21], $0x800  }
0x1d: {  	[sflag:s21] =	ssyncset.done $0x0  }
0x1e: {  	s4 =	sshrl.u32 s9, $0x3;
	s6 =	rddreg [dreg:$0x6];
	[sflag:s21] =	ssyncadd.s32 $0xFFFFF800  }
0x1f: {  	[hbm:s6], [sflag:s0] =	dma.local [spmem:s4], $0x800  }
0x20: {  	_ =	swait.ge [sflag:s21], $0x800  }
0x21: {  	[sflag:s21] =	ssyncset.done $0x0  }
0x22: {  	s14 =	sshrl.u32 s10, $0x3;
	s15 =	rddreg [dreg:$0x7];
	[sflag:s21] =	ssyncadd.s32 $0xFFFFF800  }
0x23: {  	[hbm:s15], [sflag:s0] =	dma.local [spmem:s14], $0x800  }
0x24: {  	_ =	swait.ge [sflag:s21], $0x800  }
0x25: {  	[sflag:s21] =	ssyncset.done $0x0  }
0x26: {  	s16 =	sshrl.u32 s11, $0x3;
	s17 =	rddreg [dreg:$0x8];
	[sflag:s21] =	ssyncadd.s32 $0xFFFFF800  }
0x27: {  	[hbm:s17], [sflag:s0] =	dma.local [spmem:s16], $0x800  }
0x28: {  	s29 =	sadd.s32 $0x1, s29;
	_ =	swait.ge [sflag:s21], $0x800  }
0x29: {  	p0 =	sne.s32 s29, s19;
	[sflag:s21] =	ssyncset.done $0x0  }
.Ltmp1:
0x2a: {  	s31 =	sshrl.u32 s12, $0x3;
	[sflag:s21] =	ssyncadd.s32 $0xFFFFF800;
	(pc) =	sbr.rel @!p0 .LBB2_14-.Ltmp1, $4  }
0x2b: {  	[hbm:s18], [sflag:s0] =	dma.local [spmem:s31], $0x780  }
0x2c: {  	_ =	swait.ge [sflag:s21], $0x780  }
0x2d: {  	[sflag:s21] =	ssyncset.done $0x0  }
0x2e: {  	[sflag:s21] =	ssyncadd.s32 $0xFFFFF880  }
.LBB2_1:
0x2f: {  	s0 =	simm.s32 $0x0;
	s3 =	rddreg [dreg:$0x4]  }
0x30: {  	[tilespmem:s20], [sflag:$0x2] =	stream.linear.gather [hbm4b:s3+s0], $0x4E80, $0x38;
	[tilespmem:$0x1DB00] =	vst v63  }
0x31: {  	_ =	swait.ge [sflag:s21], $0x4E80  }
0x32: {  	[sflag:s21] =	ssyncset.done $0x0  }
0x33: {  	s0 =	simm.s32 $0x0;
	s3 =	simm.s32 $0x200;
	[sflag:s21] =	ssyncadd.s32 $0xFFFFB180  }
.LBB2_2:
0x34: {  	p0 =	sne.s32 s3, $0xFE00;
	[tilespmem:s0+$0x19B70] =	vst v0  }
0x35: {  	[tilespmem:s0+$0x19B00] =	vst v0  }
0x36: {  	[tilespmem:s0+$0x19B10] =	vst v0  }
.Ltmp2:
0x37: {  	[tilespmem:s0+$0x19B20] =	vst v0;
	(pc) =	sbr.rel @p0 .LBB2_2-.Ltmp2, $4  }
0x38: {  	[tilespmem:s0+$0x19B30] =	vst v0  }
0x39: {  	[tilespmem:s0+$0x19B40] =	vst v0  }
0x3a: {  	[tilespmem:s0+$0x19B50] =	vst v0  }
0x3b: {  	[tilespmem:s0+$0x19B60] =	vst v0;
	s0 =	sshra.s32 s3, $0x2;
	s3 =	sadd.s32 $0x200, s3  }
0x3c: {  	[tilespmem:s0+$0x19B70] =	vst v0  }
0x3d: {  	[tilespmem:s0+$0x19B00] =	vst v0  }
0x3e: {  	[tilespmem:s0+$0x19B10] =	vst v0  }
0x3f: {  	[tilespmem:s0+$0x19B20] =	vst v0  }
0x40: {  	[tilespmem:s0+$0x19B30] =	vst v0  }
0x41: {  	[tilespmem:s0+$0x19B40] =	vst v0  }
0x42: {  	[tilespmem:s0+$0x19B50] =	vst v0  }
0x43: {  	[tilespmem:s0+$0x19B60] =	vst v0  }
0x44: {  	[spmem:s8] =	stream.linear.scatter [tilespmem:s22], [sflag:$0x2], $0x4000, $0x38;
	[tilespmem:$0x1DB00] =	vst v63  }
0x45: {  	_ =	swait.ge [sflag:s21], $0x4000  }
0x46: {  	[sflag:s21] =	ssyncset.done $0x0  }
0x47: {  	[sflag:s21] =	ssyncadd.s32 $0xFFFFC000  }
0x48: {  	[spmem:s9] =	stream.linear.scatter [tilespmem:s22], [sflag:$0x2], $0x4000, $0x38;
	[tilespmem:$0x1DB00] =	vst v63  }
0x49: {  	_ =	swait.ge [sflag:s21], $0x4000  }
0x4a: {  	[sflag:s21] =	ssyncset.done $0x0  }
0x4b: {  	[sflag:s21] =	ssyncadd.s32 $0xFFFFC000  }
0x4c: {  	[spmem:s10] =	stream.linear.scatter [tilespmem:s22], [sflag:$0x2], $0x4000, $0x38;
	[tilespmem:$0x1DB00] =	vst v63  }
0x4d: {  	_ =	swait.ge [sflag:s21], $0x4000  }
0x4e: {  	[sflag:s21] =	ssyncset.done $0x0  }
0x4f: {  	[sflag:s21] =	ssyncadd.s32 $0xFFFFC000  }
0x50: {  	[spmem:s11] =	stream.linear.scatter [tilespmem:s22], [sflag:$0x2], $0x4000, $0x38;
	[tilespmem:$0x1DB00] =	vst v63  }
0x51: {  	_ =	swait.ge [sflag:s21], $0x4000  }
0x52: {  	[sflag:s21] =	ssyncset.done $0x0  }
0x53: {  	[sflag:s21] =	ssyncadd.s32 $0xFFFFC000  }
0x54: {  	[spmem:s12] =	stream.linear.scatter [tilespmem:s22], [sflag:$0x2], $0x3C00, $0x38;
	[tilespmem:$0x1DB00] =	vst v63  }
.Ltmp3:
0x55: {  	_ =	swait.ge [sflag:s21], $0x3C00;
	(pc) =	sbr.rel .LBB2_4-.Ltmp3, $4  }
0x56: {  	[sflag:s21] =	ssyncset.done $0x0  }
0x57: {  	[sflag:s21] =	ssyncadd.s32 $0xFFFFC400  }
0x58: {  	[bflag:$0x0] =	sbarrier.arrive $0xFFFF  }
0x59: {  	s31 =	simm.s32 $0x0  }
.LBB2_12:
0x5a: {  	s31 =	sadd.s32 $0x1, s31  }
0x5b: {  	p0 =	sne.s32 s31, $0x5  }
.Ltmp4:
0x5c: {  	_ = 	snop;
	(pc) =	sbr.rel @!p0 .LBB2_13-.Ltmp4, $1  }
0x5d: {  	_ =	sdelay $0x3  }
.LBB2_4:
0x5e: {  	s0 =	sshll.u32 s31, $0x4  }
0x5f: {  	s0 =	sadd.s32 s13, s0  }
0x60: {  	s3 =	sshll.u32 s0, $0x4  }
0x61: {  	s4 =	sadd.s32 s7, s3  }
0x62: {  	[tilespmem:s23], [sflag:$0x2] =	stream.linear.gather [hbm4b:s4+s30], $0x800, $0x38;
	[tilespmem:$0x1DB00] =	vst v63  }
0x63: {  	_ =	swait.ge [sflag:s21], $0x800  }
0x64: {  	[sflag:s21] =	ssyncset.done $0x0  }
.Ltmp5:
0x65: {  	s3 =	sadd.s32 s1, s3;
	[sflag:s21] =	ssyncadd.s32 $0xFFFFF800;
	(pc) =	sbr.rel .LBB2_5-.Ltmp5, $4  }
0x66: {  	[tilespmem:s24], [sflag:$0x2] =	stream.linear.gather [hbm4b:s3+s30], $0x800, $0x38;
	[tilespmem:$0x1DB00] =	vst v63  }
0x67: {  	_ =	swait.ge [sflag:s21], $0x800  }
0x68: {  	[sflag:s21] =	ssyncset.done $0x0  }
0x69: {  	s4 =	simm.s32 $0x0;
	[sflag:s21] =	ssyncadd.s32 $0xFFFFF800  }
.LBB2_10:
0x6a: {  	_ =	sdelay $0x2  }
0x6b: {  	v16 =	vld [tilespmem:s6+$0x1F0]  }
0x6c: {  	v18 =	vld.idx.msk [tilespmem:v4+s28+$0x0], $0xffff  }
0x6d: {  	v23 =	vld.idx.msk [tilespmem:v5+s28+$0x0], $0xffff  }
0x6e: {  	v10 =	vld.idx.msk [tilespmem:v10+s28+$0x0], $0xffff  }
0x6f: {  	v22 =	vbroadcast v2, $0x0;
	v2 =	vmov s15;
	v12 =	vld.idx.msk [tilespmem:v12+s28+$0x0], $0xffff  }
0x70: {  	s14 =	sadd.s32 $0x400, s6;
	v17 =	vand.u32 $0xFFFFFFFE, v2;
	v2 =	vld.idx.msk [tilespmem:v3+s28+$0x0], $0xffff  }
0x71: {  	v24 =	vld [tilespmem:s14+$0x170]  }
0x72: {  	v26 =	vld [tilespmem:s14+$0xFFFFFE00]  }
0x73: {  	v28 =	vld [tilespmem:s14+$0xFFFFFE10]  }
0x74: {  	[tilespmem:s6+$0x180] =	vst v15;
	v6 =	vmul.f32 v6, v1;
	v30 =	vld [tilespmem:s14+$0xFFFFFE20]  }
0x75: {  	[tilespmem:s6+$0x190] =	vst v13;
	v7 =	vmul.f32 v7, v1;
	v31 =	vld [tilespmem:s14+$0xFFFFFE30]  }
0x76: {  	v25 =	vmul.f32 v8, v1;
	v32 =	vld [tilespmem:s14+$0xFFFFFE40];
	[tilespmem:s6+$0x1A0] =	vst v6  }
0x77: {  	v27 =	vmul.f32 v9, v1;
	v33 =	vld [tilespmem:s14+$0xFFFFFE50];
	[tilespmem:s6+$0x1B0] =	vst v7  }
0x78: {  	v29 =	vmul.f32 v11, v1;
	v34 =	vld [tilespmem:s14+$0xFFFFFE60];
	[tilespmem:s6+$0x1C0] =	vst v25  }
0x79: {  	v35 =	vld [tilespmem:s14+$0xFFFFFE70];
	[tilespmem:s6+$0x1D0] =	vst v27;
	v1 =	vmul.f32 v16, v1  }
0x7a: {  	v36 =	vld [tilespmem:s14+$0xFFFFFE80];
	[tilespmem:s6+$0x1E0] =	vst v29;
	v9 =	vmul.f32 v28, v18  }
0x7b: {  	v37 =	vld [tilespmem:s14+$0xFFFFFE90];
	[tilespmem:s6+$0x1F0] =	vst v1;
	v1 =	vmul.f32 v26, v18  }
0x7c: {  	v39 =	vld [tilespmem:s14+$0xFFFFFEA0];
	v7 =	vmul.f32 v31, v18;
	[tilespmem:s14+$0xFFFFFE10] =	vst v9  }
0x7d: {  	v40 =	vld [tilespmem:s14+$0xFFFFFEB0];
	[tilespmem:s14+$0xFFFFFE00] =	vst v1;
	v1 =	vmul.f32 v30, v18  }
0x7e: {  	v42 =	vld [tilespmem:s14+$0xFFFFFEC0];
	v38 =	vmul.f32 v33, v18;
	[tilespmem:s14+$0xFFFFFE30] =	vst v7  }
0x7f: {  	v43 =	vld [tilespmem:s14+$0xFFFFFED0];
	[tilespmem:s14+$0xFFFFFE20] =	vst v1;
	v1 =	vmul.f32 v32, v18  }
0x80: {  	v44 =	vld [tilespmem:s14+$0xFFFFFEE0];
	v41 =	vmul.f32 v35, v18;
	[tilespmem:s14+$0xFFFFFE50] =	vst v38  }
0x81: {  	v45 =	vld [tilespmem:s14+$0xFFFFFEF0];
	[tilespmem:s14+$0xFFFFFE40] =	vst v1;
	v1 =	vmul.f32 v34, v18  }
0x82: {  	v47 =	vld [tilespmem:s14+$0xFFFFFF00];
	v6 =	vmul.f32 v37, v23;
	[tilespmem:s14+$0xFFFFFE70] =	vst v41  }
0x83: {  	v48 =	vld [tilespmem:s14+$0xFFFFFF10];
	[tilespmem:s14+$0xFFFFFE60] =	vst v1;
	v1 =	vmul.f32 v36, v23  }
0x84: {  	v50 =	vld [tilespmem:s14+$0xFFFFFF20];
	v46 =	vmul.f32 v40, v23;
	[tilespmem:s14+$0xFFFFFE90] =	vst v6  }
0x85: {  	v51 =	vld [tilespmem:s14+$0xFFFFFF30];
	[tilespmem:s14+$0xFFFFFE80] =	vst v1;
	v1 =	vmul.f32 v39, v23  }
0x86: {  	v53 =	vld [tilespmem:s14+$0xFFFFFF40];
	v49 =	vmul.f32 v43, v23;
	[tilespmem:s14+$0xFFFFFEB0] =	vst v46  }
0x87: {  	v54 =	vld [tilespmem:s14+$0xFFFFFF50];
	[tilespmem:s14+$0xFFFFFEA0] =	vst v1;
	v1 =	vmul.f32 v42, v23  }
0x88: {  	v56 =	vld [tilespmem:s14+$0xFFFFFF60];
	v52 =	vmul.f32 v45, v23;
	[tilespmem:s14+$0xFFFFFED0] =	vst v49  }
0x89: {  	v57 =	vld [tilespmem:s14+$0xFFFFFF70];
	[tilespmem:s14+$0xFFFFFEC0] =	vst v1;
	v1 =	vmul.f32 v44, v23  }
0x8a: {  	v14 =	vbroadcast v14, $0x0;
	v59 =	vld [tilespmem:s14+$0xFFFFFF80];
	v55 =	vmul.f32 v48, v10;
	[tilespmem:s14+$0xFFFFFEF0] =	vst v52  }
0x8b: {  	v60 =	vld [tilespmem:s14+$0xFFFFFF90];
	[tilespmem:s14+$0xFFFFFEE0] =	vst v1;
	v1 =	vmul.f32 v47, v10  }
0x8c: {  	v62 =	vld [tilespmem:s14+$0xFFFFFFA0];
	v58 =	vmul.f32 v51, v10;
	[tilespmem:s14+$0xFFFFFF10] =	vst v55  }
0x8d: {  	v63 =	vld [tilespmem:s14+$0xFFFFFFB0];
	v3 =	vbroadcast v17, $0x0;
	[tilespmem:s14+$0xFFFFFF00] =	vst v1;
	v1 =	vmul.f32 v50, v10  }
0x8e: {  	v15 =	vld [tilespmem:s14+$0xFFFFFFC0];
	v61 =	vmul.f32 v54, v10;
	[tilespmem:s14+$0xFFFFFF30] =	vst v58  }
0x8f: {  	v19 =	vld [tilespmem:s14+$0xFFFFFFF0];
	[tilespmem:s14+$0xFFFFFF20] =	vst v1;
	v1 =	vmul.f32 v53, v10  }
0x90: {  	v4 =	vld.idx.msk [tilespmem:v14+s28+$0x0], $0xffff;
	v14 =	vmul.f32 v57, v10;
	[tilespmem:s14+$0xFFFFFF50] =	vst v61  }
0x91: {  	v5 =	vld.idx.msk [tilespmem:v22+s28+$0x0], $0xffff;
	[tilespmem:s14+$0xFFFFFF40] =	vst v1;
	v1 =	vmul.f32 v56, v10  }
0x92: {  	v17 =	vmul.f32 v60, v12;
	v22 =	vld [tilespmem:s14+$0x10];
	[tilespmem:s14+$0xFFFFFF70] =	vst v14  }
0x93: {  	v3 =	vld.idx.msk [tilespmem:v3+s28+$0x0], $0xffff;
	[tilespmem:s14+$0xFFFFFF60] =	vst v1;
	v1 =	vmul.f32 v59, v12  }
0x94: {  	v20 =	vmul.f32 v63, v12;
	[tilespmem:s14+$0xFFFFFF90] =	vst v17;
	v18 =	vld [tilespmem:s14+$0xFFFFFFE0]  }
0x95: {  	v25 =	vld [tilespmem:s14+$0x30];
	[tilespmem:s14+$0xFFFFFF80] =	vst v1;
	v1 =	vmul.f32 v62, v12  }
0x96: {  	v21 =	vld [tilespmem:s14+$0x0];
	v26 =	vmul.f32 v19, v12;
	[tilespmem:s14+$0xFFFFFFB0] =	vst v20  }
0x97: {  	v28 =	vld [tilespmem:s14+$0x50];
	[tilespmem:s14+$0xFFFFFFA0] =	vst v1;
	v1 =	vmul.f32 v15, v12  }
0x98: {  	[tilespmem:s14+$0xFFFFFFF0] =	vst v26;
	v29 =	vmul.f32 v22, v5;
	v13 =	vmul.f32 v24, v3;
	v24 =	vld [tilespmem:s14+$0x20]  }
0x99: {  	v37 =	vld [tilespmem:s14+$0xB0];
	[tilespmem:s14+$0xFFFFFFC0] =	vst v1;
	v1 =	vmul.f32 v18, v12  }
0x9a: {  	v27 =	vld [tilespmem:s14+$0x40];
	v32 =	vmul.f32 v25, v5;
	[tilespmem:s14+$0x10] =	vst v29  }
0x9b: {  	[tilespmem:s14+$0xFFFFFFE0] =	vst v1;
	v1 =	vmul.f32 v21, v5  }
0x9c: {  	v30 =	vld [tilespmem:s14+$0x60];
	v35 =	vmul.f32 v28, v5;
	[tilespmem:s14+$0x30] =	vst v32  }
0x9d: {  	v45 =	vld [tilespmem:s14+$0x110];
	[tilespmem:s14+$0x0] =	vst v1;
	v1 =	vmul.f32 v24, v5  }
0x9e: {  	v33 =	vld [tilespmem:s14+$0x80];
	v43 =	vmul.f32 v37, v4;
	[tilespmem:s14+$0x50] =	vst v35  }
0x9f: {  	v48 =	vld [tilespmem:s14+$0x130];
	[tilespmem:s14+$0x20] =	vst v1;
	v1 =	vmul.f32 v27, v5  }
0xa0: {  	[tilespmem:s14+$0xB0] =	vst v43;
	v36 =	vld [tilespmem:s14+$0xA0]  }
0xa1: {  	v34 =	vld [tilespmem:s14+$0x90];
	[tilespmem:s14+$0x40] =	vst v1;
	v1 =	vmul.f32 v30, v5  }
0xa2: {  	v38 =	vld [tilespmem:s14+$0xC0];
	v51 =	vmul.f32 v45, v3;
	[tilespmem:s14+$0x170] =	vst v13  }
0xa3: {  	v16 =	vld [tilespmem:s14+$0xFFFFFFD0];
	[tilespmem:s14+$0x60] =	vst v1;
	v1 =	vmul.f32 v33, v4  }
0xa4: {  	v41 =	vld [tilespmem:s14+$0xE0];
	v54 =	vmul.f32 v48, v3;
	[tilespmem:s14+$0x110] =	vst v51  }
0xa5: {  	v39 =	vld [tilespmem:s14+$0xD0];
	[tilespmem:s14+$0x80] =	vst v1;
	v1 =	vmul.f32 v36, v4  }
0xa6: {  	[tilespmem:s14+$0x130] =	vst v54;
	v40 =	vmul.f32 v34, v4;
	v44 =	vld [tilespmem:s14+$0x100]  }
0xa7: {  	v50 =	vld [tilespmem:s14+$0x150];
	[tilespmem:s14+$0xA0] =	vst v1;
	v1 =	vmul.f32 v38, v4  }
0xa8: {  	[tilespmem:s14+$0x90] =	vst v40;
	v23 =	vmul.f32 v16, v12;
	v47 =	vld [tilespmem:s14+$0x120]  }
0xa9: {  	v53 =	vld [tilespmem:s14+$0x180];
	[tilespmem:s14+$0xC0] =	vst v1;
	v1 =	vmul.f32 v41, v4  }
0xaa: {  	v49 =	vld [tilespmem:s14+$0x140];
	v46 =	vmul.f32 v39, v4;
	[tilespmem:s14+$0xFFFFFFD0] =	vst v23  }
0xab: {  	v56 =	vld [tilespmem:s14+$0x1A0];
	[tilespmem:s14+$0xE0] =	vst v1;
	v1 =	vmul.f32 v44, v3  }
0xac: {  	v52 =	vld [tilespmem:s14+$0x160];
	[tilespmem:s14+$0xD0] =	vst v46;
	v57 =	vmul.f32 v50, v3  }
0xad: {  	v31 =	vld [tilespmem:s14+$0x70];
	[tilespmem:s14+$0x100] =	vst v1;
	v1 =	vmul.f32 v47, v3  }
0xae: {  	v55 =	vld [tilespmem:s14+$0x190];
	[tilespmem:s14+$0x150] =	vst v57;
	v59 =	vmul.f32 v53, v2  }
0xaf: {  	v42 =	vld [tilespmem:s14+$0xF0];
	[tilespmem:s14+$0x120] =	vst v1;
	v1 =	vmul.f32 v49, v3  }
0xb0: {  	v58 =	vld [tilespmem:s14+$0x1B0];
	[tilespmem:s14+$0x180] =	vst v59;
	v62 =	vmul.f32 v56, v2  }
0xb1: {  	[tilespmem:s14+$0x140] =	vst v1;
	v1 =	vmul.f32 v52, v3;
	v3 =	vld [tilespmem:s14+$0x1C0]  }
0xb2: {  	v60 =	vld [tilespmem:s14+$0x1D0];
	[tilespmem:s14+$0x1A0] =	vst v62;
	v5 =	vmul.f32 v31, v5  }
0xb3: {  	v61 =	vld [tilespmem:s14+$0x1E0];
	[tilespmem:s14+$0x160] =	vst v1;
	v1 =	vmul.f32 v55, v2  }
0xb4: {  	v63 =	vld [tilespmem:s14+$0x1F0];
	[tilespmem:s14+$0x70] =	vst v5;
	v4 =	vmul.f32 v42, v4  }
0xb5: {  	[tilespmem:s14+$0x190] =	vst v1;
	v1 =	vmul.f32 v58, v2  }
0xb6: {  	[tilespmem:s14+$0xF0] =	vst v4;
	v3 =	vmul.f32 v3, v2  }
0xb7: {  	[tilespmem:s14+$0x1B0] =	vst v1;
	v1 =	vmul.f32 v60, v2  }
0xb8: {  	[tilespmem:s14+$0x1C0] =	vst v3;
	v3 =	vmul.f32 v61, v2  }
0xb9: {  	[tilespmem:s14+$0x1D0] =	vst v1;
	v1 =	vmul.f32 v63, v2  }
0xba: {  	[tilespmem:s14+$0x1E0] =	vst v3  }
0xbb: {  	s3 =	sadd.s32 $0x19280, s3;
	[tilespmem:s14+$0x1F0] =	vst v1  }
0xbc: {  	[spmem:s2] =	stream.indirect.scatter.add.f32 [tilespmem:s22], [sflag:$0x2], $0x80, s3, s25, $0xb8;
	[tilespmem:$0x1DB00] =	vst v63  }
0xbd: {  	_ =	swait.ge [sflag:s21], $0x4000  }
0xbe: {  	[sflag:s21] =	ssyncset.done $0x0  }
0xbf: {  	[sflag:s21] =	ssyncadd.s32 $0xFFFFC000  }
.LBB2_11:
0xc0: {  	s4 =	sadd.s32 $0x1, s4  }
0xc1: {  	p0 =	sne.s32 s4, $0x10  }
.Ltmp6:
0xc2: {  	_ = 	snop;
	(pc) =	sbr.rel @!p0 .LBB2_12-.Ltmp6, $1  }
0xc3: {  	_ =	sdelay $0x3  }
.LBB2_5:
0xc4: {  	s3 =	sor.u32 s0, s4  }
0xc5: {  	p0 =	sgt.u32 s3, $0x9C3  }
.Ltmp7:
0xc6: {  	_ = 	snop;
	(pc) =	sbr.rel @p0 .LBB2_11-.Ltmp7, $1  }
0xc7: {  	_ =	sdelay $0x3  }
0xc8: {  	s3 =	sshll.u32 s4, $0x7  }
0xc9: {  	s6 =	sadd.s32 $0x18A80, s3  }
0xca: {  	[tilespmem:s22], [sflag:$0x1] =	stream.indirect.gather [hbm4b:s5+s25], $0x80, s6, s25, $0xb8;
	[tilespmem:$0x1DB00] =	vst v63  }
0xcb: {  	_ =	swait.ge [sflag:s26], $0x4000  }
0xcc: {  	s14 =	simm.s32 $0x0;
	[sflag:s26] =	ssyncset.done $0x0  }
0xcd: {  	p0 =	por $0x1, $0x1;
	s15 =	simm.s32 $0x0;
	[sflag:s26] =	ssyncadd.s32 $0xFFFFC000  }
.LBB2_7:
0xce: {  	s6 =	sor.u32 s3, s15  }
0xcf: {  	v1 =	vld [tilespmem:s6+$0x18A80]  }
0xd0: {  	v2 =	vld [tilespmem:s6+$0x19280];
	_ =	sdelay $0x4  }
0xd1: {  	v1 =	vshll.u32 v1, $0x1;
	v2 =	vshll.u32 v2, $0x1  }
0xd2: {  	v2 =	vor.u32 $0x1, v2;
	_ =	sdelay $0x3  }
0xd3: {  	v1 =	vld.idx.msk [tilespmem:v1+s20+$0x0], $0xffff  }
0xd4: {  	s16 =	sor.u32 $0x10, s6;
	v2 =	vld.idx.msk [tilespmem:v2+s20+$0x0], $0xffff  }
0xd5: {  	v3 =	vld [tilespmem:s16+$0x18A80]  }
0xd6: {  	v4 =	vld [tilespmem:s16+$0x19280];
	_ =	sdelay $0x2  }
0xd7: {  	v1 =	vadd.f32 v2, v1;
	_ =	sdelay $0x1  }
0xd8: {  	v3 =	vshll.u32 v3, $0x1;
	v4 =	vshll.u32 v4, $0x1;
	v2 =	vand.u32 $0x7FFFFFFF, v1  }
0xd9: {  	v4 =	vor.u32 $0x1, v4;
	v2 =	vmul.f32 $-2.000000000e+00, v2;
	_ =	sdelay $0x1  }
0xda: {  	v2 =	vmul.f32 $1.442695020e+00, v2;
	_ =	sdelay $0x1  }
0xdb: {  	(erf) = vpow2.f32 v2;
	v2 =	vld.idx.msk [tilespmem:v3+s20+$0x0], $0xffff  }
0xdc: {  	s17 =	sor.u32 $0x20, s6;
	v3 =	vld.idx.msk [tilespmem:v4+s20+$0x0], $0xffff  }
0xdd: {  	v5 =	vld [tilespmem:s17+$0x19280];
	_ =	sdelay $0x1  }
0xde: {  	v48 =	vld [tilespmem:s17+$0x18A80];
	_ =	sdelay $0x1  }
0xdf: {  	v2 =	vadd.f32 v3, v2  }
0xe0: {  	v5 =	vshll.u32 v5, $0x1  }
0xe1: {  	v5 =	vor.u32 $0x1, v5;
	v3 =	vand.u32 $0x7FFFFFFF, v2  }
0xe2: {  	v4 =	vshll.u32 v48, $0x1;
	v3 =	vmul.f32 $-2.000000000e+00, v3;
	v6 =	vpop (erf)  }
0xe3: {  	v7 =	vadd.f32 $1.000000000e+00, v6  }
0xe4: {  	v3 =	vmul.f32 $1.442695020e+00, v3  }
0xe5: {  	(erf) = vrcp.f32 v7  }
0xe6: {  	v49 =	vld.idx.msk [tilespmem:v5+s20+$0x0], $0xffff;
	(erf) = vpow2.f32 v3  }
0xe7: {  	s6 =	sor.u32 $0x30, s6;
	v3 =	vld.idx.msk [tilespmem:v4+s20+$0x0], $0xffff  }
0xe8: {  	v50 =	vld [tilespmem:s6+$0x18A80]  }
0xe9: {  	v51 =	vld [tilespmem:s6+$0x19280];
	_ =	sdelay $0x2  }
0xea: {  	v3 =	vadd.f32 v49, v3;
	_ =	sdelay $0x1  }
0xeb: {  	v5 =	vshll.u32 v50, $0x1;
	v7 =	vshll.u32 v51, $0x1;
	v8 =	vand.u32 $0x7FFFFFFF, v3;
	v52 =	vpop (erf)  }
0xec: {  	v7 =	vor.u32 $0x1, v7;
	v8 =	vmul.f32 $-2.000000000e+00, v8;
	v9 =	vpop (erf)  }
0xed: {  	v10 =	vadd.f32 $1.000000000e+00, v9  }
0xee: {  	v8 =	vmul.f32 $1.442695020e+00, v8  }
0xef: {  	(erf) = vrcp.f32 v10  }
0xf0: {  	v5 =	vld.idx.msk [tilespmem:v5+s20+$0x0], $0xffff;
	(erf) = vpow2.f32 v8  }
0xf1: {  	v7 =	vld.idx.msk [tilespmem:v7+s20+$0x0], $0xffff;
	_ =	sdelay $0x4  }
0xf2: {  	v5 =	vadd.f32 v7, v5;
	_ =	sdelay $0x1  }
0xf3: {  	v54 =	vand.u32 $0x7FFFFFFF, v5;
	v53 =	vpop (erf)  }
0xf4: {  	v8 =	vmul.f32 $-2.000000000e+00, v54;
	v55 =	vpop (erf)  }
0xf5: {  	v11 =	vadd.f32 $1.000000000e+00, v55  }
0xf6: {  	v8 =	vmul.f32 $1.442695020e+00, v8  }
0xf7: {  	(erf) = vrcp.f32 v11  }
0xf8: {  	(erf) = vpow2.f32 v8;
	_ =	sdelay $0x7  }
0xf9: {  	v56 =	vpop (erf)  }
0xfa: {  	v57 =	vpop (erf)  }
0xfb: {  	v12 =	vadd.f32 $1.000000000e+00, v57;
	_ =	sdelay $0x1  }
0xfc: {  	(erf) = vrcp.f32 v12;
	_ =	sdelay $0x4  }
0xfd: {  	v6 =	vsub.f32 $1.000000000e+00, v6  }
0xfe: {  	v9 =	vsub.f32 $1.000000000e+00, v9  }
0xff: {  	v4 =	vmul.f32 v52, v6;
	v58 =	vsub.f32 $1.000000000e+00, v55  }
0x100: {  	v7 =	vmul.f32 v53, v9;
	v59 =	vsub.f32 $1.000000000e+00, v57  }
0x101: {  	v60 =	vsub.f32 $0.0e+00, v4;
	v6 =	vmul.f32 v56, v58;
	v61 =	vpop (erf)  }
0x102: {  	p1 =	por p0, p0;
	vm0 =	vlt.f32 v1, $0.0e+00;
	v62 =	vsub.f32 $0.0e+00, v7;
	v1 =	vmul.f32 v61, v59  }
.Ltmp8:
0x103: {  	vm13 =	vlt.f32 v2, $0.0e+00;
	v4 =	vsel vm0, v60, v4;
	v2 =	vsub.f32 $0.0e+00, v6;
	(pc) =	sbr.rel @p1 .LBB2_7-.Ltmp8, $4  }
0x104: {  	vm14 =	vlt.f32 v3, $0.0e+00;
	[tilespmem:s15+$0x19A80] =	vst v4;
	v63 =	vsel vm13, v62, v7;
	v3 =	vsub.f32 $0.0e+00, v1  }
0x105: {  	vm15 =	vlt.f32 v5, $0.0e+00;
	[tilespmem:s15+$0x19A90] =	vst v63;
	v2 =	vsel vm14, v2, v6  }
0x106: {  	[tilespmem:s15+$0x19AA0] =	vst v2;
	v1 =	vsel vm15, v3, v1  }
0x107: {  	p0 =	por $0x0, $0x0;
	s6 =	simm.s32 $0x19D00;
	[tilespmem:s15+$0x19AB0] =	vst v1;
	s15 =	simm.s32 $0x40  }
0x108: {  	v1 =	vmov s14  }
0x109: {  	v4 =	vld [tilespmem:s6+$0x170];
	v1 =	vand.u32 $0xFFFFFFF8, v1  }
0x10a: {  	s15 =	simm.s32 $0x6;
	v5 =	vld [tilespmem:s6+$0xFFFFFE00];
	v1 =	vbroadcast v1, $0x0  }
0x10b: {  	s16 =	simm.s32 $0x1;
	v6 =	vld [tilespmem:s6+$0xFFFFFE10];
	v2 =	vmov s15  }
0x10c: {  	v7 =	vld [tilespmem:s6+$0xFFFFFE20];
	v3 =	vmov s16;
	v2 =	vand.u32 $0xFFFFFFFE, v2  }
0x10d: {  	v8 =	vld [tilespmem:s6+$0xFFFFFE30];
	v3 =	vand.u32 $0xFFFFFFF9, v3;
	v2 =	vbroadcast v2, $0x0  }
0x10e: {  	v9 =	vld [tilespmem:s6+$0xFFFFFE40];
	v3 =	vbroadcast v3, $0x0  }
0x10f: {  	v10 =	vld [tilespmem:s6+$0xFFFFFE50]  }
0x110: {  	v1 =	vld.idx.msk [tilespmem:v1+s28+$0x0], $0xffff  }
0x111: {  	v11 =	vld [tilespmem:s6+$0xFFFFFE60]  }
0x112: {  	v13 =	vld [tilespmem:s6+$0xFFFFFE80]  }
0x113: {  	v2 =	vld.idx.msk [tilespmem:v2+s28+$0x0], $0xffff  }
0x114: {  	v3 =	vld.idx.msk [tilespmem:v3+s28+$0x0], $0xffff  }
0x115: {  	v12 =	vld [tilespmem:s6+$0xFFFFFE70];
	v5 =	vmul.f32 v5, v1  }
0x116: {  	v14 =	vld [tilespmem:s6+$0xFFFFFE90];
	v6 =	vmul.f32 v6, v1  }
0x117: {  	v15 =	vld [tilespmem:s6+$0xFFFFFEA0];
	v8 =	vmul.f32 v8, v1;
	[tilespmem:s6+$0xFFFFFE00] =	vst v5  }
0x118: {  	s17 =	simm.s32 $0x2;
	v16 =	vld [tilespmem:s6+$0xFFFFFEB0];
	v9 =	vmul.f32 v9, v1;
	[tilespmem:s6+$0xFFFFFE10] =	vst v6  }
0x119: {  	v4 =	vmul.f32 v4, v2;
	v5 =	vmov s17;
	v6 =	vmul.f32 v13, v3;
	v13 =	vld [tilespmem:s6+$0xFFFFFED0];
	[tilespmem:s6+$0xFFFFFE30] =	vst v8  }
0x11a: {  	v8 =	vmul.f32 v10, v1;
	v10 =	vld [tilespmem:s6+$0xFFFFFEF0];
	[tilespmem:s6+$0xFFFFFE40] =	vst v9;
	v5 =	vand.u32 $0xFFFFFFFA, v5  }
0x11b: {  	v9 =	vmul.f32 v11, v1;
	v11 =	vld [tilespmem:s6+$0xFFFFFF00];
	[tilespmem:s6+$0x170] =	vst v4;
	v5 =	vbroadcast v5, $0x0  }
0x11c: {  	v4 =	vmul.f32 v7, v1;
	v7 =	vld [tilespmem:s6+$0xFFFFFEC0];
	[tilespmem:s6+$0xFFFFFE80] =	vst v6  }
0x11d: {  	v1 =	vmul.f32 v12, v1;
	v12 =	vld [tilespmem:s6+$0xFFFFFF20];
	[tilespmem:s6+$0xFFFFFE50] =	vst v8  }
0x11e: {  	s15 =	simm.s32 $0x3;
	v8 =	vld [tilespmem:s6+$0xFFFFFF10];
	[tilespmem:s6+$0xFFFFFE60] =	vst v9  }
0x11f: {  	v6 =	vmov s15;
	v9 =	vmul.f32 v14, v3;
	[tilespmem:s6+$0xFFFFFE20] =	vst v4;
	v4 =	vld [tilespmem:s6+$0xFFFFFEE0]  }
0x120: {  	v14 =	vld [tilespmem:s6+$0xFFFFFF30];
	v6 =	vand.u32 $0xFFFFFFFB, v6;
	[tilespmem:s6+$0xFFFFFE70] =	vst v1;
	v1 =	vmul.f32 v15, v3  }
0x121: {  	v6 =	vbroadcast v6, $0x0;
	[tilespmem:s6+$0xFFFFFE90] =	vst v9;
	v9 =	vmul.f32 v16, v3;
	v5 =	vld.idx.msk [tilespmem:v5+s28+$0x0], $0xffff  }
0x122: {  	v15 =	vld [tilespmem:s6+$0xFFFFFF40];
	[tilespmem:s6+$0xFFFFFEA0] =	vst v1;
	v13 =	vmul.f32 v13, v3  }
0x123: {  	v7 =	vmul.f32 v7, v3;
	[tilespmem:s6+$0xFFFFFEB0] =	vst v9;
	v9 =	vld [tilespmem:s6+$0xFFFFFF60]  }
0x124: {  	[tilespmem:s6+$0xFFFFFED0] =	vst v13;
	v13 =	vld [tilespmem:s6+$0xFFFFFFB0];
	v4 =	vmul.f32 v4, v3  }
0x125: {  	[tilespmem:s6+$0xFFFFFEC0] =	vst v7;
	v7 =	vld [tilespmem:s6+$0xFFFFFF70];
	v3 =	vmul.f32 v10, v3  }
0x126: {  	v10 =	vld [tilespmem:s6+$0xFFFFFF80];
	[tilespmem:s6+$0xFFFFFEE0] =	vst v4;
	v1 =	vmul.f32 v11, v5  }
0x127: {  	v6 =	vld.idx.msk [tilespmem:v6+s28+$0x0], $0xffff;
	[tilespmem:s6+$0xFFFFFEF0] =	vst v3;
	v4 =	vmul.f32 v8, v5  }
0x128: {  	s16 =	simm.s32 $0x4;
	v11 =	vld [tilespmem:s6+$0xFFFFFF50];
	v3 =	vmul.f32 v12, v5;
	[tilespmem:s6+$0xFFFFFF00] =	vst v1  }
0x129: {  	v8 =	vld [tilespmem:s6+$0xFFFFFF90];
	v9 =	vmul.f32 v9, v5;
	v1 =	vmov s16;
	[tilespmem:s6+$0xFFFFFF10] =	vst v4  }
0x12a: {  	v12 =	vld [tilespmem:s6+$0xFFFFFFA0];
	v4 =	vmul.f32 v14, v5;
	[tilespmem:s6+$0xFFFFFF20] =	vst v3;
	v1 =	vand.u32 $0xFFFFFFFC, v1  }
0x12b: {  	v3 =	vmul.f32 v15, v5;
	v14 =	vld [tilespmem:s6+$0xFFFFFFC0];
	[tilespmem:s6+$0xFFFFFF60] =	vst v9;
	v1 =	vbroadcast v1, $0x0  }
0x12c: {  	v9 =	vld [tilespmem:s6+$0x0];
	[tilespmem:s6+$0xFFFFFF30] =	vst v4;
	v4 =	vmul.f32 v10, v6  }
0x12d: {  	s17 =	simm.s32 $0x5;
	v10 =	vld [tilespmem:s6+$0xFFFFFFD0];
	[tilespmem:s6+$0xFFFFFF40] =	vst v3;
	v11 =	vmul.f32 v11, v5  }
0x12e: {  	v3 =	vld [tilespmem:s6+$0xFFFFFFE0];
	v5 =	vmul.f32 v7, v5;
	[tilespmem:s6+$0xFFFFFF80] =	vst v4;
	v4 =	vmov s17  }
0x12f: {  	v7 =	vld [tilespmem:s6+$0xFFFFFFF0];
	v8 =	vmul.f32 v8, v6;
	[tilespmem:s6+$0xFFFFFF50] =	vst v11;
	v4 =	vand.u32 $0xFFFFFFFD, v4  }
0x130: {  	[tilespmem:s6+$0xFFFFFF70] =	vst v5;
	v5 =	vmul.f32 v12, v6;
	v11 =	vld [tilespmem:s6+$0x10];
	v4 =	vbroadcast v4, $0x0  }
0x131: {  	[tilespmem:s6+$0xFFFFFF90] =	vst v8;
	v8 =	vmul.f32 v13, v6;
	v1 =	vld.idx.msk [tilespmem:v1+s28+$0x0], $0xffff  }
0x132: {  	v12 =	vld [tilespmem:s6+$0x20];
	[tilespmem:s6+$0xFFFFFFA0] =	vst v5;
	v5 =	vmul.f32 v14, v6  }
0x133: {  	v13 =	vld [tilespmem:s6+$0x30];
	[tilespmem:s6+$0xFFFFFFB0] =	vst v8;
	v8 =	vmul.f32 v10, v6  }
0x134: {  	v10 =	vld [tilespmem:s6+$0x40];
	v3 =	vmul.f32 v3, v6;
	[tilespmem:s6+$0xFFFFFFC0] =	vst v5  }
0x135: {  	v6 =	vmul.f32 v7, v6;
	[tilespmem:s6+$0xFFFFFFD0] =	vst v8;
	v8 =	vld [tilespmem:s6+$0x60]  }
0x136: {  	[tilespmem:s6+$0xFFFFFFE0] =	vst v3;
	v4 =	vld.idx.msk [tilespmem:v4+s28+$0x0], $0xffff;
	v5 =	vmul.f32 v9, v1  }
0x137: {  	[tilespmem:s6+$0xFFFFFFF0] =	vst v6;
	v9 =	vld [tilespmem:s6+$0x50];
	v6 =	vmul.f32 v12, v1  }
0x138: {  	v3 =	vmul.f32 v11, v1;
	v11 =	vld [tilespmem:s6+$0x90];
	[tilespmem:s6+$0x0] =	vst v5  }
0x139: {  	v7 =	vld [tilespmem:s6+$0x80];
	[tilespmem:s6+$0x20] =	vst v6;
	v6 =	vmul.f32 v10, v1  }
0x13a: {  	v5 =	vld [tilespmem:s6+$0x70];
	[tilespmem:s6+$0x10] =	vst v3;
	v3 =	vmul.f32 v13, v1  }
0x13b: {  	v10 =	vld [tilespmem:s6+$0xA0];
	[tilespmem:s6+$0x40] =	vst v6;
	v6 =	vmul.f32 v8, v1  }
0x13c: {  	[tilespmem:s6+$0x30] =	vst v3;
	v8 =	vld [tilespmem:s6+$0xC0];
	v3 =	vmul.f32 v9, v1  }
0x13d: {  	v9 =	vld [tilespmem:s6+$0xB0];
	v11 =	vmul.f32 v11, v4;
	[tilespmem:s6+$0x60] =	vst v6  }
0x13e: {  	s15 =	simm.s32 $0x7;
	v6 =	vld [tilespmem:s6+$0xE0];
	[tilespmem:s6+$0x50] =	vst v3;
	v3 =	vmul.f32 v7, v4  }
0x13f: {  	v12 =	vmov s15;
	v7 =	vld [tilespmem:s6+$0xD0];
	v5 =	vmul.f32 v5, v1;
	[tilespmem:s6+$0x90] =	vst v11  }
0x140: {  	v11 =	vld [tilespmem:s6+$0x150];
	[tilespmem:s6+$0x80] =	vst v3  }
0x141: {  	[tilespmem:s6+$0x70] =	vst v5;
	v3 =	vmul.f32 v10, v4;
	v5 =	vld [tilespmem:s6+$0xF0]  }
0x142: {  	v10 =	vld [tilespmem:s6+$0x100];
	v9 =	vmul.f32 v9, v4  }
0x143: {  	[tilespmem:s6+$0xA0] =	vst v3;
	v3 =	vmul.f32 v8, v4;
	v8 =	vld [tilespmem:s6+$0x110]  }
0x144: {  	v1 =	vld.idx.msk [tilespmem:v12+s28+$0x0], $0xffff;
	[tilespmem:s6+$0xB0] =	vst v9;
	v7 =	vmul.f32 v7, v4  }
0x145: {  	v9 =	vld [tilespmem:s6+$0x120];
	v11 =	vmul.f32 v11, v2;
	[tilespmem:s6+$0xC0] =	vst v3  }
0x146: {  	s15 =	simm.s32 $0x9;
	v3 =	vmul.f32 v6, v4;
	v6 =	vld [tilespmem:s6+$0x130];
	[tilespmem:s6+$0xD0] =	vst v7;
	v4 =	vmul.f32 v5, v4  }
0x147: {  	s16 =	simm.s32 $0x8;
	v12 =	vmov s15;
	v5 =	vld [tilespmem:s6+$0x140];
	[tilespmem:s6+$0x150] =	vst v11  }
0x148: {  	s17 =	simm.s32 $0xF;
	v7 =	vmov s16;
	v10 =	vmul.f32 v10, v2;
	s16 =	simm.s32 $0xA;
	[tilespmem:s6+$0xF0] =	vst v4;
	v4 =	vmul.f32 v8, v2;
	v8 =	vld [tilespmem:s6+$0x160]  }
0x149: {  	v14 =	vld [tilespmem:s6+$0x180];
	s15 =	simm.s32 $0xB;
	[tilespmem:s6+$0xE0] =	vst v3;
	v7 =	vand.u32 $0xFFFFFFF8, v7;
	v3 =	vmov s17;
	v13 =	vmov s16;
	s16 =	simm.s32 $0xC  }
0x14a: {  	v17 =	vld [tilespmem:s6+$0x190];
	s17 =	simm.s32 $0xD;
	[tilespmem:s6+$0x100] =	vst v10;
	v10 =	vmov s15;
	v15 =	vmov s16;
	v9 =	vmul.f32 v9, v2  }
0x14b: {  	v18 =	vmov s17;
	[tilespmem:s6+$0x110] =	vst v4;
	v16 =	vmul.f32 v6, v2;
	v4 =	vbroadcast v7, $0x0;
	v6 =	vld [tilespmem:s6+$0x1A0]  }
0x14c: {  	v7 =	vld [tilespmem:s6+$0x1B0];
	[tilespmem:s6+$0x120] =	vst v9;
	v9 =	vmul.f32 v5, v2;
	v5 =	vand.u32 $0xFFFFFFF9, v12;
	v12 =	vand.u32 $0xFFFFFFFA, v13  }
0x14d: {  	v13 =	vand.u32 $0xFFFFFFFB, v10;
	[tilespmem:s6+$0x130] =	vst v16;
	v5 =	vbroadcast v5, $0x0;
	v16 =	vmul.f32 v8, v2;
	v8 =	vld [tilespmem:s6+$0x1C0]  }
0x14e: {  	v10 =	vbroadcast v12, $0x0;
	[tilespmem:s6+$0x140] =	vst v9;
	v2 =	vand.u32 $0xFFFFFFFC, v15;
	v15 =	vmul.f32 v14, v1;
	v9 =	vld [tilespmem:s6+$0x1D0]  }
0x14f: {  	s14 =	simm.s32 $0x10;
	v11 =	vld [tilespmem:s6+$0x1E0];
	s15 =	simm.s32 $0xE;
	v12 =	vbroadcast v13, $0x0;
	v13 =	vmul.f32 v17, v1;
	v14 =	vand.u32 $0xFFFFFFFD, v18;
	[tilespmem:s6+$0x160] =	vst v16  }
.LBB2_9:
0x150: {  	p0 =	slt.u32 s14, $0x78;
	v2 =	vbroadcast v2, $0x0;
	v16 =	vmov s15;
	[tilespmem:s6+$0x180] =	vst v15;
	v6 =	vmul.f32 v6, v1;
	v15 =	vld [tilespmem:s6+$0x1F0]  }
0x151: {  	v14 =	vbroadcast v14, $0x0;
	v16 =	vand.u32 $0xFFFFFFFE, v16;
	v17 =	vld.idx.msk [tilespmem:v3+s28+$0x0], $0xffff;
	[tilespmem:s6+$0x190] =	vst v13;
	v3 =	vmul.f32 v7, v1  }
0x152: {  	v7 =	vld.idx.msk [tilespmem:v4+s28+$0x0], $0xffff;
	v13 =	vbroadcast v16, $0x0;
	[tilespmem:s6+$0x1A0] =	vst v6;
	v4 =	vmul.f32 v8, v1  }
0x153: {  	v6 =	vld.idx.msk [tilespmem:v5+s28+$0x0], $0xffff;
	[tilespmem:s6+$0x1B0] =	vst v3;
	v3 =	vmul.f32 v9, v1  }
0x154: {  	v9 =	vmul.f32 v11, v1;
	v8 =	vld.idx.msk [tilespmem:v10+s28+$0x0], $0xffff;
	[tilespmem:s6+$0x1C0] =	vst v4  }
0x155: {  	v5 =	vld.idx.msk [tilespmem:v12+s28+$0x0], $0xffff;
	[tilespmem:s6+$0x1D0] =	vst v3;
	v10 =	vmul.f32 v15, v1  }
0x156: {  	v4 =	vld.idx.msk [tilespmem:v2+s28+$0x0], $0xffff;
	[tilespmem:s6+$0x1E0] =	vst v9  }
0x157: {  	v1 =	vmov v17;
	v3 =	vld.idx.msk [tilespmem:v14+s28+$0x0], $0xffff;
	[tilespmem:s6+$0x1F0] =	vst v10  }
0x158: {  	s6 =	sadd.s32 $0x400, s6;
	v2 =	vld.idx.msk [tilespmem:v13+s28+$0x0], $0xffff  }
0x159: {  	v9 =	vld [tilespmem:s6+$0x170]  }
0x15a: {  	v10 =	vld [tilespmem:s6+$0xFFFFFE00]  }
0x15b: {  	v11 =	vld [tilespmem:s6+$0xFFFFFE10]  }
0x15c: {  	v12 =	vld [tilespmem:s6+$0xFFFFFE20]  }
0x15d: {  	v13 =	vld [tilespmem:s6+$0xFFFFFE30]  }
0x15e: {  	v14 =	vld [tilespmem:s6+$0xFFFFFE40];
	v9 =	vmul.f32 v9, v2  }
0x15f: {  	v10 =	vmul.f32 v10, v7;
	v15 =	vld [tilespmem:s6+$0xFFFFFE50]  }
0x160: {  	v11 =	vmul.f32 v11, v7;
	v16 =	vld [tilespmem:s6+$0xFFFFFE60];
	[tilespmem:s6+$0x170] =	vst v9  }
0x161: {  	[tilespmem:s6+$0xFFFFFE00] =	vst v10;
	v9 =	vmul.f32 v12, v7;
	v10 =	vld [tilespmem:s6+$0xFFFFFE70]  }
0x162: {  	[tilespmem:s6+$0xFFFFFE10] =	vst v11;
	v11 =	vmul.f32 v13, v7;
	v12 =	vld [tilespmem:s6+$0xFFFFFE80]  }
0x163: {  	[tilespmem:s6+$0xFFFFFE20] =	vst v9;
	v9 =	vmul.f32 v14, v7;
	v13 =	vld [tilespmem:s6+$0xFFFFFE90]  }
0x164: {  	[tilespmem:s6+$0xFFFFFE30] =	vst v11;
	v11 =	vmul.f32 v15, v7;
	v14 =	vld [tilespmem:s6+$0xFFFFFEA0]  }
0x165: {  	[tilespmem:s6+$0xFFFFFE40] =	vst v9;
	v9 =	vmul.f32 v16, v7;
	v15 =	vld [tilespmem:s6+$0xFFFFFEB0]  }
0x166: {  	[tilespmem:s6+$0xFFFFFE50] =	vst v11;
	v7 =	vmul.f32 v10, v7;
	v10 =	vld [tilespmem:s6+$0xFFFFFEC0]  }
0x167: {  	[tilespmem:s6+$0xFFFFFE60] =	vst v9;
	v9 =	vmul.f32 v12, v6;
	v11 =	vld [tilespmem:s6+$0xFFFFFED0]  }
0x168: {  	[tilespmem:s6+$0xFFFFFE70] =	vst v7;
	v7 =	vmul.f32 v13, v6;
	v12 =	vld [tilespmem:s6+$0xFFFFFEE0]  }
0x169: {  	[tilespmem:s6+$0xFFFFFE80] =	vst v9;
	v9 =	vmul.f32 v14, v6;
	v13 =	vld [tilespmem:s6+$0xFFFFFEF0]  }
0x16a: {  	[tilespmem:s6+$0xFFFFFE90] =	vst v7;
	v7 =	vmul.f32 v15, v6;
	v14 =	vld [tilespmem:s6+$0xFFFFFF00]  }
0x16b: {  	[tilespmem:s6+$0xFFFFFEA0] =	vst v9;
	v9 =	vmul.f32 v10, v6;
	v10 =	vld [tilespmem:s6+$0xFFFFFF10]  }
0x16c: {  	[tilespmem:s6+$0xFFFFFEB0] =	vst v7;
	v7 =	vmul.f32 v11, v6;
	v11 =	vld [tilespmem:s6+$0xFFFFFF20]  }
0x16d: {  	[tilespmem:s6+$0xFFFFFEC0] =	vst v9;
	v9 =	vmul.f32 v12, v6;
	v12 =	vld [tilespmem:s6+$0xFFFFFF30]  }
0x16e: {  	[tilespmem:s6+$0xFFFFFED0] =	vst v7;
	v6 =	vmul.f32 v13, v6;
	v7 =	vld [tilespmem:s6+$0xFFFFFF40]  }
0x16f: {  	[tilespmem:s6+$0xFFFFFEE0] =	vst v9;
	v9 =	vmul.f32 v14, v8;
	v13 =	vld [tilespmem:s6+$0xFFFFFF50]  }
0x170: {  	[tilespmem:s6+$0xFFFFFEF0] =	vst v6;
	v6 =	vmul.f32 v10, v8;
	v10 =	vld [tilespmem:s6+$0xFFFFFF60]  }
0x171: {  	[tilespmem:s6+$0xFFFFFF00] =	vst v9;
	v9 =	vmul.f32 v11, v8;
	v11 =	vld [tilespmem:s6+$0xFFFFFF70]  }
0x172: {  	[tilespmem:s6+$0xFFFFFF10] =	vst v6;
	v6 =	vmul.f32 v12, v8;
	v12 =	vld [tilespmem:s6+$0xFFFFFF80]  }
0x173: {  	[tilespmem:s6+$0xFFFFFF20] =	vst v9;
	v7 =	vmul.f32 v7, v8;
	v9 =	vld [tilespmem:s6+$0xFFFFFF90]  }
0x174: {  	[tilespmem:s6+$0xFFFFFF30] =	vst v6;
	v6 =	vmul.f32 v13, v8;
	v13 =	vld [tilespmem:s6+$0xFFFFFFA0]  }
0x175: {  	[tilespmem:s6+$0xFFFFFF40] =	vst v7;
	v7 =	vmul.f32 v10, v8;
	v10 =	vld [tilespmem:s6+$0xFFFFFFB0]  }
0x176: {  	[tilespmem:s6+$0xFFFFFF50] =	vst v6;
	v6 =	vmul.f32 v11, v8;
	v8 =	vld [tilespmem:s6+$0xFFFFFFC0]  }
0x177: {  	[tilespmem:s6+$0xFFFFFF60] =	vst v7;
	v7 =	vmul.f32 v12, v5;
	v11 =	vld [tilespmem:s6+$0xFFFFFFD0]  }
0x178: {  	[tilespmem:s6+$0xFFFFFF70] =	vst v6;
	v6 =	vmul.f32 v9, v5;
	v9 =	vld [tilespmem:s6+$0xFFFFFFE0]  }
0x179: {  	[tilespmem:s6+$0xFFFFFF80] =	vst v7;
	v7 =	vmul.f32 v13, v5;
	v12 =	vld [tilespmem:s6+$0xFFFFFFF0]  }
0x17a: {  	[tilespmem:s6+$0xFFFFFF90] =	vst v6;
	v6 =	vmul.f32 v10, v5;
	v10 =	vld [tilespmem:s6+$0x0]  }
0x17b: {  	[tilespmem:s6+$0xFFFFFFA0] =	vst v7;
	v7 =	vmul.f32 v8, v5;
	v8 =	vld [tilespmem:s6+$0x10]  }
0x17c: {  	[tilespmem:s6+$0xFFFFFFB0] =	vst v6;
	v6 =	vmul.f32 v11, v5;
	v11 =	vld [tilespmem:s6+$0x20]  }
0x17d: {  	[tilespmem:s6+$0xFFFFFFC0] =	vst v7;
	v7 =	vmul.f32 v9, v5;
	v9 =	vld [tilespmem:s6+$0x30]  }
0x17e: {  	[tilespmem:s6+$0xFFFFFFD0] =	vst v6;
	v5 =	vmul.f32 v12, v5;
	v6 =	vld [tilespmem:s6+$0x40]  }
0x17f: {  	[tilespmem:s6+$0xFFFFFFE0] =	vst v7;
	v7 =	vmul.f32 v10, v4;
	v10 =	vld [tilespmem:s6+$0x50]  }
0x180: {  	[tilespmem:s6+$0xFFFFFFF0] =	vst v5;
	v5 =	vmul.f32 v8, v4;
	v8 =	vld [tilespmem:s6+$0x60]  }
0x181: {  	[tilespmem:s6+$0x0] =	vst v7;
	v7 =	vmul.f32 v11, v4;
	v11 =	vld [tilespmem:s6+$0x70]  }
0x182: {  	[tilespmem:s6+$0x10] =	vst v5;
	v5 =	vmul.f32 v9, v4;
	v9 =	vld [tilespmem:s6+$0x80]  }
0x183: {  	[tilespmem:s6+$0x20] =	vst v7;
	v6 =	vmul.f32 v6, v4;
	v7 =	vld [tilespmem:s6+$0x90]  }
0x184: {  	[tilespmem:s6+$0x30] =	vst v5;
	v5 =	vmul.f32 v10, v4;
	v10 =	vld [tilespmem:s6+$0xA0]  }
0x185: {  	[tilespmem:s6+$0x40] =	vst v6;
	v6 =	vmul.f32 v8, v4;
	v8 =	vld [tilespmem:s6+$0xB0]  }
0x186: {  	[tilespmem:s6+$0x50] =	vst v5;
	v4 =	vmul.f32 v11, v4;
	v5 =	vld [tilespmem:s6+$0xC0]  }
0x187: {  	[tilespmem:s6+$0x60] =	vst v6;
	v6 =	vmul.f32 v9, v3;
	v9 =	vld [tilespmem:s6+$0xD0]  }
0x188: {  	[tilespmem:s6+$0x70] =	vst v4;
	v4 =	vmul.f32 v7, v3;
	v7 =	vld [tilespmem:s6+$0xE0]  }
0x189: {  	[tilespmem:s6+$0x80] =	vst v6;
	v6 =	vmul.f32 v10, v3;
	v10 =	vld [tilespmem:s6+$0xF0]  }
0x18a: {  	[tilespmem:s6+$0x90] =	vst v4;
	v4 =	vmul.f32 v8, v3;
	v8 =	vld [tilespmem:s6+$0x100]  }
0x18b: {  	[tilespmem:s6+$0xA0] =	vst v6;
	v5 =	vmul.f32 v5, v3;
	v6 =	vld [tilespmem:s6+$0x110]  }
0x18c: {  	[tilespmem:s6+$0xB0] =	vst v4;
	v4 =	vmul.f32 v9, v3;
	v9 =	vld [tilespmem:s6+$0x120]  }
0x18d: {  	[tilespmem:s6+$0xC0] =	vst v5;
	v5 =	vmul.f32 v7, v3;
	v7 =	vld [tilespmem:s6+$0x130]  }
0x18e: {  	[tilespmem:s6+$0xD0] =	vst v4;
	v4 =	vmul.f32 v10, v3;
	v10 =	vld [tilespmem:s6+$0x140]  }
0x18f: {  	s15 =	sadd.s32 $0x7, s14;
	v3 =	vmov s14;
	[tilespmem:s6+$0xE0] =	vst v5;
	v5 =	vmul.f32 v8, v2;
	v8 =	vld [tilespmem:s6+$0x150]  }
0x190: {  	s16 =	sadd.s32 $0x1, s14;
	s17 =	sadd.s32 $0x2, s14;
	v11 =	vand.u32 $0xFFFFFFF8, v3;
	v3 =	vmov s15;
	[tilespmem:s6+$0xF0] =	vst v4;
	v4 =	vmul.f32 v6, v2;
	v12 =	vld [tilespmem:s6+$0x160]  }
0x191: {  	v14 =	vmov s17;
	v13 =	vmov s16;
	s16 =	sadd.s32 $0x4, s14;
	s15 =	sadd.s32 $0x3, s14;
	[tilespmem:s6+$0x100] =	vst v5;
	v5 =	vmul.f32 v9, v2;
	v9 =	vld [tilespmem:s6+$0x180]  }
0x192: {  	v16 =	vmov s16;
	v15 =	vmov s15;
	s15 =	sadd.s32 $0x5, s14;
	[tilespmem:s6+$0x110] =	vst v4;
	v7 =	vmul.f32 v7, v2;
	v17 =	vld [tilespmem:s6+$0x190]  }
.Ltmp9:
0x193: {  	v4 =	vbroadcast v11, $0x0;
	v11 =	vmov s15;
	[tilespmem:s6+$0x120] =	vst v5;
	v10 =	vmul.f32 v10, v2;
	v6 =	vld [tilespmem:s6+$0x1A0];
	(pc) =	sbr.rel @p0 .LBB2_9-.Ltmp9, $4  }
0x194: {  	v5 =	vand.u32 $0xFFFFFFF9, v13;
	v13 =	vand.u32 $0xFFFFFFFA, v14;
	[tilespmem:s6+$0x130] =	vst v7;
	v14 =	vmul.f32 v8, v2;
	v7 =	vld [tilespmem:s6+$0x1B0]  }
0x195: {  	v18 =	vand.u32 $0xFFFFFFFB, v15;
	v5 =	vbroadcast v5, $0x0;
	[tilespmem:s6+$0x140] =	vst v10;
	v19 =	vmul.f32 v12, v2;
	v8 =	vld [tilespmem:s6+$0x1C0]  }
0x196: {  	v10 =	vbroadcast v13, $0x0;
	v2 =	vand.u32 $0xFFFFFFFC, v16;
	[tilespmem:s6+$0x150] =	vst v14;
	v15 =	vmul.f32 v9, v1;
	v9 =	vld [tilespmem:s6+$0x1D0]  }
0x197: {  	s15 =	sadd.s32 $0x6, s14;
	s14 =	sadd.s32 $0x8, s14;
	v12 =	vbroadcast v18, $0x0;
	v14 =	vand.u32 $0xFFFFFFFD, v11;
	[tilespmem:s6+$0x160] =	vst v19;
	v13 =	vmul.f32 v17, v1;
	v11 =	vld [tilespmem:s6+$0x1E0]  }
.Ltmp10:
0x198: {  	_ = 	snop;
	(pc) =	sbr.rel .LBB2_10-.Ltmp10, $1  }
0x199: {  	_ =	sdelay $0x3  }
.LBB2_14:
0x19a: {  	_ =	sfence.sel $0x180000  }
0x19b: {  	[bflag:$0x0] =	sbarrier.arrive $0xFFFF  }
0x19c: {  	_ =	strace $0x9000004A  }
0x19d: {  	s0 =	stileid.u32;
	[bflag:$0x2] =	sbarrier.arrive $0xFFFF  }
0x19e: {  	p0 =	sne.s32 s0, $0x0;
	s0 =	rddreg [dreg:$0x3]  }
0x19f: {  	s0 =	sadd.s32 @!p0 $0x100000, s0  }
0x1a0: {  	[sflag:s0] =	ssyncadd.tile.s32 @!p0 $0x1;
	_ =	shalt  }
.Lfunc_end2:
_tile_overlayer_lowered:
.L_overlay_start_2:
0x1a1: {  	(tag) =	ssettag $0x2  }
0x1a2: {  	s0 =	rddreg [dreg:$0x0];
	s2 =	stileid.u32  }
0x1a3: {  	s1 =	rddreg [dreg:$0x1];
	p0 =	sne.s32 s2, $0x0  }
0x1a4: {  	s3 =	rddreg [dreg:$0x2];
	[bflag:$0x3] =	sbarrier.arrive $0xFFFF;
	s2 =	simm.s32 @!p0 $0x1C02  }
0x1a5: {  	[timem:s3], [sflag:s2] =	dma.local @!p0 [hbm:s0], s1  }
0x1a6: {  	s0 =	simm.s32 @!p0 $0x2  }
0x1a7: {  	_ =	swait.ge @!p0 [sflag:s0], s1  }
0x1a8: {  	s1 =	ssub.s32 @!p0 $0x0, s1;
	[sflag:s0] =	ssyncset.done @!p0 $0x0  }
0x1a9: {  	[sflag:s0] =	ssyncadd.s32 @!p0 s1  }
0x1aa: {  	[bflag:$0x3] =	sbarrier.arrive $0xFFFF  }
0x1ab: {  	_ =	shalt  }

// kernel: kernel.7.cloned.1.call-start
scs
__scs_entry_jumppad:
0x0: {  	(pc) =	sbr.rel $0x88, $3  }
0x1: {  	(tag) =	ssettag $0x0;
	lr =	simm.s32 $0x1  }
0x2: {  	[smem:$0x3F95] =	sst lr;
	_ =	strace $0xD0000000  }
0x3: {  	_ = 	snop  }
0x4: {  	_ = 	snop  }
0x5: {  	_ = 	snop  }
0x6: {  	_ = 	snop  }
0x7: {  	_ = 	snop  }
__scs_overlays_trampoline_lowered:
0x8: {  	[smem:$0x3FA4] =	sst s0  }
0x9: {  	[smem:$0x3FA5] =	sst s1  }
0xa: {  	[smem:$0x3FA6] =	sst s2  }
0xb: {  	[smem:$0x3FA7] =	sst s3  }
0xc: {  	[smem:$0x3FA8] =	sst s4  }
0xd: {  	[smem:$0x3FA9] =	sst s5  }
0xe: {  	[smem:$0x3FAA] =	sst s6  }
0xf: {  	[smem:$0x3FAB] =	sst s7  }
0x10: {  	[smem:$0x3FAC] =	sst s8  }
0x11: {  	[smem:$0x3FAD] =	sst s9;
	s0 =	simm.s32 @!p0 $0x0  }
0x12: {  	s1 =	sld [smem:$0x3F93];
	s0 =	simm.s32 @p0 $0x1  }
0x13: {  	[smem:$0x3FAE] =	sst s0;
	s0 =	simm.s32 @!p1 $0x0  }
0x14: {  	s2 =	sld [smem:$0x3F92];
	s0 =	simm.s32 @p1 $0x1  }
0x15: {  	[smem:$0x3FAF] =	sst s0;
	s0 =	simm.s32 @!p2 $0x0  }
0x16: {  	s3 =	sld [smem:$0x3FDB];
	s0 =	simm.s32 @p2 $0x1  }
0x17: {  	s4 =	simm.s32 $0x1BF5;
	[smem:$0x3FB1] =	sst s0  }
0x18: {  	s0 =	sld [smem:$0x3F94];
	_ =	swait.ge [sflag:s4], $0x0  }
0x19: {  	s7 =	sld [smem:$0x3F95]  }
0x1a: {  	s8 =	sadd.s32 $0xFFFFE003, lr  }
0x1b: {  	s9 =	sadd.s32 $0xFFFFFEF7, lr;
	s5 =	simm.s32 $0xFFFFFFFF;
	p2 =	slt.u32 s8, $0xFFFFF086  }
0x1c: {  	p1 =	slt.u32 s9, $0xF7A;
	s5 =	simm.s32 @!p2 $0x0  }
0x1d: {  	s5 =	simm.s32 @p1 $0x1;
	p0 =	seq.s32 s7, s2  }
0x1e: {  	s7 =	smul.u32 @!p0 $0xF7A, s2;
	p2 =	seq.s32 @!p0 s5, $0x0  }
0x1f: {  	s9 =	smul.u32 $0xF7A, s1;
	s8 =	simm.s32 @!p0 $0x1BF5;
	p2 =	por !p2, p0  }
0x20: {  	[sflag:s8] =	ssyncset.s32 @!p0 $0xFFFFF086;
	s6 =	sadd.s32 @!p0 s3, s7;
	s7 =	simm.s32 @!p0 $0x108  }
0x21: {  	s3 =	sadd.s32 s3, s9;
	s6 =	sadd.s32 @!p0 $0x88, s6;
	s7 =	simm.s32 @p2 $0x1082  }
0x22: {  	[simem:s7], [sflag:s8] =	dma.local @!p0 [hbm:s6], $0xF7A  }
0x23: {  	s9 =	sor.u32 $0xD0000000, s2;
	s6 =	simm.s32 $0x108;
	_ =	swait.ge @!p0 [sflag:s8], $0x0  }
0x24: {  	s3 =	sadd.s32 $0x88, s3;
	s6 =	simm.s32 @!p1 $0x1082;
	[sflag:s4] =	ssyncset.s32 $0xFFFFF086  }
0x25: {  	[simem:s6], [sflag:s4] =	dma.local [hbm:s3], $0xF7A  }
0x26: {  	[smem:$0x3F95] =	sst s1;
	(tag) =	ssettag s2;
	_ =	strace s9  }
0x27: {  	s1 =	sld [smem:$0x3FA5]  }
0x28: {  	s2 =	sld [smem:$0x3FA6]  }
0x29: {  	s4 =	sld [smem:$0x3FA8]  }
0x2a: {  	p0 =	seq.s32 s5, $0x0;
	s5 =	sld [smem:$0x3FA9]  }
0x2b: {  	s6 =	sld [smem:$0x3FAA]  }
0x2c: {  	s7 =	sld [smem:$0x3FAB]  }
0x2d: {  	s3 =	simm.s32 $0x108;
	s8 =	sld [smem:$0x3FAC]  }
0x2e: {  	s3 =	simm.s32 @!p0 $0x1082;
	s9 =	sld [smem:$0x3FAD]  }
0x2f: {  	lr =	sadd.s32 s0, s3;
	s0 =	sld [smem:$0x3FA4]  }
0x30: {  	s3 =	sld [smem:$0x3FA7]  }
0x31: {  	[smem:$0x3FB0] =	sst s10  }
0x32: {  	s10 =	sld [smem:$0x3FAE];
	_ =	sdelay $0x3  }
0x33: {  	p0 =	seq.s32 s10, $0x1;
	s10 =	sld [smem:$0x3FB0];
	_ =	sdelay $0x3  }
0x34: {  	[smem:$0x3FB0] =	sst s10  }
0x35: {  	s10 =	sld [smem:$0x3FAF];
	_ =	sdelay $0x3  }
0x36: {  	p1 =	seq.s32 s10, $0x1;
	s10 =	sld [smem:$0x3FB0];
	_ =	sdelay $0x3  }
0x37: {  	[smem:$0x3FB0] =	sst s10  }
0x38: {  	s10 =	sld [smem:$0x3FB1]  }
0x39: {  	_ = 	snop;
	(pc) =	sbr.ind lr, $3  }
0x3a: {  	_ = 	snop  }
0x3b: {  	_ = 	snop  }
0x3c: {  	p2 =	seq.s32 s10, $0x1;
	s10 =	sld [smem:$0x3FB0]  }
0x3d: {  	_ =	shalt  }
0x3e: {  	_ =	shalt  }
0x3f: {  	_ =	shalt  }
0x40: {  	_ =	shalt  }
0x41: {  	_ =	shalt  }
0x42: {  	_ =	shalt  }
0x43: {  	_ =	shalt  }
0x44: {  	_ =	shalt  }
0x45: {  	_ =	shalt  }
0x46: {  	_ =	shalt  }
0x47: {  	_ =	shalt  }
0x48: {  	_ =	shalt  }
0x49: {  	_ =	shalt  }
0x4a: {  	_ =	shalt  }
0x4b: {  	_ =	shalt  }
0x4c: {  	_ =	shalt  }
0x4d: {  	_ =	shalt  }
0x4e: {  	_ =	shalt  }
0x4f: {  	_ =	shalt  }
0x50: {  	_ =	shalt  }
0x51: {  	_ =	shalt  }
0x52: {  	_ =	shalt  }
0x53: {  	_ =	shalt  }
0x54: {  	_ =	shalt  }
0x55: {  	_ =	shalt  }
0x56: {  	_ =	shalt  }
0x57: {  	_ =	shalt  }
0x58: {  	_ =	shalt  }
0x59: {  	_ =	shalt  }
0x5a: {  	_ =	shalt  }
0x5b: {  	_ =	shalt  }
0x5c: {  	_ =	shalt  }
0x5d: {  	_ =	shalt  }
0x5e: {  	_ =	shalt  }
0x5f: {  	_ =	shalt  }
0x60: {  	_ =	shalt  }
0x61: {  	_ =	shalt  }
0x62: {  	_ =	shalt  }
0x63: {  	_ =	shalt  }
0x64: {  	_ =	shalt  }
0x65: {  	_ =	shalt  }
0x66: {  	_ =	shalt  }
0x67: {  	_ =	shalt  }
0x68: {  	_ =	shalt  }
0x69: {  	_ =	shalt  }
0x6a: {  	_ =	shalt  }
0x6b: {  	_ =	shalt  }
0x6c: {  	_ =	shalt  }
0x6d: {  	_ =	shalt  }
0x6e: {  	_ =	shalt  }
0x6f: {  	_ =	shalt  }
0x70: {  	_ =	shalt  }
0x71: {  	_ =	shalt  }
0x72: {  	_ =	shalt  }
0x73: {  	_ =	shalt  }
0x74: {  	_ =	shalt  }
0x75: {  	_ =	shalt  }
0x76: {  	_ =	shalt  }
0x77: {  	_ =	shalt  }
0x78: {  	_ =	shalt  }
0x79: {  	_ =	shalt  }
0x7a: {  	_ =	shalt  }
0x7b: {  	_ =	shalt  }
0x7c: {  	_ =	shalt  }
0x7d: {  	_ =	shalt  }
0x7e: {  	_ =	shalt  }
0x7f: {  	_ =	shalt  }
0x80: {  	_ =	shalt  }
0x81: {  	_ =	shalt  }
0x82: {  	_ =	shalt  }
0x83: {  	_ =	shalt  }
0x84: {  	_ =	shalt  }
0x85: {  	_ =	shalt  }
0x86: {  	_ =	shalt  }
0x87: {  	_ =	shalt  }
.Lfunc_end0:
.L_simem_size_0:
called_computation_lowered:
.L_overlay_start_0:
0x88: {  	s2 =	sld [smem:$0x3FD9]  }
0x89: {  	s3 =	sld [smem:$0x3FFE];
	_ =	sdelay $0x1  }
0x8a: {  	s1 =	srdreg.scid  }
0x8b: {  	s0 =	sand.u32 $0x1, s1  }
0x8c: {  	s17 =	sshll.u32 s0, $0xA;
	s2 =	sadd.s32 s3, s2  }
0x8d: {  	s2 =	sadd.s32 s2, s17  }
0x8e: {  	[smem:$0x3FBC] =	sst s2  }
0x8f: {  	_ = 	snop  }
0x90: {  	s2 =	sld [smem:$0x3FD0];
	(tm) =	ssettm $0x1  }
0x91: {  	s18 =	sld [smem:$0x3FFB];
	_ =	sdelay $0x3  }
0x92: {  	_ =	strace s18  }
0x93: {  	s3 =	sld [smem:$0x3FFC];
	_ =	sdelay $0x3  }
0x94: {  	_ =	strace s3  }
0x95: {  	s3 =	sld [smem:$0x3FFD];
	_ =	sdelay $0x3  }
0x96: {  	_ =	strace s3  }
0x97: {  	_ =	strace $0x8FFFFFFF  }
0x98: {  	s19 =	sld [smem:$0x3FDB];
	_ =	sdelay $0x1  }
0x99: {  	s4 =	simm.s32 $_scs_section_size  }
0x9a: {  	s5 =	simm.s32 $_size__tile_overlayer_lowered;
	s6 =	simm.s32 $_tile_overlayer_lowered  }
0x9b: {  	s22 =	simm.s32 $0x1BFF;
	s21 =	sshll.u32 s6, $0x1;
	s3 =	sadd.s32 s4, s19  }
0x9c: {  	s7 =	simm.s32 $0x0;
	s20 =	sshll.u32 s5, $0x1;
	s5 =	sadd.s32 s21, s3  }
0x9d: {  	[timem:s7], [sflag:s22] =	dma.local [hbm:s5], s20  }
0x9e: {  	_ =	swait.ge [sflag:s22], s20  }
0x9f: {  	s4 =	ssub.s32 $0x0, s20;
	[sflag:s22] =	ssyncset.done $0x0  }
0xa0: {  	[sflag:s22] =	ssyncadd.s32 s4;
	_ =	sdelay $0x1  }
0xa1: {  	s23 =	simm.s32 $0x1B8B  }
0xa2: {  	_ =	swait.ge [sflag:s23], $0x1  }
0xa3: {  	[sflag:s23] =	ssyncset.done $0x0  }
0xa4: {  	s25 =	simm.s32 $0x1B8E;
	s24 =	sld [smem:$0x3FFE];
	[sflag:s23] =	ssyncadd.s32 $0xFFFFFFFF  }
0xa5: {  	s26 =	simm.s32 $execute0_lowered;
	[smem:$0x3FD2] =	sst s25  }
0xa6: {  	s5 =	sshll.u32 s26, $0x1;
	_ =	strace $0x80000046;
	[dreg:$0x1] =	wrdreg $0xFFFFFFFF  }
0xa7: {  	s28 =	simm.s32 $_size_execute0_lowered;
	s3 =	sadd.s32 s3, s5;
	[dreg:$0x0] =	wrdreg $0x0  }
0xa8: {  	s5 =	sshll.u32 s28, $0x1;
	[dreg:$0x2] =	wrdreg s3  }
0xa9: {  	[dreg:$0x3] =	wrdreg s5  }
0xaa: {  	[dreg:$0x4] =	wrdreg $0xC0  }
0xab: {  	_ =	task [dreg:s7], $0x5FFFF  }
0xac: {  	[dreg:$0x1] =	wrdreg $0xFFFFFFFF  }
0xad: {  	[dreg:$0x0] =	wrdreg $0x60  }
0xae: {  	[dreg:$0x2] =	wrdreg s24  }
0xaf: {  	[dreg:$0x3] =	wrdreg s2  }
0xb0: {  	[dreg:$0x4] =	wrdreg $0x0  }
0xb1: {  	[dreg:$0x5] =	wrdreg $0x9  }
0xb2: {  	_ =	task.clear_ibuf [dreg:s7], $0x6FFFF;
	_ =	strace $0x90000046  }
0xb3: {  	s29 =	simm.s32 $0x9;
	_ =	strace $0x80000048  }
0xb4: {  	_ =	swait.ge [sflag:s29], $0x1  }
0xb5: {  	[sflag:s29] =	ssyncadd.s32 $0xFFFFFFFF  }
0xb6: {  	_ =	strace $0x90000048  }
0xb7: {  	_ =	sfence  }
0xb8: {  	s30 =	sld [smem:$0x0];
	_ =	sdelay $0x2  }
0xb9: {  	s31 =	sshll.u32 s1, $0xD;
	s1 =	sshrl.u32 s1, $0x2  }
0xba: {  	s3 =	sand.u32 $0x4000, s31;
	s1 =	sadd.s32 s1, s30  }
0xbb: {  	s0 =	sor.u32 s3, s0;
	s1 =	sshll.u32 s1, $0x11  }
0xbc: {  	s0 =	sor.u32 s1, s0  }
0xbd: {  	s0 =	sadd.s32 $0x8F2B, s0  }
0xbe: {  	[sflag:s0] =	ssyncadd.remote.s32 $0x1  }
0xbf: {  	_ =	sfence.sel $0xFFFF  }
0xc0: {  	[dreg:$0x0] =	wrdreg $0xFFFFFFFF;
	(pc) =	sbr.abs _section_cstart, $3  }
0xc1: {  	[dreg:$0x1] =	wrdreg $0xFFFFFFFF  }
0xc2: {  	_ =	task.clear_ibuf [dreg:s7], $0x2FFFF;
	_ =	strace $0x9FFFFFFF  }
0xc3: {  	(tm) =	ssettm $0x7FFFFFFF  }
tec
execute0_lowered:
.L_overlay_start_1:
0x0: {  	(tag) =	ssettag $0x1  }
0x1: {  	s0 =	rddreg [dreg:$0x0]  }
0x2: {  	s1 =	rddreg [dreg:$0x1]  }
0x3: {  	s2 =	rddreg [dreg:$0x2];
	s3 =	simm.s32 $0x0  }
0x4: {  	s22 =	srdreg.scid;
	s9 =	stileid.u32;
	s20 =	simm.s32 $0x13C00  }
0x5: {  	s21 =	simm.s32 $0x2;
	s28 =	simm.s32 $0x19A80;
	s29 =	simm.s32 $0x0  }
0x6: {  	s30 =	simm.s32 $0x0;
	[smem:$0x7FF] =	sst s3;
	s3 =	sand.u32 $0x1, s22  }
0x7: {  	s5 =	sadd.s32 $0x2A00, s0;
	s6 =	smul.u32 $0x4F000, s9;
	s7 =	sadd.s32 $0x29C00, s0  }
0x8: {  	s13 =	smul.u32 $0x13C00, s9;
	s22 =	simm.s32 $0x19B00;
	_ =	strace $0x80000047  }
0x9: {  	s4 =	ssub.s32 $0x2, s3;
	[dreg:$0x4] =	wrdreg s7;
	s7 =	sadd.s32 $0x2A600, s0  }
0xa: {  	s0 =	sadd.s32 $0x34600, s0;
	s23 =	sshll.u32 s3, $0x4;
	s3 =	smul.u32 $0x13C000, s3  }
0xb: {  	s8 =	sshrl.u32 s4, $0x1;
	s6 =	sshrl.u32 s6, $0x2;
	s14 =	sadd.s32 $0x4000, s13  }
0xc: {  	s15 =	sor.u32 s9, s23;
	s24 =	sadd.s32 $0x8000, s13;
	s16 =	sadd.s32 $0xC000, s13  }
0xd: {  	s17 =	sadd.s32 $0x10000, s13;
	s23 =	simm.s32 $0x18A80;
	s4 =	ssub.s32 s4, s8  }
0xe: {  	s8 =	sadd.s32 s6, s2;
	s9 =	sadd.s32 s14, s2;
	s10 =	sadd.s32 s24, s2  }
0xf: {  	s11 =	sadd.s32 s16, s2;
	s12 =	sadd.s32 s17, s2;
	s18 =	sadd.s32 s13, s3  }
0x10: {  	s14 =	sadd.s32 s3, s14;
	s13 =	smul.u32 $0x50, s15;
	s6 =	sadd.s32 s3, s24  }
0x11: {  	s26 =	sadd.s32 s3, s16;
	s3 =	sadd.s32 s3, s17;
	s24 =	simm.s32 $0x19280  }
0x12: {  	s25 =	sshrl.u32 s18, $0x3;
	s14 =	sshrl.u32 s14, $0x3;
	s6 =	sshrl.u32 s6, $0x3  }
.Ltmp0:
0x13: {  	s31 =	sshrl.u32 s26, $0x3;
	s15 =	sadd.s32 s0, s25;
	(pc) =	sbr.rel .LBB2_1-.Ltmp0, $4  }
0x14: {  	s3 =	sshrl.u32 s3, $0x3;
	s14 =	sadd.s32 s0, s14;
	[dreg:$0x5] =	wrdreg s15  }
0x15: {  	s19 =	smax.u32 s4, $0x1;
	s6 =	sadd.s32 s0, s6;
	[dreg:$0x6] =	wrdreg s14  }
0x16: {  	s26 =	simm.s32 $0x1;
	[dreg:$0x7] =	wrdreg s6;
	s6 =	sadd.s32 s0, s31  }
0x17: {  	v0 =	vimm.f32 $0.0e+00;
	s18 =	sadd.s32 s0, s3;
	s25 =	simm.s32 $0x80;
	[dreg:$0x8] =	wrdreg s6  }
.LBB2_13:
0x18: {  	s0 =	stileid.u32  }
0x19: {  	[bflag:$0x0] =	sbarrier.arrive $0xFFFF;
	s0 =	sshll.u32 s0, $0x6  }
0x1a: {  	s3 =	sshrl.u32 s8, $0x3;
	s4 =	rddreg [dreg:$0x5];
	s0 =	sor.u32 $0x1C02, s0  }
0x1b: {  	[hbm:s4], [sflag:s0] =	dma.local [spmem:s3], $0x800  }
0x1c: {  	_ =	swait.ge [sflag:s21], $0x800  }
0x1d: {  	[sflag:s21] =	ssyncset.done $0x0  }
0x1e: {  	s4 =	sshrl.u32 s9, $0x3;
	s6 =	rddreg [dreg:$0x6];
	[sflag:s21] =	ssyncadd.s32 $0xFFFFF800  }
0x1f: {  	[hbm:s6], [sflag:s0] =	dma.local [spmem:s4], $0x800  }
0x20: {  	_ =	swait.ge [sflag:s21], $0x800  }
0x21: {  	[sflag:s21] =	ssyncset.done $0x0  }
0x22: {  	s14 =	sshrl.u32 s10, $0x3;
	s15 =	rddreg [dreg:$0x7];
	[sflag:s21] =	ssyncadd.s32 $0xFFFFF800  }
0x23: {  	[hbm:s15], [sflag:s0] =	dma.local [spmem:s14], $0x800  }
0x24: {  	_ =	swait.ge [sflag:s21], $0x800  }
0x25: {  	[sflag:s21] =	ssyncset.done $0x0  }
0x26: {  	s16 =	sshrl.u32 s11, $0x3;
	s17 =	rddreg [dreg:$0x8];
	[sflag:s21] =	ssyncadd.s32 $0xFFFFF800  }
0x27: {  	[hbm:s17], [sflag:s0] =	dma.local [spmem:s16], $0x800  }
0x28: {  	s29 =	sadd.s32 $0x1, s29;
	_ =	swait.ge [sflag:s21], $0x800  }
0x29: {  	p0 =	sne.s32 s29, s19;
	[sflag:s21] =	ssyncset.done $0x0  }
.Ltmp1:
0x2a: {  	s31 =	sshrl.u32 s12, $0x3;
	[sflag:s21] =	ssyncadd.s32 $0xFFFFF800;
	(pc) =	sbr.rel @!p0 .LBB2_14-.Ltmp1, $4  }
0x2b: {  	[hbm:s18], [sflag:s0] =	dma.local [spmem:s31], $0x780  }
0x2c: {  	_ =	swait.ge [sflag:s21], $0x780  }
0x2d: {  	[sflag:s21] =	ssyncset.done $0x0  }
0x2e: {  	[sflag:s21] =	ssyncadd.s32 $0xFFFFF880  }
.LBB2_1:
0x2f: {  	s0 =	simm.s32 $0x0;
	s3 =	rddreg [dreg:$0x4]  }
0x30: {  	[tilespmem:s20], [sflag:$0x2] =	stream.linear.gather [hbm4b:s3+s0], $0x4E80, $0x38;
	[tilespmem:$0x1DB00] =	vst v63  }
0x31: {  	_ =	swait.ge [sflag:s21], $0x4E80  }
0x32: {  	[sflag:s21] =	ssyncset.done $0x0  }
0x33: {  	s0 =	simm.s32 $0x0;
	s3 =	simm.s32 $0x200;
	[sflag:s21] =	ssyncadd.s32 $0xFFFFB180  }
.LBB2_2:
0x34: {  	p0 =	sne.s32 s3, $0xFE00;
	[tilespmem:s0+$0x19B70] =	vst v0  }
0x35: {  	[tilespmem:s0+$0x19B00] =	vst v0  }
0x36: {  	[tilespmem:s0+$0x19B10] =	vst v0  }
.Ltmp2:
0x37: {  	[tilespmem:s0+$0x19B20] =	vst v0;
	(pc) =	sbr.rel @p0 .LBB2_2-.Ltmp2, $4  }
0x38: {  	[tilespmem:s0+$0x19B30] =	vst v0  }
0x39: {  	[tilespmem:s0+$0x19B40] =	vst v0  }
0x3a: {  	[tilespmem:s0+$0x19B50] =	vst v0  }
0x3b: {  	[tilespmem:s0+$0x19B60] =	vst v0;
	s0 =	sshra.s32 s3, $0x2;
	s3 =	sadd.s32 $0x200, s3  }
0x3c: {  	[tilespmem:s0+$0x19B70] =	vst v0  }
0x3d: {  	[tilespmem:s0+$0x19B00] =	vst v0  }
0x3e: {  	[tilespmem:s0+$0x19B10] =	vst v0  }
0x3f: {  	[tilespmem:s0+$0x19B20] =	vst v0  }
0x40: {  	[tilespmem:s0+$0x19B30] =	vst v0  }
0x41: {  	[tilespmem:s0+$0x19B40] =	vst v0  }
0x42: {  	[tilespmem:s0+$0x19B50] =	vst v0  }
0x43: {  	[tilespmem:s0+$0x19B60] =	vst v0  }
0x44: {  	[spmem:s8] =	stream.linear.scatter [tilespmem:s22], [sflag:$0x2], $0x4000, $0x38;
	[tilespmem:$0x1DB00] =	vst v63  }
0x45: {  	_ =	swait.ge [sflag:s21], $0x4000  }
0x46: {  	[sflag:s21] =	ssyncset.done $0x0  }
0x47: {  	[sflag:s21] =	ssyncadd.s32 $0xFFFFC000  }
0x48: {  	[spmem:s9] =	stream.linear.scatter [tilespmem:s22], [sflag:$0x2], $0x4000, $0x38;
	[tilespmem:$0x1DB00] =	vst v63  }
0x49: {  	_ =	swait.ge [sflag:s21], $0x4000  }
0x4a: {  	[sflag:s21] =	ssyncset.done $0x0  }
0x4b: {  	[sflag:s21] =	ssyncadd.s32 $0xFFFFC000  }
0x4c: {  	[spmem:s10] =	stream.linear.scatter [tilespmem:s22], [sflag:$0x2], $0x4000, $0x38;
	[tilespmem:$0x1DB00] =	vst v63  }
0x4d: {  	_ =	swait.ge [sflag:s21], $0x4000  }
0x4e: {  	[sflag:s21] =	ssyncset.done $0x0  }
0x4f: {  	[sflag:s21] =	ssyncadd.s32 $0xFFFFC000  }
0x50: {  	[spmem:s11] =	stream.linear.scatter [tilespmem:s22], [sflag:$0x2], $0x4000, $0x38;
	[tilespmem:$0x1DB00] =	vst v63  }
0x51: {  	_ =	swait.ge [sflag:s21], $0x4000  }
0x52: {  	[sflag:s21] =	ssyncset.done $0x0  }
0x53: {  	[sflag:s21] =	ssyncadd.s32 $0xFFFFC000  }
0x54: {  	[spmem:s12] =	stream.linear.scatter [tilespmem:s22], [sflag:$0x2], $0x3C00, $0x38;
	[tilespmem:$0x1DB00] =	vst v63  }
.Ltmp3:
0x55: {  	_ =	swait.ge [sflag:s21], $0x3C00;
	(pc) =	sbr.rel .LBB2_4-.Ltmp3, $4  }
0x56: {  	[sflag:s21] =	ssyncset.done $0x0  }
0x57: {  	[sflag:s21] =	ssyncadd.s32 $0xFFFFC400  }
0x58: {  	[bflag:$0x0] =	sbarrier.arrive $0xFFFF  }
0x59: {  	s31 =	simm.s32 $0x0  }
.LBB2_12:
0x5a: {  	s31 =	sadd.s32 $0x1, s31  }
0x5b: {  	p0 =	sne.s32 s31, $0x5  }
.Ltmp4:
0x5c: {  	_ = 	snop;
	(pc) =	sbr.rel @!p0 .LBB2_13-.Ltmp4, $1  }
0x5d: {  	_ =	sdelay $0x3  }
.LBB2_4:
0x5e: {  	s0 =	sshll.u32 s31, $0x4  }
0x5f: {  	s0 =	sadd.s32 s13, s0  }
0x60: {  	s3 =	sshll.u32 s0, $0x4  }
0x61: {  	s4 =	sadd.s32 s7, s3  }
0x62: {  	[tilespmem:s23], [sflag:$0x2] =	stream.linear.gather [hbm4b:s4+s30], $0x800, $0x38;
	[tilespmem:$0x1DB00] =	vst v63  }
0x63: {  	_ =	swait.ge [sflag:s21], $0x800  }
0x64: {  	[sflag:s21] =	ssyncset.done $0x0  }
.Ltmp5:
0x65: {  	s3 =	sadd.s32 s1, s3;
	[sflag:s21] =	ssyncadd.s32 $0xFFFFF800;
	(pc) =	sbr.rel .LBB2_5-.Ltmp5, $4  }
0x66: {  	[tilespmem:s24], [sflag:$0x2] =	stream.linear.gather [hbm4b:s3+s30], $0x800, $0x38;
	[tilespmem:$0x1DB00] =	vst v63  }
0x67: {  	_ =	swait.ge [sflag:s21], $0x800  }
0x68: {  	[sflag:s21] =	ssyncset.done $0x0  }
0x69: {  	s4 =	simm.s32 $0x0;
	[sflag:s21] =	ssyncadd.s32 $0xFFFFF800  }
.LBB2_10:
0x6a: {  	_ =	sdelay $0x2  }
0x6b: {  	v16 =	vld [tilespmem:s6+$0x1F0]  }
0x6c: {  	v18 =	vld.idx.msk [tilespmem:v4+s28+$0x0], $0xffff  }
0x6d: {  	v23 =	vld.idx.msk [tilespmem:v5+s28+$0x0], $0xffff  }
0x6e: {  	v10 =	vld.idx.msk [tilespmem:v10+s28+$0x0], $0xffff  }
0x6f: {  	v22 =	vbroadcast v2, $0x0;
	v2 =	vmov s15;
	v12 =	vld.idx.msk [tilespmem:v12+s28+$0x0], $0xffff  }
0x70: {  	s14 =	sadd.s32 $0x400, s6;
	v17 =	vand.u32 $0xFFFFFFFE, v2;
	v2 =	vld.idx.msk [tilespmem:v3+s28+$0x0], $0xffff  }
0x71: {  	v24 =	vld [tilespmem:s14+$0x170]  }
0x72: {  	v26 =	vld [tilespmem:s14+$0xFFFFFE00]  }
0x73: {  	v28 =	vld [tilespmem:s14+$0xFFFFFE10]  }
0x74: {  	[tilespmem:s6+$0x180] =	vst v15;
	v6 =	vmul.f32 v6, v1;
	v30 =	vld [tilespmem:s14+$0xFFFFFE20]  }
0x75: {  	[tilespmem:s6+$0x190] =	vst v13;
	v7 =	vmul.f32 v7, v1;
	v31 =	vld [tilespmem:s14+$0xFFFFFE30]  }
0x76: {  	v25 =	vmul.f32 v8, v1;
	v32 =	vld [tilespmem:s14+$0xFFFFFE40];
	[tilespmem:s6+$0x1A0] =	vst v6  }
0x77: {  	v27 =	vmul.f32 v9, v1;
	v33 =	vld [tilespmem:s14+$0xFFFFFE50];
	[tilespmem:s6+$0x1B0] =	vst v7  }
0x78: {  	v29 =	vmul.f32 v11, v1;
	v34 =	vld [tilespmem:s14+$0xFFFFFE60];
	[tilespmem:s6+$0x1C0] =	vst v25  }
0x79: {  	v35 =	vld [tilespmem:s14+$0xFFFFFE70];
	[tilespmem:s6+$0x1D0] =	vst v27;
	v1 =	vmul.f32 v16, v1  }
0x7a: {  	v36 =	vld [tilespmem:s14+$0xFFFFFE80];
	[tilespmem:s6+$0x1E0] =	vst v29;
	v9 =	vmul.f32 v28, v18  }
0x7b: {  	v37 =	vld [tilespmem:s14+$0xFFFFFE90];
	[tilespmem:s6+$0x1F0] =	vst v1;
	v1 =	vmul.f32 v26, v18  }
0x7c: {  	v39 =	vld [tilespmem:s14+$0xFFFFFEA0];
	v7 =	vmul.f32 v31, v18;
	[tilespmem:s14+$0xFFFFFE10] =	vst v9  }
0x7d: {  	v40 =	vld [tilespmem:s14+$0xFFFFFEB0];
	[tilespmem:s14+$0xFFFFFE00] =	vst v1;
	v1 =	vmul.f32 v30, v18  }
0x7e: {  	v42 =	vld [tilespmem:s14+$0xFFFFFEC0];
	v38 =	vmul.f32 v33, v18;
	[tilespmem:s14+$0xFFFFFE30] =	vst v7  }
0x7f: {  	v43 =	vld [tilespmem:s14+$0xFFFFFED0];
	[tilespmem:s14+$0xFFFFFE20] =	vst v1;
	v1 =	vmul.f32 v32, v18  }
0x80: {  	v44 =	vld [tilespmem:s14+$0xFFFFFEE0];
	v41 =	vmul.f32 v35, v18;
	[tilespmem:s14+$0xFFFFFE50] =	vst v38  }
0x81: {  	v45 =	vld [tilespmem:s14+$0xFFFFFEF0];
	[tilespmem:s14+$0xFFFFFE40] =	vst v1;
	v1 =	vmul.f32 v34, v18  }
0x82: {  	v47 =	vld [tilespmem:s14+$0xFFFFFF00];
	v6 =	vmul.f32 v37, v23;
	[tilespmem:s14+$0xFFFFFE70] =	vst v41  }
0x83: {  	v48 =	vld [tilespmem:s14+$0xFFFFFF10];
	[tilespmem:s14+$0xFFFFFE60] =	vst v1;
	v1 =	vmul.f32 v36, v23  }
0x84: {  	v50 =	vld [tilespmem:s14+$0xFFFFFF20];
	v46 =	vmul.f32 v40, v23;
	[tilespmem:s14+$0xFFFFFE90] =	vst v6  }
0x85: {  	v51 =	vld [tilespmem:s14+$0xFFFFFF30];
	[tilespmem:s14+$0xFFFFFE80] =	vst v1;
	v1 =	vmul.f32 v39, v23  }
0x86: {  	v53 =	vld [tilespmem:s14+$0xFFFFFF40];
	v49 =	vmul.f32 v43, v23;
	[tilespmem:s14+$0xFFFFFEB0] =	vst v46  }
0x87: {  	v54 =	vld [tilespmem:s14+$0xFFFFFF50];
	[tilespmem:s14+$0xFFFFFEA0] =	vst v1;
	v1 =	vmul.f32 v42, v23  }
0x88: {  	v56 =	vld [tilespmem:s14+$0xFFFFFF60];
	v52 =	vmul.f32 v45, v23;
	[tilespmem:s14+$0xFFFFFED0] =	vst v49  }
0x89: {  	v57 =	vld [tilespmem:s14+$0xFFFFFF70];
	[tilespmem:s14+$0xFFFFFEC0] =	vst v1;
	v1 =	vmul.f32 v44, v23  }
0x8a: {  	v14 =	vbroadcast v14, $0x0;
	v59 =	vld [tilespmem:s14+$0xFFFFFF80];
	v55 =	vmul.f32 v48, v10;
	[tilespmem:s14+$0xFFFFFEF0] =	vst v52  }
0x8b: {  	v60 =	vld [tilespmem:s14+$0xFFFFFF90];
	[tilespmem:s14+$0xFFFFFEE0] =	vst v1;
	v1 =	vmul.f32 v47, v10  }
0x8c: {  	v62 =	vld [tilespmem:s14+$0xFFFFFFA0];
	v58 =	vmul.f32 v51, v10;
	[tilespmem:s14+$0xFFFFFF10] =	vst v55  }
0x8d: {  	v63 =	vld [tilespmem:s14+$0xFFFFFFB0];
	v3 =	vbroadcast v17, $0x0;
	[tilespmem:s14+$0xFFFFFF00] =	vst v1;
	v1 =	vmul.f32 v50, v10  }
0x8e: {  	v15 =	vld [tilespmem:s14+$0xFFFFFFC0];
	v61 =	vmul.f32 v54, v10;
	[tilespmem:s14+$0xFFFFFF30] =	vst v58  }
0x8f: {  	v19 =	vld [tilespmem:s14+$0xFFFFFFF0];
	[tilespmem:s14+$0xFFFFFF20] =	vst v1;
	v1 =	vmul.f32 v53, v10  }
0x90: {  	v4 =	vld.idx.msk [tilespmem:v14+s28+$0x0], $0xffff;
	v14 =	vmul.f32 v57, v10;
	[tilespmem:s14+$0xFFFFFF50] =	vst v61  }
0x91: {  	v5 =	vld.idx.msk [tilespmem:v22+s28+$0x0], $0xffff;
	[tilespmem:s14+$0xFFFFFF40] =	vst v1;
	v1 =	vmul.f32 v56, v10  }
0x92: {  	v17 =	vmul.f32 v60, v12;
	v22 =	vld [tilespmem:s14+$0x10];
	[tilespmem:s14+$0xFFFFFF70] =	vst v14  }
0x93: {  	v3 =	vld.idx.msk [tilespmem:v3+s28+$0x0], $0xffff;
	[tilespmem:s14+$0xFFFFFF60] =	vst v1;
	v1 =	vmul.f32 v59, v12  }
0x94: {  	v20 =	vmul.f32 v63, v12;
	[tilespmem:s14+$0xFFFFFF90] =	vst v17;
	v18 =	vld [tilespmem:s14+$0xFFFFFFE0]  }
0x95: {  	v25 =	vld [tilespmem:s14+$0x30];
	[tilespmem:s14+$0xFFFFFF80] =	vst v1;
	v1 =	vmul.f32 v62, v12  }
0x96: {  	v21 =	vld [tilespmem:s14+$0x0];
	v26 =	vmul.f32 v19, v12;
	[tilespmem:s14+$0xFFFFFFB0] =	vst v20  }
0x97: {  	v28 =	vld [tilespmem:s14+$0x50];
	[tilespmem:s14+$0xFFFFFFA0] =	vst v1;
	v1 =	vmul.f32 v15, v12  }
0x98: {  	[tilespmem:s14+$0xFFFFFFF0] =	vst v26;
	v29 =	vmul.f32 v22, v5;
	v13 =	vmul.f32 v24, v3;
	v24 =	vld [tilespmem:s14+$0x20]  }
0x99: {  	v37 =	vld [tilespmem:s14+$0xB0];
	[tilespmem:s14+$0xFFFFFFC0] =	vst v1;
	v1 =	vmul.f32 v18, v12  }
0x9a: {  	v27 =	vld [tilespmem:s14+$0x40];
	v32 =	vmul.f32 v25, v5;
	[tilespmem:s14+$0x10] =	vst v29  }
0x9b: {  	[tilespmem:s14+$0xFFFFFFE0] =	vst v1;
	v1 =	vmul.f32 v21, v5  }
0x9c: {  	v30 =	vld [tilespmem:s14+$0x60];
	v35 =	vmul.f32 v28, v5;
	[tilespmem:s14+$0x30] =	vst v32  }
0x9d: {  	v45 =	vld [tilespmem:s14+$0x110];
	[tilespmem:s14+$0x0] =	vst v1;
	v1 =	vmul.f32 v24, v5  }
0x9e: {  	v33 =	vld [tilespmem:s14+$0x80];
	v43 =	vmul.f32 v37, v4;
	[tilespmem:s14+$0x50] =	vst v35  }
0x9f: {  	v48 =	vld [tilespmem:s14+$0x130];
	[tilespmem:s14+$0x20] =	vst v1;
	v1 =	vmul.f32 v27, v5  }
0xa0: {  	[tilespmem:s14+$0xB0] =	vst v43;
	v36 =	vld [tilespmem:s14+$0xA0]  }
0xa1: {  	v34 =	vld [tilespmem:s14+$0x90];
	[tilespmem:s14+$0x40] =	vst v1;
	v1 =	vmul.f32 v30, v5  }
0xa2: {  	v38 =	vld [tilespmem:s14+$0xC0];
	v51 =	vmul.f32 v45, v3;
	[tilespmem:s14+$0x170] =	vst v13  }
0xa3: {  	v16 =	vld [tilespmem:s14+$0xFFFFFFD0];
	[tilespmem:s14+$0x60] =	vst v1;
	v1 =	vmul.f32 v33, v4  }
0xa4: {  	v41 =	vld [tilespmem:s14+$0xE0];
	v54 =	vmul.f32 v48, v3;
	[tilespmem:s14+$0x110] =	vst v51  }
0xa5: {  	v39 =	vld [tilespmem:s14+$0xD0];
	[tilespmem:s14+$0x80] =	vst v1;
	v1 =	vmul.f32 v36, v4  }
0xa6: {  	[tilespmem:s14+$0x130] =	vst v54;
	v40 =	vmul.f32 v34, v4;
	v44 =	vld [tilespmem:s14+$0x100]  }
0xa7: {  	v50 =	vld [tilespmem:s14+$0x150];
	[tilespmem:s14+$0xA0] =	vst v1;
	v1 =	vmul.f32 v38, v4  }
0xa8: {  	[tilespmem:s14+$0x90] =	vst v40;
	v23 =	vmul.f32 v16, v12;
	v47 =	vld [tilespmem:s14+$0x120]  }
0xa9: {  	v53 =	vld [tilespmem:s14+$0x180];
	[tilespmem:s14+$0xC0] =	vst v1;
	v1 =	vmul.f32 v41, v4  }
0xaa: {  	v49 =	vld [tilespmem:s14+$0x140];
	v46 =	vmul.f32 v39, v4;
	[tilespmem:s14+$0xFFFFFFD0] =	vst v23  }
0xab: {  	v56 =	vld [tilespmem:s14+$0x1A0];
	[tilespmem:s14+$0xE0] =	vst v1;
	v1 =	vmul.f32 v44, v3  }
0xac: {  	v52 =	vld [tilespmem:s14+$0x160];
	[tilespmem:s14+$0xD0] =	vst v46;
	v57 =	vmul.f32 v50, v3  }
0xad: {  	v31 =	vld [tilespmem:s14+$0x70];
	[tilespmem:s14+$0x100] =	vst v1;
	v1 =	vmul.f32 v47, v3  }
0xae: {  	v55 =	vld [tilespmem:s14+$0x190];
	[tilespmem:s14+$0x150] =	vst v57;
	v59 =	vmul.f32 v53, v2  }
0xaf: {  	v42 =	vld [tilespmem:s14+$0xF0];
	[tilespmem:s14+$0x120] =	vst v1;
	v1 =	vmul.f32 v49, v3  }
0xb0: {  	v58 =	vld [tilespmem:s14+$0x1B0];
	[tilespmem:s14+$0x180] =	vst v59;
	v62 =	vmul.f32 v56, v2  }
0xb1: {  	[tilespmem:s14+$0x140] =	vst v1;
	v1 =	vmul.f32 v52, v3;
	v3 =	vld [tilespmem:s14+$0x1C0]  }
0xb2: {  	v60 =	vld [tilespmem:s14+$0x1D0];
	[tilespmem:s14+$0x1A0] =	vst v62;
	v5 =	vmul.f32 v31, v5  }
0xb3: {  	v61 =	vld [tilespmem:s14+$0x1E0];
	[tilespmem:s14+$0x160] =	vst v1;
	v1 =	vmul.f32 v55, v2  }
0xb4: {  	v63 =	vld [tilespmem:s14+$0x1F0];
	[tilespmem:s14+$0x70] =	vst v5;
	v4 =	vmul.f32 v42, v4  }
0xb5: {  	[tilespmem:s14+$0x190] =	vst v1;
	v1 =	vmul.f32 v58, v2  }
0xb6: {  	[tilespmem:s14+$0xF0] =	vst v4;
	v3 =	vmul.f32 v3, v2  }
0xb7: {  	[tilespmem:s14+$0x1B0] =	vst v1;
	v1 =	vmul.f32 v60, v2  }
0xb8: {  	[tilespmem:s14+$0x1C0] =	vst v3;
	v3 =	vmul.f32 v61, v2  }
0xb9: {  	[tilespmem:s14+$0x1D0] =	vst v1;
	v1 =	vmul.f32 v63, v2  }
0xba: {  	[tilespmem:s14+$0x1E0] =	vst v3  }
0xbb: {  	s3 =	sadd.s32 $0x19280, s3;
	[tilespmem:s14+$0x1F0] =	vst v1  }
0xbc: {  	[spmem:s2] =	stream.indirect.scatter.add.f32 [tilespmem:s22], [sflag:$0x2], $0x80, s3, s25, $0xb8;
	[tilespmem:$0x1DB00] =	vst v63  }
0xbd: {  	_ =	swait.ge [sflag:s21], $0x4000  }
0xbe: {  	[sflag:s21] =	ssyncset.done $0x0  }
0xbf: {  	[sflag:s21] =	ssyncadd.s32 $0xFFFFC000  }
.LBB2_11:
0xc0: {  	s4 =	sadd.s32 $0x1, s4  }
0xc1: {  	p0 =	sne.s32 s4, $0x10  }
.Ltmp6:
0xc2: {  	_ = 	snop;
	(pc) =	sbr.rel @!p0 .LBB2_12-.Ltmp6, $1  }
0xc3: {  	_ =	sdelay $0x3  }
.LBB2_5:
0xc4: {  	s3 =	sor.u32 s0, s4  }
0xc5: {  	p0 =	sgt.u32 s3, $0x9C3  }
.Ltmp7:
0xc6: {  	_ = 	snop;
	(pc) =	sbr.rel @p0 .LBB2_11-.Ltmp7, $1  }
0xc7: {  	_ =	sdelay $0x3  }
0xc8: {  	s3 =	sshll.u32 s4, $0x7  }
0xc9: {  	s6 =	sadd.s32 $0x18A80, s3  }
0xca: {  	[tilespmem:s22], [sflag:$0x1] =	stream.indirect.gather [hbm4b:s5+s25], $0x80, s6, s25, $0xb8;
	[tilespmem:$0x1DB00] =	vst v63  }
0xcb: {  	_ =	swait.ge [sflag:s26], $0x4000  }
0xcc: {  	s14 =	simm.s32 $0x0;
	[sflag:s26] =	ssyncset.done $0x0  }
0xcd: {  	p0 =	por $0x1, $0x1;
	s15 =	simm.s32 $0x0;
	[sflag:s26] =	ssyncadd.s32 $0xFFFFC000  }
.LBB2_7:
0xce: {  	s6 =	sor.u32 s3, s15  }
0xcf: {  	v1 =	vld [tilespmem:s6+$0x18A80]  }
0xd0: {  	v2 =	vld [tilespmem:s6+$0x19280];
	_ =	sdelay $0x4  }
0xd1: {  	v1 =	vshll.u32 v1, $0x1;
	v2 =	vshll.u32 v2, $0x1  }
0xd2: {  	v2 =	vor.u32 $0x1, v2;
	_ =	sdelay $0x3  }
0xd3: {  	v1 =	vld.idx.msk [tilespmem:v1+s20+$0x0], $0xffff  }
0xd4: {  	s16 =	sor.u32 $0x10, s6;
	v2 =	vld.idx.msk [tilespmem:v2+s20+$0x0], $0xffff  }
0xd5: {  	v3 =	vld [tilespmem:s16+$0x18A80]  }
0xd6: {  	v4 =	vld [tilespmem:s16+$0x19280];
	_ =	sdelay $0x2  }
0xd7: {  	v1 =	vadd.f32 v2, v1;
	_ =	sdelay $0x1  }
0xd8: {  	v3 =	vshll.u32 v3, $0x1;
	v4 =	vshll.u32 v4, $0x1;
	v2 =	vand.u32 $0x7FFFFFFF, v1  }
0xd9: {  	v4 =	vor.u32 $0x1, v4;
	v2 =	vmul.f32 $-2.000000000e+00, v2;
	_ =	sdelay $0x1  }
0xda: {  	v2 =	vmul.f32 $1.442695020e+00, v2;
	_ =	sdelay $0x1  }
0xdb: {  	(erf) = vpow2.f32 v2;
	v2 =	vld.idx.msk [tilespmem:v3+s20+$0x0], $0xffff  }
0xdc: {  	s17 =	sor.u32 $0x20, s6;
	v3 =	vld.idx.msk [tilespmem:v4+s20+$0x0], $0xffff  }
0xdd: {  	v5 =	vld [tilespmem:s17+$0x19280];
	_ =	sdelay $0x1  }
0xde: {  	v48 =	vld [tilespmem:s17+$0x18A80];
	_ =	sdelay $0x1  }
0xdf: {  	v2 =	vadd.f32 v3, v2  }
0xe0: {  	v5 =	vshll.u32 v5, $0x1  }
0xe1: {  	v5 =	vor.u32 $0x1, v5;
	v3 =	vand.u32 $0x7FFFFFFF, v2  }
0xe2: {  	v4 =	vshll.u32 v48, $0x1;
	v3 =	vmul.f32 $-2.000000000e+00, v3;
	v6 =	vpop (erf)  }
0xe3: {  	v7 =	vadd.f32 $1.000000000e+00, v6  }
0xe4: {  	v3 =	vmul.f32 $1.442695020e+00, v3  }
0xe5: {  	(erf) = vrcp.f32 v7  }
0xe6: {  	v49 =	vld.idx.msk [tilespmem:v5+s20+$0x0], $0xffff;
	(erf) = vpow2.f32 v3  }
0xe7: {  	s6 =	sor.u32 $0x30, s6;
	v3 =	vld.idx.msk [tilespmem:v4+s20+$0x0], $0xffff  }
0xe8: {  	v50 =	vld [tilespmem:s6+$0x18A80]  }
0xe9: {  	v51 =	vld [tilespmem:s6+$0x19280];
	_ =	sdelay $0x2  }
0xea: {  	v3 =	vadd.f32 v49, v3;
	_ =	sdelay $0x1  }
0xeb: {  	v5 =	vshll.u32 v50, $0x1;
	v7 =	vshll.u32 v51, $0x1;
	v8 =	vand.u32 $0x7FFFFFFF, v3;
	v52 =	vpop (erf)  }
0xec: {  	v7 =	vor.u32 $0x1, v7;
	v8 =	vmul.f32 $-2.000000000e+00, v8;
	v9 =	vpop (erf)  }
0xed: {  	v10 =	vadd.f32 $1.000000000e+00, v9  }
0xee: {  	v8 =	vmul.f32 $1.442695020e+00, v8  }
0xef: {  	(erf) = vrcp.f32 v10  }
0xf0: {  	v5 =	vld.idx.msk [tilespmem:v5+s20+$0x0], $0xffff;
	(erf) = vpow2.f32 v8  }
0xf1: {  	v7 =	vld.idx.msk [tilespmem:v7+s20+$0x0], $0xffff;
	_ =	sdelay $0x4  }
0xf2: {  	v5 =	vadd.f32 v7, v5;
	_ =	sdelay $0x1  }
0xf3: {  	v54 =	vand.u32 $0x7FFFFFFF, v5;
	v53 =	vpop (erf)  }
0xf4: {  	v8 =	vmul.f32 $-2.000000000e+00, v54;
	v55 =	vpop (erf)  }
0xf5: {  	v11 =	vadd.f32 $1.000000000e+00, v55  }
0xf6: {  	v8 =	vmul.f32 $1.442695020e+00, v8  }
0xf7: {  	(erf) = vrcp.f32 v11  }
0xf8: {  	(erf) = vpow2.f32 v8;
	_ =	sdelay $0x7  }
0xf9: {  	v56 =	vpop (erf)  }
0xfa: {  	v57 =	vpop (erf)  }
0xfb: {  	v12 =	vadd.f32 $1.000000000e+00, v57;
	_ =	sdelay $0x1  }
0xfc: {  	(erf) = vrcp.f32 v12;
	_ =	sdelay $0x4  }
0xfd: {  	v6 =	vsub.f32 $1.000000000e+00, v6  }
0xfe: {  	v9 =	vsub.f32 $1.000000000e+00, v9  }
0xff: {  	v4 =	vmul.f32 v52, v6;
	v58 =	vsub.f32 $1.000000000e+00, v55  }
0x100: {  	v7 =	vmul.f32 v53, v9;
	v59 =	vsub.f32 $1.000000000e+00, v57  }
0x101: {  	v60 =	vsub.f32 $0.0e+00, v4;
	v6 =	vmul.f32 v56, v58;
	v61 =	vpop (erf)  }
0x102: {  	p1 =	por p0, p0;
	vm0 =	vlt.f32 v1, $0.0e+00;
	v62 =	vsub.f32 $0.0e+00, v7;
	v1 =	vmul.f32 v61, v59  }
.Ltmp8:
0x103: {  	vm13 =	vlt.f32 v2, $0.0e+00;
	v4 =	vsel vm0, v60, v4;
	v2 =	vsub.f32 $0.0e+00, v6;
	(pc) =	sbr.rel @p1 .LBB2_7-.Ltmp8, $4  }
0x104: {  	vm14 =	vlt.f32 v3, $0.0e+00;
	[tilespmem:s15+$0x19A80] =	vst v4;
	v63 =	vsel vm13, v62, v7;
	v3 =	vsub.f32 $0.0e+00, v1  }
0x105: {  	vm15 =	vlt.f32 v5, $0.0e+00;
	[tilespmem:s15+$0x19A90] =	vst v63;
	v2 =	vsel vm14, v2, v6  }
0x106: {  	[tilespmem:s15+$0x19AA0] =	vst v2;
	v1 =	vsel vm15, v3, v1  }
0x107: {  	p0 =	por $0x0, $0x0;
	s6 =	simm.s32 $0x19D00;
	[tilespmem:s15+$0x19AB0] =	vst v1;
	s15 =	simm.s32 $0x40  }
0x108: {  	v1 =	vmov s14  }
0x109: {  	v4 =	vld [tilespmem:s6+$0x170];
	v1 =	vand.u32 $0xFFFFFFF8, v1  }
0x10a: {  	s15 =	simm.s32 $0x6;
	v5 =	vld [tilespmem:s6+$0xFFFFFE00];
	v1 =	vbroadcast v1, $0x0  }
0x10b: {  	s16 =	simm.s32 $0x1;
	v6 =	vld [tilespmem:s6+$0xFFFFFE10];
	v2 =	vmov s15  }
0x10c: {  	v7 =	vld [tilespmem:s6+$0xFFFFFE20];
	v3 =	vmov s16;
	v2 =	vand.u32 $0xFFFFFFFE, v2  }
0x10d: {  	v8 =	vld [tilespmem:s6+$0xFFFFFE30];
	v3 =	vand.u32 $0xFFFFFFF9, v3;
	v2 =	vbroadcast v2, $0x0  }
0x10e: {  	v9 =	vld [tilespmem:s6+$0xFFFFFE40];
	v3 =	vbroadcast v3, $0x0  }
0x10f: {  	v10 =	vld [tilespmem:s6+$0xFFFFFE50]  }
0x110: {  	v1 =	vld.idx.msk [tilespmem:v1+s28+$0x0], $0xffff  }
0x111: {  	v11 =	vld [tilespmem:s6+$0xFFFFFE60]  }
0x112: {  	v13 =	vld [tilespmem:s6+$0xFFFFFE80]  }
0x113: {  	v2 =	vld.idx.msk [tilespmem:v2+s28+$0x0], $0xffff  }
0x114: {  	v3 =	vld.idx.msk [tilespmem:v3+s28+$0x0], $0xffff  }
0x115: {  	v12 =	vld [tilespmem:s6+$0xFFFFFE70];
	v5 =	vmul.f32 v5, v1  }
0x116: {  	v14 =	vld [tilespmem:s6+$0xFFFFFE90];
	v6 =	vmul.f32 v6, v1  }
0x117: {  	v15 =	vld [tilespmem:s6+$0xFFFFFEA0];
	v8 =	vmul.f32 v8, v1;
	[tilespmem:s6+$0xFFFFFE00] =	vst v5  }
0x118: {  	s17 =	simm.s32 $0x2;
	v16 =	vld [tilespmem:s6+$0xFFFFFEB0];
	v9 =	vmul.f32 v9, v1;
	[tilespmem:s6+$0xFFFFFE10] =	vst v6  }
0x119: {  	v4 =	vmul.f32 v4, v2;
	v5 =	vmov s17;
	v6 =	vmul.f32 v13, v3;
	v13 =	vld [tilespmem:s6+$0xFFFFFED0];
	[tilespmem:s6+$0xFFFFFE30] =	vst v8  }
0x11a: {  	v8 =	vmul.f32 v10, v1;
	v10 =	vld [tilespmem:s6+$0xFFFFFEF0];
	[tilespmem:s6+$0xFFFFFE40] =	vst v9;
	v5 =	vand.u32 $0xFFFFFFFA, v5  }
0x11b: {  	v9 =	vmul.f32 v11, v1;
	v11 =	vld [tilespmem:s6+$0xFFFFFF00];
	[tilespmem:s6+$0x170] =	vst v4;
	v5 =	vbroadcast v5, $0x0  }
0x11c: {  	v4 =	vmul.f32 v7, v1;
	v7 =	vld [tilespmem:s6+$0xFFFFFEC0];
	[tilespmem:s6+$0xFFFFFE80] =	vst v6  }
0x11d: {  	v1 =	vmul.f32 v12, v1;
	v12 =	vld [tilespmem:s6+$0xFFFFFF20];
	[tilespmem:s6+$0xFFFFFE50] =	vst v8  }
0x11e: {  	s15 =	simm.s32 $0x3;
	v8 =	vld [tilespmem:s6+$0xFFFFFF10];
	[tilespmem:s6+$0xFFFFFE60] =	vst v9  }
0x11f: {  	v6 =	vmov s15;
	v9 =	vmul.f32 v14, v3;
	[tilespmem:s6+$0xFFFFFE20] =	vst v4;
	v4 =	vld [tilespmem:s6+$0xFFFFFEE0]  }
0x120: {  	v14 =	vld [tilespmem:s6+$0xFFFFFF30];
	v6 =	vand.u32 $0xFFFFFFFB, v6;
	[tilespmem:s6+$0xFFFFFE70] =	vst v1;
	v1 =	vmul.f32 v15, v3  }
0x121: {  	v6 =	vbroadcast v6, $0x0;
	[tilespmem:s6+$0xFFFFFE90] =	vst v9;
	v9 =	vmul.f32 v16, v3;
	v5 =	vld.idx.msk [tilespmem:v5+s28+$0x0], $0xffff  }
0x122: {  	v15 =	vld [tilespmem:s6+$0xFFFFFF40];
	[tilespmem:s6+$0xFFFFFEA0] =	vst v1;
	v13 =	vmul.f32 v13, v3  }
0x123: {  	v7 =	vmul.f32 v7, v3;
	[tilespmem:s6+$0xFFFFFEB0] =	vst v9;
	v9 =	vld [tilespmem:s6+$0xFFFFFF60]  }
0x124: {  	[tilespmem:s6+$0xFFFFFED0] =	vst v13;
	v13 =	vld [tilespmem:s6+$0xFFFFFFB0];
	v4 =	vmul.f32 v4, v3  }
0x125: {  	[tilespmem:s6+$0xFFFFFEC0] =	vst v7;
	v7 =	vld [tilespmem:s6+$0xFFFFFF70];
	v3 =	vmul.f32 v10, v3  }
0x126: {  	v10 =	vld [tilespmem:s6+$0xFFFFFF80];
	[tilespmem:s6+$0xFFFFFEE0] =	vst v4;
	v1 =	vmul.f32 v11, v5  }
0x127: {  	v6 =	vld.idx.msk [tilespmem:v6+s28+$0x0], $0xffff;
	[tilespmem:s6+$0xFFFFFEF0] =	vst v3;
	v4 =	vmul.f32 v8, v5  }
0x128: {  	s16 =	simm.s32 $0x4;
	v11 =	vld [tilespmem:s6+$0xFFFFFF50];
	v3 =	vmul.f32 v12, v5;
	[tilespmem:s6+$0xFFFFFF00] =	vst v1  }
0x129: {  	v8 =	vld [tilespmem:s6+$0xFFFFFF90];
	v9 =	vmul.f32 v9, v5;
	v1 =	vmov s16;
	[tilespmem:s6+$0xFFFFFF10] =	vst v4  }
0x12a: {  	v12 =	vld [tilespmem:s6+$0xFFFFFFA0];
	v4 =	vmul.f32 v14, v5;
	[tilespmem:s6+$0xFFFFFF20] =	vst v3;
	v1 =	vand.u32 $0xFFFFFFFC, v1  }
0x12b: {  	v3 =	vmul.f32 v15, v5;
	v14 =	vld [tilespmem:s6+$0xFFFFFFC0];
	[tilespmem:s6+$0xFFFFFF60] =	vst v9;
	v1 =	vbroadcast v1, $0x0  }
0x12c: {  	v9 =	vld [tilespmem:s6+$0x0];
	[tilespmem:s6+$0xFFFFFF30] =	vst v4;
	v4 =	vmul.f32 v10, v6  }
0x12d: {  	s17 =	simm.s32 $0x5;
	v10 =	vld [tilespmem:s6+$0xFFFFFFD0];
	[tilespmem:s6+$0xFFFFFF40] =	vst v3;
	v11 =	vmul.f32 v11, v5  }
0x12e: {  	v3 =	vld [tilespmem:s6+$0xFFFFFFE0];
	v5 =	vmul.f32 v7, v5;
	[tilespmem:s6+$0xFFFFFF80] =	vst v4;
	v4 =	vmov s17  }
0x12f: {  	v7 =	vld [tilespmem:s6+$0xFFFFFFF0];
	v8 =	vmul.f32 v8, v6;
	[tilespmem:s6+$0xFFFFFF50] =	vst v11;
	v4 =	vand.u32 $0xFFFFFFFD, v4  }
0x130: {  	[tilespmem:s6+$0xFFFFFF70] =	vst v5;
	v5 =	vmul.f32 v12, v6;
	v11 =	vld [tilespmem:s6+$0x10];
	v4 =	vbroadcast v4, $0x0  }
0x131: {  	[tilespmem:s6+$0xFFFFFF90] =	vst v8;
	v8 =	vmul.f32 v13, v6;
	v1 =	vld.idx.msk [tilespmem:v1+s28+$0x0], $0xffff  }
0x132: {  	v12 =	vld [tilespmem:s6+$0x20];
	[tilespmem:s6+$0xFFFFFFA0] =	vst v5;
	v5 =	vmul.f32 v14, v6  }
0x133: {  	v13 =	vld [tilespmem:s6+$0x30];
	[tilespmem:s6+$0xFFFFFFB0] =	vst v8;
	v8 =	vmul.f32 v10, v6  }
0x134: {  	v10 =	vld [tilespmem:s6+$0x40];
	v3 =	vmul.f32 v3, v6;
	[tilespmem:s6+$0xFFFFFFC0] =	vst v5  }
0x135: {  	v6 =	vmul.f32 v7, v6;
	[tilespmem:s6+$0xFFFFFFD0] =	vst v8;
	v8 =	vld [tilespmem:s6+$0x60]  }
0x136: {  	[tilespmem:s6+$0xFFFFFFE0] =	vst v3;
	v4 =	vld.idx.msk [tilespmem:v4+s28+$0x0], $0xffff;
	v5 =	vmul.f32 v9, v1  }
0x137: {  	[tilespmem:s6+$0xFFFFFFF0] =	vst v6;
	v9 =	vld [tilespmem:s6+$0x50];
	v6 =	vmul.f32 v12, v1  }
0x138: {  	v3 =	vmul.f32 v11, v1;
	v11 =	vld [tilespmem:s6+$0x90];
	[tilespmem:s6+$0x0] =	vst v5  }
0x139: {  	v7 =	vld [tilespmem:s6+$0x80];
	[tilespmem:s6+$0x20] =	vst v6;
	v6 =	vmul.f32 v10, v1  }
0x13a: {  	v5 =	vld [tilespmem:s6+$0x70];
	[tilespmem:s6+$0x10] =	vst v3;
	v3 =	vmul.f32 v13, v1  }
0x13b: {  	v10 =	vld [tilespmem:s6+$0xA0];
	[tilespmem:s6+$0x40] =	vst v6;
	v6 =	vmul.f32 v8, v1  }
0x13c: {  	[tilespmem:s6+$0x30] =	vst v3;
	v8 =	vld [tilespmem:s6+$0xC0];
	v3 =	vmul.f32 v9, v1  }
0x13d: {  	v9 =	vld [tilespmem:s6+$0xB0];
	v11 =	vmul.f32 v11, v4;
	[tilespmem:s6+$0x60] =	vst v6  }
0x13e: {  	s15 =	simm.s32 $0x7;
	v6 =	vld [tilespmem:s6+$0xE0];
	[tilespmem:s6+$0x50] =	vst v3;
	v3 =	vmul.f32 v7, v4  }
0x13f: {  	v12 =	vmov s15;
	v7 =	vld [tilespmem:s6+$0xD0];
	v5 =	vmul.f32 v5, v1;
	[tilespmem:s6+$0x90] =	vst v11  }
0x140: {  	v11 =	vld [tilespmem:s6+$0x150];
	[tilespmem:s6+$0x80] =	vst v3  }
0x141: {  	[tilespmem:s6+$0x70] =	vst v5;
	v3 =	vmul.f32 v10, v4;
	v5 =	vld [tilespmem:s6+$0xF0]  }
0x142: {  	v10 =	vld [tilespmem:s6+$0x100];
	v9 =	vmul.f32 v9, v4  }
0x143: {  	[tilespmem:s6+$0xA0] =	vst v3;
	v3 =	vmul.f32 v8, v4;
	v8 =	vld [tilespmem:s6+$0x110]  }
0x144: {  	v1 =	vld.idx.msk [tilespmem:v12+s28+$0x0], $0xffff;
	[tilespmem:s6+$0xB0] =	vst v9;
	v7 =	vmul.f32 v7, v4  }
0x145: {  	v9 =	vld [tilespmem:s6+$0x120];
	v11 =	vmul.f32 v11, v2;
	[tilespmem:s6+$0xC0] =	vst v3  }
0x146: {  	s15 =	simm.s32 $0x9;
	v3 =	vmul.f32 v6, v4;
	v6 =	vld [tilespmem:s6+$0x130];
	[tilespmem:s6+$0xD0] =	vst v7;
	v4 =	vmul.f32 v5, v4  }
0x147: {  	s16 =	simm.s32 $0x8;
	v12 =	vmov s15;
	v5 =	vld [tilespmem:s6+$0x140];
	[tilespmem:s6+$0x150] =	vst v11  }
0x148: {  	s17 =	simm.s32 $0xF;
	v7 =	vmov s16;
	v10 =	vmul.f32 v10, v2;
	s16 =	simm.s32 $0xA;
	[tilespmem:s6+$0xF0] =	vst v4;
	v4 =	vmul.f32 v8, v2;
	v8 =	vld [tilespmem:s6+$0x160]  }
0x149: {  	v14 =	vld [tilespmem:s6+$0x180];
	s15 =	simm.s32 $0xB;
	[tilespmem:s6+$0xE0] =	vst v3;
	v7 =	vand.u32 $0xFFFFFFF8, v7;
	v3 =	vmov s17;
	v13 =	vmov s16;
	s16 =	simm.s32 $0xC  }
0x14a: {  	v17 =	vld [tilespmem:s6+$0x190];
	s17 =	simm.s32 $0xD;
	[tilespmem:s6+$0x100] =	vst v10;
	v10 =	vmov s15;
	v15 =	vmov s16;
	v9 =	vmul.f32 v9, v2  }
0x14b: {  	v18 =	vmov s17;
	[tilespmem:s6+$0x110] =	vst v4;
	v16 =	vmul.f32 v6, v2;
	v4 =	vbroadcast v7, $0x0;
	v6 =	vld [tilespmem:s6+$0x1A0]  }
0x14c: {  	v7 =	vld [tilespmem:s6+$0x1B0];
	[tilespmem:s6+$0x120] =	vst v9;
	v9 =	vmul.f32 v5, v2;
	v5 =	vand.u32 $0xFFFFFFF9, v12;
	v12 =	vand.u32 $0xFFFFFFFA, v13  }
0x14d: {  	v13 =	vand.u32 $0xFFFFFFFB, v10;
	[tilespmem:s6+$0x130] =	vst v16;
	v5 =	vbroadcast v5, $0x0;
	v16 =	vmul.f32 v8, v2;
	v8 =	vld [tilespmem:s6+$0x1C0]  }
0x14e: {  	v10 =	vbroadcast v12, $0x0;
	[tilespmem:s6+$0x140] =	vst v9;
	v2 =	vand.u32 $0xFFFFFFFC, v15;
	v15 =	vmul.f32 v14, v1;
	v9 =	vld [tilespmem:s6+$0x1D0]  }
0x14f: {  	s14 =	simm.s32 $0x10;
	v11 =	vld [tilespmem:s6+$0x1E0];
	s15 =	simm.s32 $0xE;
	v12 =	vbroadcast v13, $0x0;
	v13 =	vmul.f32 v17, v1;
	v14 =	vand.u32 $0xFFFFFFFD, v18;
	[tilespmem:s6+$0x160] =	vst v16  }
.LBB2_9:
0x150: {  	p0 =	slt.u32 s14, $0x78;
	v2 =	vbroadcast v2, $0x0;
	v16 =	vmov s15;
	[tilespmem:s6+$0x180] =	vst v15;
	v6 =	vmul.f32 v6, v1;
	v15 =	vld [tilespmem:s6+$0x1F0]  }
0x151: {  	v14 =	vbroadcast v14, $0x0;
	v16 =	vand.u32 $0xFFFFFFFE, v16;
	v17 =	vld.idx.msk [tilespmem:v3+s28+$0x0], $0xffff;
	[tilespmem:s6+$0x190] =	vst v13;
	v3 =	vmul.f32 v7, v1  }
0x152: {  	v7 =	vld.idx.msk [tilespmem:v4+s28+$0x0], $0xffff;
	v13 =	vbroadcast v16, $0x0;
	[tilespmem:s6+$0x1A0] =	vst v6;
	v4 =	vmul.f32 v8, v1  }
0x153: {  	v6 =	vld.idx.msk [tilespmem:v5+s28+$0x0], $0xffff;
	[tilespmem:s6+$0x1B0] =	vst v3;
	v3 =	vmul.f32 v9, v1  }
0x154: {  	v9 =	vmul.f32 v11, v1;
	v8 =	vld.idx.msk [tilespmem:v10+s28+$0x0], $0xffff;
	[tilespmem:s6+$0x1C0] =	vst v4  }
0x155: {  	v5 =	vld.idx.msk [tilespmem:v12+s28+$0x0], $0xffff;
	[tilespmem:s6+$0x1D0] =	vst v3;
	v10 =	vmul.f32 v15, v1  }
0x156: {  	v4 =	vld.idx.msk [tilespmem:v2+s28+$0x0], $0xffff;
	[tilespmem:s6+$0x1E0] =	vst v9  }
0x157: {  	v1 =	vmov v17;
	v3 =	vld.idx.msk [tilespmem:v14+s28+$0x0], $0xffff;
	[tilespmem:s6+$0x1F0] =	vst v10  }
0x158: {  	s6 =	sadd.s32 $0x400, s6;
	v2 =	vld.idx.msk [tilespmem:v13+s28+$0x0], $0xffff  }
0x159: {  	v9 =	vld [tilespmem:s6+$0x170]  }
0x15a: {  	v10 =	vld [tilespmem:s6+$0xFFFFFE00]  }
0x15b: {  	v11 =	vld [tilespmem:s6+$0xFFFFFE10]  }
0x15c: {  	v12 =	vld [tilespmem:s6+$0xFFFFFE20]  }
0x15d: {  	v13 =	vld [tilespmem:s6+$0xFFFFFE30]  }
0x15e: {  	v14 =	vld [tilespmem:s6+$0xFFFFFE40];
	v9 =	vmul.f32 v9, v2  }
0x15f: {  	v10 =	vmul.f32 v10, v7;
	v15 =	vld [tilespmem:s6+$0xFFFFFE50]  }
0x160: {  	v11 =	vmul.f32 v11, v7;
	v16 =	vld [tilespmem:s6+$0xFFFFFE60];
	[tilespmem:s6+$0x170] =	vst v9  }
0x161: {  	[tilespmem:s6+$0xFFFFFE00] =	vst v10;
	v9 =	vmul.f32 v12, v7;
	v10 =	vld [tilespmem:s6+$0xFFFFFE70]  }
0x162: {  	[tilespmem:s6+$0xFFFFFE10] =	vst v11;
	v11 =	vmul.f32 v13, v7;
	v12 =	vld [tilespmem:s6+$0xFFFFFE80]  }
0x163: {  	[tilespmem:s6+$0xFFFFFE20] =	vst v9;
	v9 =	vmul.f32 v14, v7;
	v13 =	vld [tilespmem:s6+$0xFFFFFE90]  }
0x164: {  	[tilespmem:s6+$0xFFFFFE30] =	vst v11;
	v11 =	vmul.f32 v15, v7;
	v14 =	vld [tilespmem:s6+$0xFFFFFEA0]  }
0x165: {  	[tilespmem:s6+$0xFFFFFE40] =	vst v9;
	v9 =	vmul.f32 v16, v7;
	v15 =	vld [tilespmem:s6+$0xFFFFFEB0]  }
0x166: {  	[tilespmem:s6+$0xFFFFFE50] =	vst v11;
	v7 =	vmul.f32 v10, v7;
	v10 =	vld [tilespmem:s6+$0xFFFFFEC0]  }
0x167: {  	[tilespmem:s6+$0xFFFFFE60] =	vst v9;
	v9 =	vmul.f32 v12, v6;
	v11 =	vld [tilespmem:s6+$0xFFFFFED0]  }
0x168: {  	[tilespmem:s6+$0xFFFFFE70] =	vst v7;
	v7 =	vmul.f32 v13, v6;
	v12 =	vld [tilespmem:s6+$0xFFFFFEE0]  }
0x169: {  	[tilespmem:s6+$0xFFFFFE80] =	vst v9;
	v9 =	vmul.f32 v14, v6;
	v13 =	vld [tilespmem:s6+$0xFFFFFEF0]  }
0x16a: {  	[tilespmem:s6+$0xFFFFFE90] =	vst v7;
	v7 =	vmul.f32 v15, v6;
	v14 =	vld [tilespmem:s6+$0xFFFFFF00]  }
0x16b: {  	[tilespmem:s6+$0xFFFFFEA0] =	vst v9;
	v9 =	vmul.f32 v10, v6;
	v10 =	vld [tilespmem:s6+$0xFFFFFF10]  }
0x16c: {  	[tilespmem:s6+$0xFFFFFEB0] =	vst v7;
	v7 =	vmul.f32 v11, v6;
	v11 =	vld [tilespmem:s6+$0xFFFFFF20]  }
0x16d: {  	[tilespmem:s6+$0xFFFFFEC0] =	vst v9;
	v9 =	vmul.f32 v12, v6;
	v12 =	vld [tilespmem:s6+$0xFFFFFF30]  }
0x16e: {  	[tilespmem:s6+$0xFFFFFED0] =	vst v7;
	v6 =	vmul.f32 v13, v6;
	v7 =	vld [tilespmem:s6+$0xFFFFFF40]  }
0x16f: {  	[tilespmem:s6+$0xFFFFFEE0] =	vst v9;
	v9 =	vmul.f32 v14, v8;
	v13 =	vld [tilespmem:s6+$0xFFFFFF50]  }
0x170: {  	[tilespmem:s6+$0xFFFFFEF0] =	vst v6;
	v6 =	vmul.f32 v10, v8;
	v10 =	vld [tilespmem:s6+$0xFFFFFF60]  }
0x171: {  	[tilespmem:s6+$0xFFFFFF00] =	vst v9;
	v9 =	vmul.f32 v11, v8;
	v11 =	vld [tilespmem:s6+$0xFFFFFF70]  }
0x172: {  	[tilespmem:s6+$0xFFFFFF10] =	vst v6;
	v6 =	vmul.f32 v12, v8;
	v12 =	vld [tilespmem:s6+$0xFFFFFF80]  }
0x173: {  	[tilespmem:s6+$0xFFFFFF20] =	vst v9;
	v7 =	vmul.f32 v7, v8;
	v9 =	vld [tilespmem:s6+$0xFFFFFF90]  }
0x174: {  	[tilespmem:s6+$0xFFFFFF30] =	vst v6;
	v6 =	vmul.f32 v13, v8;
	v13 =	vld [tilespmem:s6+$0xFFFFFFA0]  }
0x175: {  	[tilespmem:s6+$0xFFFFFF40] =	vst v7;
	v7 =	vmul.f32 v10, v8;
	v10 =	vld [tilespmem:s6+$0xFFFFFFB0]  }
0x176: {  	[tilespmem:s6+$0xFFFFFF50] =	vst v6;
	v6 =	vmul.f32 v11, v8;
	v8 =	vld [tilespmem:s6+$0xFFFFFFC0]  }
0x177: {  	[tilespmem:s6+$0xFFFFFF60] =	vst v7;
	v7 =	vmul.f32 v12, v5;
	v11 =	vld [tilespmem:s6+$0xFFFFFFD0]  }
0x178: {  	[tilespmem:s6+$0xFFFFFF70] =	vst v6;
	v6 =	vmul.f32 v9, v5;
	v9 =	vld [tilespmem:s6+$0xFFFFFFE0]  }
0x179: {  	[tilespmem:s6+$0xFFFFFF80] =	vst v7;
	v7 =	vmul.f32 v13, v5;
	v12 =	vld [tilespmem:s6+$0xFFFFFFF0]  }
0x17a: {  	[tilespmem:s6+$0xFFFFFF90] =	vst v6;
	v6 =	vmul.f32 v10, v5;
	v10 =	vld [tilespmem:s6+$0x0]  }
0x17b: {  	[tilespmem:s6+$0xFFFFFFA0] =	vst v7;
	v7 =	vmul.f32 v8, v5;
	v8 =	vld [tilespmem:s6+$0x10]  }
0x17c: {  	[tilespmem:s6+$0xFFFFFFB0] =	vst v6;
	v6 =	vmul.f32 v11, v5;
	v11 =	vld [tilespmem:s6+$0x20]  }
0x17d: {  	[tilespmem:s6+$0xFFFFFFC0] =	vst v7;
	v7 =	vmul.f32 v9, v5;
	v9 =	vld [tilespmem:s6+$0x30]  }
0x17e: {  	[tilespmem:s6+$0xFFFFFFD0] =	vst v6;
	v5 =	vmul.f32 v12, v5;
	v6 =	vld [tilespmem:s6+$0x40]  }
0x17f: {  	[tilespmem:s6+$0xFFFFFFE0] =	vst v7;
	v7 =	vmul.f32 v10, v4;
	v10 =	vld [tilespmem:s6+$0x50]  }
0x180: {  	[tilespmem:s6+$0xFFFFFFF0] =	vst v5;
	v5 =	vmul.f32 v8, v4;
	v8 =	vld [tilespmem:s6+$0x60]  }
0x181: {  	[tilespmem:s6+$0x0] =	vst v7;
	v7 =	vmul.f32 v11, v4;
	v11 =	vld [tilespmem:s6+$0x70]  }
0x182: {  	[tilespmem:s6+$0x10] =	vst v5;
	v5 =	vmul.f32 v9, v4;
	v9 =	vld [tilespmem:s6+$0x80]  }
0x183: {  	[tilespmem:s6+$0x20] =	vst v7;
	v6 =	vmul.f32 v6, v4;
	v7 =	vld [tilespmem:s6+$0x90]  }
0x184: {  	[tilespmem:s6+$0x30] =	vst v5;
	v5 =	vmul.f32 v10, v4;
	v10 =	vld [tilespmem:s6+$0xA0]  }
0x185: {  	[tilespmem:s6+$0x40] =	vst v6;
	v6 =	vmul.f32 v8, v4;
	v8 =	vld [tilespmem:s6+$0xB0]  }
0x186: {  	[tilespmem:s6+$0x50] =	vst v5;
	v4 =	vmul.f32 v11, v4;
	v5 =	vld [tilespmem:s6+$0xC0]  }
0x187: {  	[tilespmem:s6+$0x60] =	vst v6;
	v6 =	vmul.f32 v9, v3;
	v9 =	vld [tilespmem:s6+$0xD0]  }
0x188: {  	[tilespmem:s6+$0x70] =	vst v4;
	v4 =	vmul.f32 v7, v3;
	v7 =	vld [tilespmem:s6+$0xE0]  }
0x189: {  	[tilespmem:s6+$0x80] =	vst v6;
	v6 =	vmul.f32 v10, v3;
	v10 =	vld [tilespmem:s6+$0xF0]  }
0x18a: {  	[tilespmem:s6+$0x90] =	vst v4;
	v4 =	vmul.f32 v8, v3;
	v8 =	vld [tilespmem:s6+$0x100]  }
0x18b: {  	[tilespmem:s6+$0xA0] =	vst v6;
	v5 =	vmul.f32 v5, v3;
	v6 =	vld [tilespmem:s6+$0x110]  }
0x18c: {  	[tilespmem:s6+$0xB0] =	vst v4;
	v4 =	vmul.f32 v9, v3;
	v9 =	vld [tilespmem:s6+$0x120]  }
0x18d: {  	[tilespmem:s6+$0xC0] =	vst v5;
	v5 =	vmul.f32 v7, v3;
	v7 =	vld [tilespmem:s6+$0x130]  }
0x18e: {  	[tilespmem:s6+$0xD0] =	vst v4;
	v4 =	vmul.f32 v10, v3;
	v10 =	vld [tilespmem:s6+$0x140]  }
0x18f: {  	s15 =	sadd.s32 $0x7, s14;
	v3 =	vmov s14;
	[tilespmem:s6+$0xE0] =	vst v5;
	v5 =	vmul.f32 v8, v2;
	v8 =	vld [tilespmem:s6+$0x150]  }
0x190: {  	s16 =	sadd.s32 $0x1, s14;
	s17 =	sadd.s32 $0x2, s14;
	v11 =	vand.u32 $0xFFFFFFF8, v3;
	v3 =	vmov s15;
	[tilespmem:s6+$0xF0] =	vst v4;
	v4 =	vmul.f32 v6, v2;
	v12 =	vld [tilespmem:s6+$0x160]  }
0x191: {  	v14 =	vmov s17;
	v13 =	vmov s16;
	s16 =	sadd.s32 $0x4, s14;
	s15 =	sadd.s32 $0x3, s14;
	[tilespmem:s6+$0x100] =	vst v5;
	v5 =	vmul.f32 v9, v2;
	v9 =	vld [tilespmem:s6+$0x180]  }
0x192: {  	v16 =	vmov s16;
	v15 =	vmov s15;
	s15 =	sadd.s32 $0x5, s14;
	[tilespmem:s6+$0x110] =	vst v4;
	v7 =	vmul.f32 v7, v2;
	v17 =	vld [tilespmem:s6+$0x190]  }
.Ltmp9:
0x193: {  	v4 =	vbroadcast v11, $0x0;
	v11 =	vmov s15;
	[tilespmem:s6+$0x120] =	vst v5;
	v10 =	vmul.f32 v10, v2;
	v6 =	vld [tilespmem:s6+$0x1A0];
	(pc) =	sbr.rel @p0 .LBB2_9-.Ltmp9, $4  }
0x194: {  	v5 =	vand.u32 $0xFFFFFFF9, v13;
	v13 =	vand.u32 $0xFFFFFFFA, v14;
	[tilespmem:s6+$0x130] =	vst v7;
	v14 =	vmul.f32 v8, v2;
	v7 =	vld [tilespmem:s6+$0x1B0]  }
0x195: {  	v18 =	vand.u32 $0xFFFFFFFB, v15;
	v5 =	vbroadcast v5, $0x0;
	[tilespmem:s6+$0x140] =	vst v10;
	v19 =	vmul.f32 v12, v2;
	v8 =	vld [tilespmem:s6+$0x1C0]  }
0x196: {  	v10 =	vbroadcast v13, $0x0;
	v2 =	vand.u32 $0xFFFFFFFC, v16;
	[tilespmem:s6+$0x150] =	vst v14;
	v15 =	vmul.f32 v9, v1;
	v9 =	vld [tilespmem:s6+$0x1D0]  }
0x197: {  	s15 =	sadd.s32 $0x6, s14;
	s14 =	sadd.s32 $0x8, s14;
	v12 =	vbroadcast v18, $0x0;
	v14 =	vand.u32 $0xFFFFFFFD, v11;
	[tilespmem:s6+$0x160] =	vst v19;
	v13 =	vmul.f32 v17, v1;
	v11 =	vld [tilespmem:s6+$0x1E0]  }
.Ltmp10:
0x198: {  	_ = 	snop;
	(pc) =	sbr.rel .LBB2_10-.Ltmp10, $1  }
0x199: {  	_ =	sdelay $0x3  }
.LBB2_14:
0x19a: {  	_ =	sfence.sel $0x180000  }
0x19b: {  	[bflag:$0x0] =	sbarrier.arrive $0xFFFF  }
0x19c: {  	_ =	strace $0x90000047  }
0x19d: {  	s0 =	stileid.u32;
	[bflag:$0x2] =	sbarrier.arrive $0xFFFF  }
0x19e: {  	p0 =	sne.s32 s0, $0x0;
	s0 =	rddreg [dreg:$0x3]  }
0x19f: {  	s0 =	sadd.s32 @!p0 $0x100000, s0  }
0x1a0: {  	[sflag:s0] =	ssyncadd.tile.s32 @!p0 $0x1;
	_ =	shalt  }
.Lfunc_end2:
_tile_overlayer_lowered:
.L_overlay_start_2:
0x1a1: {  	(tag) =	ssettag $0x2  }
0x1a2: {  	s0 =	rddreg [dreg:$0x0];
	s2 =	stileid.u32  }
0x1a3: {  	s1 =	rddreg [dreg:$0x1];
	p0 =	sne.s32 s2, $0x0  }
0x1a4: {  	s3 =	rddreg [dreg:$0x2];
	[bflag:$0x3] =	sbarrier.arrive $0xFFFF;
	s2 =	simm.s32 @!p0 $0x1C02  }
0x1a5: {  	[timem:s3], [sflag:s2] =	dma.local @!p0 [hbm:s0], s1  }
0x1a6: {  	s0 =	simm.s32 @!p0 $0x2  }
0x1a7: {  	_ =	swait.ge @!p0 [sflag:s0], s1  }
0x1a8: {  	s1 =	ssub.s32 @!p0 $0x0, s1;
	[sflag:s0] =	ssyncset.done @!p0 $0x0  }
0x1a9: {  	[sflag:s0] =	ssyncadd.s32 @!p0 s1  }
0x1aa: {  	[bflag:$0x3] =	sbarrier.arrive $0xFFFF  }
0x1ab: {  	_ =	shalt  }

</sc_bundles>
